<compile_context>
chip_gen: v7x
topology: tpu7x:2x2x1
jax: 0.10.2.dev20260603
libtpu: 0.0.44.dev20260713+nightly
codegen_flags: <defaults>
</compile_context>

<pallas_src>
import functools

import jax
import jax.numpy as jnp
from jax import lax
from jax.experimental import pallas as pl
from jax.experimental.pallas import tpu as pltpu
from jax.experimental.pallas import tpu_sc as plsc

MAX_SEQ_LEN = 512
H = 128
B, S = 4, 256
TABLE_ROWS = 2 * MAX_SEQ_LEN + 1

NC, NS, L = 2, 16, 16
NW = NC * NS

UNITS = B * S
UNITS_PER_W = UNITS // NW
CHUNK = 64
NBUF = S // CHUNK


def _proj_body(pe_ss_ref, pe_ee_ref, w_ref, b_ref, pss_ref, pee_ref):
    dn = (((1,), (1,)), ((), ()))
    w1 = w_ref[:, :H]
    w2 = w_ref[:, H:]
    pss_ref[...] = lax.dot_general(
        pe_ss_ref[...], w1, dn, preferred_element_type=jnp.float32)
    pee_ref[...] = lax.dot_general(
        pe_ee_ref[...], w2, dn, preferred_element_type=jnp.float32) + b_ref[...]


def _project(pe_ss, pe_ee, W, b2d):
    return pl.pallas_call(
        _proj_body,
        out_shape=(
            jax.ShapeDtypeStruct((TABLE_ROWS, H), jnp.float32),
            jax.ShapeDtypeStruct((TABLE_ROWS, H), jnp.float32),
        ),
    )(pe_ss, pe_ee, W, b2d)


def _sc_body(pos_s_hbm, pos_e_hbm, pss_hbm, pee_hbm, out_hbm,
             pss_sh, pee_sh, pos_s_v, pos_e_v,
             iss0, iss1, iss2, iss3, iee0, iee1, iee2, iee3,
             rss0, rss1, rss2, rss3, ree0, ree1, ree2, ree3,
             ob0, ob1, ob2, ob3,
             gs0, gs1, gs2, gs3, os0, os1, os2, os3):
    out_buf = [ob0, ob1, ob2, ob3]
    idx_ss = [iss0, iss1, iss2, iss3]
    idx_ee = [iee0, iee1, iee2, iee3]
    rows_ss = [rss0, rss1, rss2, rss3]
    rows_ee = [ree0, ree1, ree2, ree3]
    gsem = [gs0, gs1, gs2, gs3]
    osem = [os0, os1, os2, os3]

    wid = lax.axis_index("s") * NC + lax.axis_index("c")
    b = wid // (NW // B)
    i_base = (wid % (NW // B)) * UNITS_PER_W

    @pl.when(lax.axis_index("s") == 0)
    def _():
        pltpu.sync_copy(pss_hbm, pss_sh)
        pltpu.sync_copy(pee_hbm, pee_sh)

    pltpu.sync_copy(pos_s_hbm.at[b], pos_s_v.at[pl.ds(0, S)])
    pltpu.sync_copy(pos_e_hbm.at[b], pos_e_v.at[pl.ds(0, S)])
    plsc.subcore_barrier()

    def unit_bases(u):
        i = i_base + u
        bs = jnp.full((L,), pos_s_v[pl.ds(i, L)][0] + MAX_SEQ_LEN, jnp.int32)
        be = jnp.full((L,), pos_e_v[pl.ds(i, L)][0] + MAX_SEQ_LEN, jnp.int32)
        return bs, be

    def fill_idx_and_fire(bs, be, jc, bufi):
        for v in range(CHUNK // L):
            off = jc * CHUNK + v * L
            idx_ss[bufi][pl.ds(v * L, L)] = bs - pos_s_v[pl.ds(off, L)]
            idx_ee[bufi][pl.ds(v * L, L)] = be - pos_e_v[pl.ds(off, L)]
        pltpu.async_copy(pss_sh.at[idx_ss[bufi]], rows_ss[bufi], gsem[bufi])

    def wait_gather(bufi):
        pltpu.make_async_copy(
            pss_sh.at[idx_ss[bufi]], rows_ss[bufi], gsem[bufi]).wait()
        pltpu.async_copy(pee_sh.at[idx_ee[bufi]], rows_ss[bufi], gsem[bufi],
                         add=True)
        pltpu.make_async_copy(
            pee_sh.at[idx_ee[bufi]], rows_ss[bufi], gsem[bufi]).wait()

    def wait_out(bufi):
        pltpu.make_async_copy(
            out_buf[bufi], out_hbm.at[pl.ds(0, CHUNK)], osem[bufi]).wait()

    bs0, be0 = unit_bases(0)
    fill_idx_and_fire(bs0, be0, 0, 0)

    def unit_body(u, carry):
        bs, be = unit_bases(u)
        for bufi in range(NBUF):
            nb = (bufi + 1) % NBUF
            if bufi == NBUF - 1:
                wait_out(nb)
            else:
                @pl.when(u > 0)
                def _():
                    wait_out(nb)
            if bufi < NBUF - 1:
                fill_idx_and_fire(bs, be, bufi + 1, nb)
            else:
                @pl.when(u + 1 < UNITS_PER_W)
                def _():
                    nbs, nbe = unit_bases(u + 1)
                    fill_idx_and_fire(nbs, nbe, 0, nb)
            wait_gather(bufi)

            def row_body(r, c2):
                for v in range(H // L):
                    sl = pl.ds(v * L, L)
                    out_buf[bufi][r, sl] = jnp.maximum(
                        rows_ss[bufi][r, sl], 0.0)
                return c2

            lax.fori_loop(0, CHUNK, row_body, 0, unroll=4)
            row_base = (wid * UNITS_PER_W + u) * S + bufi * CHUNK
            pltpu.async_copy(
                out_buf[bufi], out_hbm.at[pl.ds(row_base, CHUNK)], osem[bufi])
        return carry

    lax.fori_loop(0, UNITS_PER_W, unit_body, 0)

    for bufi in range(1, NBUF):
        wait_out(bufi)


def _sc_gather(pos_s, pos_e, proj_ss, proj_ee):
    mesh = plsc.VectorSubcoreMesh(
        core_axis_name="c", subcore_axis_name="s",
        num_cores=NC, num_subcores=NS)
    fn = pl.kernel(
        _sc_body,
        out_type=jax.ShapeDtypeStruct((B * S * S, H), jnp.float32),
        mesh=mesh,
        scratch_types=(
            [pltpu.VMEM_SHARED((TABLE_ROWS, H), jnp.float32)] * 2
            + [pltpu.VMEM((S + L,), jnp.int32)] * 2
            + [pltpu.VMEM((CHUNK,), jnp.int32)] * (2 * NBUF)
            + [pltpu.VMEM((CHUNK, H), jnp.float32)] * (3 * NBUF)
            + [pltpu.SemaphoreType.DMA] * (2 * NBUF)
        ),
    )
    return fn(pos_s, pos_e, proj_ss, proj_ee)


def kernel(pos_s, pos_e, pe_ss, pe_ee, W, b):
    pos_s = pos_s.astype(jnp.int32)
    pos_e = pos_e.astype(jnp.int32)
    proj_ss, proj_ee = _project(pe_ss, pe_ee, W, b.reshape(1, H))
    out = _sc_gather(pos_s, pos_e, proj_ss, proj_ee)
    return out.reshape(B, S, S, H)

# --- scband reference (transcript-rebuilt; emitter-appended) ---
"""Pipeline reference for scband-pos-fusion-embedding-36395552866537 (READ-ONLY COPY).

The authoritative reference and input builder live on the scoring server;
editing this copy changes nothing except your own understanding.
"""

import jax, jax.numpy as jnp
import numpy as np

MAX_SEQ_LEN = 512
HIDDEN = 128
B, S = 4, 256
TABLE_ROWS = 2 * MAX_SEQ_LEN + 1


def setup_inputs(seed: int = 0) -> dict:
    key = jax.random.key(seed)
    k1, k2, k3, k4, k5 = jax.random.split(key, 5)
    pos_s = jax.random.randint(k1, (B, S), 0, MAX_SEQ_LEN, dtype=jnp.int64 if jax.config.jax_enable_x64 else jnp.int32)
    pos_e = jax.random.randint(k2, (B, S), 0, MAX_SEQ_LEN, dtype=jnp.int64 if jax.config.jax_enable_x64 else jnp.int32)
    pe_ss = jax.random.normal(k3, (TABLE_ROWS, HIDDEN), dtype=jnp.float32) * 0.02
    pe_ee = jax.random.normal(k4, (TABLE_ROWS, HIDDEN), dtype=jnp.float32) * 0.02
    kW, kb = jax.random.split(k5)
    W = jax.random.normal(kW, (HIDDEN, 2 * HIDDEN), dtype=jnp.float32) * (1.0 / np.sqrt(2 * HIDDEN))
    b = jnp.zeros((HIDDEN,), dtype=jnp.float32)
    return {"pos_s": pos_s, "pos_e": pos_e, "pe_ss": pe_ss, "pe_ee": pe_ee, "W": W, "b": b}


def reference(pos_s, pos_e, pe_ss, pe_ee, W, b):
    batch = pos_s.shape[0]
    seq = pos_s.shape[1]
    # pairwise relative positions: [B, S, S]
    pos_ss = pos_s[:, :, None] - pos_s[:, None, :]
    pos_ee = pos_e[:, :, None] - pos_e[:, None, :]
    idx_ss = (pos_ss + MAX_SEQ_LEN).reshape(-1)
    idx_ee = (pos_ee + MAX_SEQ_LEN).reshape(-1)
    g_ss = jnp.take(pe_ss, idx_ss, axis=0).reshape(batch, seq, seq, -1)
    g_ee = jnp.take(pe_ee, idx_ee, axis=0).reshape(batch, seq, seq, -1)
    pe_2 = jnp.concatenate([g_ss, g_ee], axis=-1)  # [B, S, S, 2H]
    # nn.Linear(2H -> H) with torch convention y = x @ W.T + b, then ReLU
    rel_pos_embedding = jax.nn.relu(jnp.einsum('bijk,hk->bijh', pe_2, W) + b)
    return rel_pos_embedding

if __name__ == "__main__":
    import jax
    _d = setup_inputs()
    print(jax.jit(kernel)(*tuple(_d.values())))

</pallas_src>

<mosaic_0001>
#map = affine_map<(d0, d1) -> (0, 0)>
module attributes {stable_mosaic.version = 14 : i64} {
  func.func @_sc_body(%arg0: i32, %arg1: i32, %arg2: memref<4x256xi32, #tpu.memory_space<hbm>>, %arg3: memref<4x256xi32, #tpu.memory_space<hbm>>, %arg4: memref<1025x128xf32, #tpu.memory_space<hbm>>, %arg5: memref<1025x128xf32, #tpu.memory_space<hbm>>, %arg6: memref<262144x128xf32, #tpu.memory_space<hbm>>, %arg7: memref<1025x128xf32, #tpu.memory_space<vmem_shared>>, %arg8: memref<1025x128xf32, #tpu.memory_space<vmem_shared>>, %arg9: memref<272xi32, #tpu.memory_space<vmem>>, %arg10: memref<272xi32, #tpu.memory_space<vmem>>, %arg11: memref<64xi32, #tpu.memory_space<vmem>>, %arg12: memref<64xi32, #tpu.memory_space<vmem>>, %arg13: memref<64xi32, #tpu.memory_space<vmem>>, %arg14: memref<64xi32, #tpu.memory_space<vmem>>, %arg15: memref<64xi32, #tpu.memory_space<vmem>>, %arg16: memref<64xi32, #tpu.memory_space<vmem>>, %arg17: memref<64xi32, #tpu.memory_space<vmem>>, %arg18: memref<64xi32, #tpu.memory_space<vmem>>, %arg19: memref<64x128xf32, #tpu.memory_space<vmem>>, %arg20: memref<64x128xf32, #tpu.memory_space<vmem>>, %arg21: memref<64x128xf32, #tpu.memory_space<vmem>>, %arg22: memref<64x128xf32, #tpu.memory_space<vmem>>, %arg23: memref<64x128xf32, #tpu.memory_space<vmem>>, %arg24: memref<64x128xf32, #tpu.memory_space<vmem>>, %arg25: memref<64x128xf32, #tpu.memory_space<vmem>>, %arg26: memref<64x128xf32, #tpu.memory_space<vmem>>, %arg27: memref<64x128xf32, #tpu.memory_space<vmem>>, %arg28: memref<64x128xf32, #tpu.memory_space<vmem>>, %arg29: memref<64x128xf32, #tpu.memory_space<vmem>>, %arg30: memref<64x128xf32, #tpu.memory_space<vmem>>, %arg31: memref<!tpu.dma_semaphore, #tpu.memory_space<semaphore_mem>>, %arg32: memref<!tpu.dma_semaphore, #tpu.memory_space<semaphore_mem>>, %arg33: memref<!tpu.dma_semaphore, #tpu.memory_space<semaphore_mem>>, %arg34: memref<!tpu.dma_semaphore, #tpu.memory_space<semaphore_mem>>, %arg35: memref<!tpu.dma_semaphore, #tpu.memory_space<semaphore_mem>>, %arg36: memref<!tpu.dma_semaphore, #tpu.memory_space<semaphore_mem>>, %arg37: memref<!tpu.dma_semaphore, #tpu.memory_space<semaphore_mem>>, %arg38: memref<!tpu.dma_semaphore, #tpu.memory_space<semaphore_mem>>) attributes {dimension_semantics = [#tpu.dimension_semantics<core_parallel>, #tpu.dimension_semantics<subcore_parallel>], iteration_bounds = array<i64: 2, 16>, scalar_prefetch = 0 : i64, scratch_operands = 32 : i64, tpu.core_type = #tpu.core_type<sc_vector_subcore>, window_params = [{transform_indices = #map}, {transform_indices = #map}, {transform_indices = #map}, {transform_indices = #map}, {transform_indices = #map}]} {
    %mul3A = arith.constant 2 : i32
    %mul3A_0 = arith.muli %arg1, %mul3A : i32
    %add3A = arith.addi %mul3A_0, %arg0 : i32
    %jit3A = arith.constant 8 : i32
    %div3A = arith.divsi %add3A, %jit3A : i32
    %sign3A = arith.constant 0 : i32
    %sign3A_1 = arith.cmpi sgt, %add3A, %sign3A : i32
    %sign3A_2 = arith.extui %sign3A_1 : i1 to i32
    %sign3A_3 = arith.constant 0 : i32
    %sign3A_4 = arith.cmpi slt, %add3A, %sign3A_3 : i32
    %sign3A_5 = arith.extui %sign3A_4 : i1 to i32
    %sign3A_6 = arith.subi %sign3A_2, %sign3A_5 : i32
    %sign3A_7 = arith.constant 0 : i32
    %sign3A_8 = arith.cmpi sgt, %jit3A, %sign3A_7 : i32
    %sign3A_9 = arith.extui %sign3A_8 : i1 to i32
    %sign3A_10 = arith.constant 0 : i32
    %sign3A_11 = arith.cmpi slt, %jit3A, %sign3A_10 : i32
    %sign3A_12 = arith.extui %sign3A_11 : i1 to i32
    %sign3A_13 = arith.subi %sign3A_9, %sign3A_12 : i32
    %ne3A = arith.cmpi ne, %sign3A_6, %sign3A_13 : i32
    %rem3A = arith.remsi %add3A, %jit3A : i32
    %ne3A_14 = arith.constant 0 : i32
    %ne3A_15 = arith.cmpi ne, %rem3A, %ne3A_14 : i32
    %and3A = arith.andi %ne3A, %ne3A_15 : i1
    %sub3A = arith.constant 1 : i32
    %sub3A_16 = arith.subi %div3A, %sub3A : i32
    %select_n3A = arith.select %and3A, %sub3A_16, %div3A : i32
    %jit3A_17 = arith.constant 8 : i32
    %eq3A = arith.constant 0 : i32
    %eq3A_18 = arith.cmpi eq, %jit3A_17, %eq3A : i32
    %jit3A_19 = arith.constant 1 : i32
    %select_n3A_20 = arith.select %eq3A_18, %jit3A_19, %jit3A_17 : i32
    %rem3A_21 = arith.remsi %add3A, %select_n3A_20 : i32
    %ne3A_22 = arith.constant 0 : i32
    %ne3A_23 = arith.cmpi ne, %rem3A_21, %ne3A_22 : i32
    %lt3A = arith.constant 0 : i32
    %lt3A_24 = arith.cmpi slt, %rem3A_21, %lt3A : i32
    %lt3A_25 = arith.constant 0 : i32
    %lt3A_26 = arith.cmpi slt, %select_n3A_20, %lt3A_25 : i32
    %ne3A_27 = arith.xori %lt3A_24, %lt3A_26 : i1
    %and3A_28 = arith.andi %ne3A_27, %ne3A_23 : i1
    %add3A_29 = arith.addi %rem3A_21, %select_n3A_20 : i32
    %select_n3A_30 = arith.select %and3A_28, %add3A_29, %rem3A_21 : i32
    %mul3A_31 = arith.constant 32 : i32
    %mul3A_32 = arith.muli %select_n3A_30, %mul3A_31 : i32
    %eq3A_33 = arith.constant 0 : i32
    %eq3A_34 = arith.cmpi eq, %arg1, %eq3A_33 : i32
    %convert_element_type3A = arith.extui %eq3A_34 : i1 to i32
    %cond3A = arith.constant 0 : i32
    %cond3A_35 = arith.cmpi ne, %convert_element_type3A, %cond3A : i32
    scf.if %cond3A_35 {
      "tpu.region"() ({
        %run_scoped3A = tpu.sem_alloc : memref<!tpu.dma_semaphore, #tpu.memory_space<semaphore_mem>>
        tpu.enqueue_dma source(%arg4 : memref<1025x128xf32, #tpu.memory_space<hbm>>) target(%arg7 : memref<1025x128xf32, #tpu.memory_space<vmem_shared>>) target_semaphore(%run_scoped3A : memref<!tpu.dma_semaphore, #tpu.memory_space<semaphore_mem>>)
        tpu.wait_dma2 semaphore(%run_scoped3A : memref<!tpu.dma_semaphore, #tpu.memory_space<semaphore_mem>>) src(%arg4 : memref<1025x128xf32, #tpu.memory_space<hbm>>) dst(%arg7 : memref<1025x128xf32, #tpu.memory_space<vmem_shared>>)
        tpu.yield
      }) : () -> ()
      "tpu.region"() ({
        %run_scoped3A = tpu.sem_alloc : memref<!tpu.dma_semaphore, #tpu.memory_space<semaphore_mem>>
        tpu.enqueue_dma source(%arg5 : memref<1025x128xf32, #tpu.memory_space<hbm>>) target(%arg8 : memref<1025x128xf32, #tpu.memory_space<vmem_shared>>) target_semaphore(%run_scoped3A : memref<!tpu.dma_semaphore, #tpu.memory_space<semaphore_mem>>)
        tpu.wait_dma2 semaphore(%run_scoped3A : memref<!tpu.dma_semaphore, #tpu.memory_space<semaphore_mem>>) src(%arg5 : memref<1025x128xf32, #tpu.memory_space<hbm>>) dst(%arg8 : memref<1025x128xf32, #tpu.memory_space<vmem_shared>>)
        tpu.yield
      }) : () -> ()
    } else {
    }
    "tpu.region"() ({
      %run_scoped3A = tpu.sem_alloc : memref<!tpu.dma_semaphore, #tpu.memory_space<semaphore_mem>>
      %dma_start3A_137 = arith.constant 0 : i32
      %dma_start3A_138 = tpu.memref_slice %arg9[%dma_start3A_137] : memref<272xi32, #tpu.memory_space<vmem>> -> memref<256xi32, #tpu.memory_space<vmem>>
      %dma_start3A_139 = arith.constant 0 : i32
      %dma_start3A_140 = tpu.memref_slice %arg2[%select_n3A, %dma_start3A_139] : memref<4x256xi32, #tpu.memory_space<hbm>> -> memref<1x256xi32, #tpu.memory_space<hbm>>
      %dma_start3A_141 = tpu.memref_squeeze %dma_start3A_140 : memref<1x256xi32, #tpu.memory_space<hbm>> -> memref<256xi32, #tpu.memory_space<hbm>>
      %dma_start3A_142 = arith.constant 0 : i32
      %dma_start3A_143 = tpu.memref_slice %arg9[%dma_start3A_142] : memref<272xi32, #tpu.memory_space<vmem>> -> memref<256xi32, #tpu.memory_space<vmem>>
      %dma_start3A_144 = arith.constant 0 : i32
      %dma_start3A_145 = tpu.memref_slice %arg2[%select_n3A, %dma_start3A_144] : memref<4x256xi32, #tpu.memory_space<hbm>> -> memref<1x256xi32, #tpu.memory_space<hbm>>
      %dma_start3A_146 = tpu.memref_squeeze %dma_start3A_145 : memref<1x256xi32, #tpu.memory_space<hbm>> -> memref<256xi32, #tpu.memory_space<hbm>>
      tpu.enqueue_dma source(%dma_start3A_146 : memref<256xi32, #tpu.memory_space<hbm>>) target(%dma_start3A_143 : memref<256xi32, #tpu.memory_space<vmem>>) target_semaphore(%run_scoped3A : memref<!tpu.dma_semaphore, #tpu.memory_space<semaphore_mem>>)
      %dma_wait3A_147 = arith.constant 0 : i32
      %dma_wait3A_148 = tpu.memref_slice %arg9[%dma_wait3A_147] : memref<272xi32, #tpu.memory_space<vmem>> -> memref<256xi32, #tpu.memory_space<vmem>>
      %dma_wait3A_149 = arith.constant 0 : i32
      %dma_wait3A_150 = tpu.memref_slice %arg2[%select_n3A, %dma_wait3A_149] : memref<4x256xi32, #tpu.memory_space<hbm>> -> memref<1x256xi32, #tpu.memory_space<hbm>>
      %dma_wait3A_151 = tpu.memref_squeeze %dma_wait3A_150 : memref<1x256xi32, #tpu.memory_space<hbm>> -> memref<256xi32, #tpu.memory_space<hbm>>
      %dma_wait3A_152 = arith.constant 0 : i32
      %dma_wait3A_153 = tpu.memref_slice %arg9[%dma_wait3A_152] : memref<272xi32, #tpu.memory_space<vmem>> -> memref<256xi32, #tpu.memory_space<vmem>>
      %dma_wait3A_154 = arith.constant 0 : i32
      %dma_wait3A_155 = tpu.memref_slice %arg2[%select_n3A, %dma_wait3A_154] : memref<4x256xi32, #tpu.memory_space<hbm>> -> memref<1x256xi32, #tpu.memory_space<hbm>>
      %dma_wait3A_156 = tpu.memref_squeeze %dma_wait3A_155 : memref<1x256xi32, #tpu.memory_space<hbm>> -> memref<256xi32, #tpu.memory_space<hbm>>
      tpu.wait_dma2 semaphore(%run_scoped3A : memref<!tpu.dma_semaphore, #tpu.memory_space<semaphore_mem>>) src(%dma_wait3A_156 : memref<256xi32, #tpu.memory_space<hbm>>) dst(%dma_wait3A_153 : memref<256xi32, #tpu.memory_space<vmem>>)
      tpu.yield
    }) : () -> ()
    "tpu.region"() ({
      %run_scoped3A = tpu.sem_alloc : memref<!tpu.dma_semaphore, #tpu.memory_space<semaphore_mem>>
      %dma_start3A_137 = arith.constant 0 : i32
      %dma_start3A_138 = tpu.memref_slice %arg10[%dma_start3A_137] : memref<272xi32, #tpu.memory_space<vmem>> -> memref<256xi32, #tpu.memory_space<vmem>>
      %dma_start3A_139 = arith.constant 0 : i32
      %dma_start3A_140 = tpu.memref_slice %arg3[%select_n3A, %dma_start3A_139] : memref<4x256xi32, #tpu.memory_space<hbm>> -> memref<1x256xi32, #tpu.memory_space<hbm>>
      %dma_start3A_141 = tpu.memref_squeeze %dma_start3A_140 : memref<1x256xi32, #tpu.memory_space<hbm>> -> memref<256xi32, #tpu.memory_space<hbm>>
      %dma_start3A_142 = arith.constant 0 : i32
      %dma_start3A_143 = tpu.memref_slice %arg10[%dma_start3A_142] : memref<272xi32, #tpu.memory_space<vmem>> -> memref<256xi32, #tpu.memory_space<vmem>>
      %dma_start3A_144 = arith.constant 0 : i32
      %dma_start3A_145 = tpu.memref_slice %arg3[%select_n3A, %dma_start3A_144] : memref<4x256xi32, #tpu.memory_space<hbm>> -> memref<1x256xi32, #tpu.memory_space<hbm>>
      %dma_start3A_146 = tpu.memref_squeeze %dma_start3A_145 : memref<1x256xi32, #tpu.memory_space<hbm>> -> memref<256xi32, #tpu.memory_space<hbm>>
      tpu.enqueue_dma source(%dma_start3A_146 : memref<256xi32, #tpu.memory_space<hbm>>) target(%dma_start3A_143 : memref<256xi32, #tpu.memory_space<vmem>>) target_semaphore(%run_scoped3A : memref<!tpu.dma_semaphore, #tpu.memory_space<semaphore_mem>>)
      %dma_wait3A_147 = arith.constant 0 : i32
      %dma_wait3A_148 = tpu.memref_slice %arg10[%dma_wait3A_147] : memref<272xi32, #tpu.memory_space<vmem>> -> memref<256xi32, #tpu.memory_space<vmem>>
      %dma_wait3A_149 = arith.constant 0 : i32
      %dma_wait3A_150 = tpu.memref_slice %arg3[%select_n3A, %dma_wait3A_149] : memref<4x256xi32, #tpu.memory_space<hbm>> -> memref<1x256xi32, #tpu.memory_space<hbm>>
      %dma_wait3A_151 = tpu.memref_squeeze %dma_wait3A_150 : memref<1x256xi32, #tpu.memory_space<hbm>> -> memref<256xi32, #tpu.memory_space<hbm>>
      %dma_wait3A_152 = arith.constant 0 : i32
      %dma_wait3A_153 = tpu.memref_slice %arg10[%dma_wait3A_152] : memref<272xi32, #tpu.memory_space<vmem>> -> memref<256xi32, #tpu.memory_space<vmem>>
      %dma_wait3A_154 = arith.constant 0 : i32
      %dma_wait3A_155 = tpu.memref_slice %arg3[%select_n3A, %dma_wait3A_154] : memref<4x256xi32, #tpu.memory_space<hbm>> -> memref<1x256xi32, #tpu.memory_space<hbm>>
      %dma_wait3A_156 = tpu.memref_squeeze %dma_wait3A_155 : memref<1x256xi32, #tpu.memory_space<hbm>> -> memref<256xi32, #tpu.memory_space<hbm>>
      tpu.wait_dma2 semaphore(%run_scoped3A : memref<!tpu.dma_semaphore, #tpu.memory_space<semaphore_mem>>) src(%dma_wait3A_156 : memref<256xi32, #tpu.memory_space<hbm>>) dst(%dma_wait3A_153 : memref<256xi32, #tpu.memory_space<vmem>>)
      tpu.yield
    }) : () -> ()
    %barrier3A = arith.constant 0 : index
    tpu.barrier barrier_id(%barrier3A)
    %add3A_36 = arith.constant 0 : i32
    %add3A_37 = arith.addi %mul3A_32, %add3A_36 : i32
    %get3A = arith.index_cast %add3A_37 : i32 to index
    %get3A_38 = tpu.vector_load %arg9[%get3A] {strides = array<i32>} : memref<272xi32, #tpu.memory_space<vmem>>, vector<16xi32>,
    %get3A_39 = vector.shape_cast %get3A_38 : vector<16xi32> to vector<16xi32>
    %slice3A = vector.extract_strided_slice %get3A_39 {offsets = [0], sizes = [1], strides = [1]} : vector<16xi32> to vector<1xi32>
    %squeeze3A = vector.extract %slice3A[0] : i32 from vector<1xi32>
    %add3A_40 = arith.constant 512 : i32
    %add3A_41 = arith.addi %squeeze3A, %add3A_40 : i32
    %broadcast_in_dim3A = vector.broadcast %add3A_41 : i32 to vector<16xi32>
    %get3A_42 = arith.index_cast %add3A_37 : i32 to index
    %get3A_43 = tpu.vector_load %arg10[%get3A_42] {strides = array<i32>} : memref<272xi32, #tpu.memory_space<vmem>>, vector<16xi32>,
    %get3A_44 = vector.shape_cast %get3A_43 : vector<16xi32> to vector<16xi32>
    %slice3A_45 = vector.extract_strided_slice %get3A_44 {offsets = [0], sizes = [1], strides = [1]} : vector<16xi32> to vector<1xi32>
    %squeeze3A_46 = vector.extract %slice3A_45[0] : i32 from vector<1xi32>
    %add3A_47 = arith.constant 512 : i32
    %add3A_48 = arith.addi %squeeze3A_46, %add3A_47 : i32
    %broadcast_in_dim3A_49 = vector.broadcast %add3A_48 : i32 to vector<16xi32>
    %get3A_50 = arith.constant 0 : index
    %get3A_51 = tpu.vector_load %arg9[%get3A_50] {strides = array<i32>} : memref<272xi32, #tpu.memory_space<vmem>>, vector<16xi32>,
    %get3A_52 = vector.shape_cast %get3A_51 : vector<16xi32> to vector<16xi32>
    %sub3A_53 = arith.subi %broadcast_in_dim3A, %get3A_52 : vector<16xi32>
    %swap3A = arith.constant 0 : index
    %swap3A_54 = tpu.vector_load %arg11[%swap3A] {strides = array<i32>} : memref<64xi32, #tpu.memory_space<vmem>>, vector<16xi32>,
    %swap3A_55 = vector.shape_cast %swap3A_54 : vector<16xi32> to vector<16xi32>
    %swap3A_56 = vector.shape_cast %sub3A_53 : vector<16xi32> to vector<16xi32>
    tpu.vector_store %arg11[%swap3A], %swap3A_56 {strides = array<i32>} : memref<64xi32, #tpu.memory_space<vmem>>, vector<16xi32>,
    %get3A_57 = arith.constant 0 : index
    %get3A_58 = tpu.vector_load %arg10[%get3A_57] {strides = array<i32>} : memref<272xi32, #tpu.memory_space<vmem>>, vector<16xi32>,
    %get3A_59 = vector.shape_cast %get3A_58 : vector<16xi32> to vector<16xi32>
    %sub3A_60 = arith.subi %broadcast_in_dim3A_49, %get3A_59 : vector<16xi32>
    %swap3A_61 = arith.constant 0 : index
    %swap3A_62 = tpu.vector_load %arg15[%swap3A_61] {strides = array<i32>} : memref<64xi32, #tpu.memory_space<vmem>>, vector<16xi32>,
    %swap3A_63 = vector.shape_cast %swap3A_62 : vector<16xi32> to vector<16xi32>
    %swap3A_64 = vector.shape_cast %sub3A_60 : vector<16xi32> to vector<16xi32>
    tpu.vector_store %arg15[%swap3A_61], %swap3A_64 {strides = array<i32>} : memref<64xi32, #tpu.memory_space<vmem>>, vector<16xi32>,
    %get3A_65 = arith.constant 16 : index
    %get3A_66 = tpu.vector_load %arg9[%get3A_65] {strides = array<i32>} : memref<272xi32, #tpu.memory_space<vmem>>, vector<16xi32>,
    %get3A_67 = vector.shape_cast %get3A_66 : vector<16xi32> to vector<16xi32>
    %sub3A_68 = arith.subi %broadcast_in_dim3A, %get3A_67 : vector<16xi32>
    %swap3A_69 = arith.constant 16 : index
    %swap3A_70 = tpu.vector_load %arg11[%swap3A_69] {strides = array<i32>} : memref<64xi32, #tpu.memory_space<vmem>>, vector<16xi32>,
    %swap3A_71 = vector.shape_cast %swap3A_70 : vector<16xi32> to vector<16xi32>
    %swap3A_72 = vector.shape_cast %sub3A_68 : vector<16xi32> to vector<16xi32>
    tpu.vector_store %arg11[%swap3A_69], %swap3A_72 {strides = array<i32>} : memref<64xi32, #tpu.memory_space<vmem>>, vector<16xi32>,
    %get3A_73 = arith.constant 16 : index
    %get3A_74 = tpu.vector_load %arg10[%get3A_73] {strides = array<i32>} : memref<272xi32, #tpu.memory_space<vmem>>, vector<16xi32>,
    %get3A_75 = vector.shape_cast %get3A_74 : vector<16xi32> to vector<16xi32>
    %sub3A_76 = arith.subi %broadcast_in_dim3A_49, %get3A_75 : vector<16xi32>
    %swap3A_77 = arith.constant 16 : index
    %swap3A_78 = tpu.vector_load %arg15[%swap3A_77] {strides = array<i32>} : memref<64xi32, #tpu.memory_space<vmem>>, vector<16xi32>,
    %swap3A_79 = vector.shape_cast %swap3A_78 : vector<16xi32> to vector<16xi32>
    %swap3A_80 = vector.shape_cast %sub3A_76 : vector<16xi32> to vector<16xi32>
    tpu.vector_store %arg15[%swap3A_77], %swap3A_80 {strides = array<i32>} : memref<64xi32, #tpu.memory_space<vmem>>, vector<16xi32>,
    %get3A_81 = arith.constant 32 : index
    %get3A_82 = tpu.vector_load %arg9[%get3A_81] {strides = array<i32>} : memref<272xi32, #tpu.memory_space<vmem>>, vector<16xi32>,
    %get3A_83 = vector.shape_cast %get3A_82 : vector<16xi32> to vector<16xi32>
    %sub3A_84 = arith.subi %broadcast_in_dim3A, %get3A_83 : vector<16xi32>
    %swap3A_85 = arith.constant 32 : index
    %swap3A_86 = tpu.vector_load %arg11[%swap3A_85] {strides = array<i32>} : memref<64xi32, #tpu.memory_space<vmem>>, vector<16xi32>,
    %swap3A_87 = vector.shape_cast %swap3A_86 : vector<16xi32> to vector<16xi32>
    %swap3A_88 = vector.shape_cast %sub3A_84 : vector<16xi32> to vector<16xi32>
    tpu.vector_store %arg11[%swap3A_85], %swap3A_88 {strides = array<i32>} : memref<64xi32, #tpu.memory_space<vmem>>, vector<16xi32>,
    %get3A_89 = arith.constant 32 : index
    %get3A_90 = tpu.vector_load %arg10[%get3A_89] {strides = array<i32>} : memref<272xi32, #tpu.memory_space<vmem>>, vector<16xi32>,
    %get3A_91 = vector.shape_cast %get3A_90 : vector<16xi32> to vector<16xi32>
    %sub3A_92 = arith.subi %broadcast_in_dim3A_49, %get3A_91 : vector<16xi32>
    %swap3A_93 = arith.constant 32 : index
    %swap3A_94 = tpu.vector_load %arg15[%swap3A_93] {strides = array<i32>} : memref<64xi32, #tpu.memory_space<vmem>>, vector<16xi32>,
    %swap3A_95 = vector.shape_cast %swap3A_94 : vector<16xi32> to vector<16xi32>
    %swap3A_96 = vector.shape_cast %sub3A_92 : vector<16xi32> to vector<16xi32>
    tpu.vector_store %arg15[%swap3A_93], %swap3A_96 {strides = array<i32>} : memref<64xi32, #tpu.memory_space<vmem>>, vector<16xi32>,
    %get3A_97 = arith.constant 48 : index
    %get3A_98 = tpu.vector_load %arg9[%get3A_97] {strides = array<i32>} : memref<272xi32, #tpu.memory_space<vmem>>, vector<16xi32>,
    %get3A_99 = vector.shape_cast %get3A_98 : vector<16xi32> to vector<16xi32>
    %sub3A_100 = arith.subi %broadcast_in_dim3A, %get3A_99 : vector<16xi32>
    %swap3A_101 = arith.constant 48 : index
    %swap3A_102 = tpu.vector_load %arg11[%swap3A_101] {strides = array<i32>} : memref<64xi32, #tpu.memory_space<vmem>>, vector<16xi32>,
    %swap3A_103 = vector.shape_cast %swap3A_102 : vector<16xi32> to vector<16xi32>
    %swap3A_104 = vector.shape_cast %sub3A_100 : vector<16xi32> to vector<16xi32>
    tpu.vector_store %arg11[%swap3A_101], %swap3A_104 {strides = array<i32>} : memref<64xi32, #tpu.memory_space<vmem>>, vector<16xi32>,
    %get3A_105 = arith.constant 48 : index
    %get3A_106 = tpu.vector_load %arg10[%get3A_105] {strides = array<i32>} : memref<272xi32, #tpu.memory_space<vmem>>, vector<16xi32>,
    %get3A_107 = vector.shape_cast %get3A_106 : vector<16xi32> to vector<16xi32>
    %sub3A_108 = arith.subi %broadcast_in_dim3A_49, %get3A_107 : vector<16xi32>
    %swap3A_109 = arith.constant 48 : index
    %swap3A_110 = tpu.vector_load %arg15[%swap3A_109] {strides = array<i32>} : memref<64xi32, #tpu.memory_space<vmem>>, vector<16xi32>,
    %swap3A_111 = vector.shape_cast %swap3A_110 : vector<16xi32> to vector<16xi32>
    %swap3A_112 = vector.shape_cast %sub3A_108 : vector<16xi32> to vector<16xi32>
    tpu.vector_store %arg15[%swap3A_109], %swap3A_112 {strides = array<i32>} : memref<64xi32, #tpu.memory_space<vmem>>, vector<16xi32>,
    %dma_start3A = arith.constant 0 : i32
    %dma_start3A_113 = arith.constant 0 : i32
    %dma_start3A_114 = tpu.memref_slice %arg7[%dma_start3A, %dma_start3A_113] : memref<1025x128xf32, #tpu.memory_space<vmem_shared>> -> memref<1025x128xf32, #tpu.memory_space<vmem_shared>>
    tpu.enqueue_indirect_dma source(%dma_start3A_114 : memref<1025x128xf32, #tpu.memory_space<vmem_shared>>) target(%arg19 : memref<64x128xf32, #tpu.memory_space<vmem>>) offsets(%arg11 : memref<64xi32, #tpu.memory_space<vmem>>) semaphore(%arg31 : memref<!tpu.dma_semaphore, #tpu.memory_space<semaphore_mem>>)
    %scan3A = arith.constant 0 : i32
    %scan3A_115 = arith.constant 0 : i32
    %scan3A_116 = arith.constant 32 : i32
    %scan3A_117 = arith.addi %scan3A_115, %scan3A_116 : i32
    %scan3A_118 = arith.constant 1 : i32
    scf.for %scan3A_137 = %scan3A_115 to %scan3A_117 step %scan3A_118  : i32 {
      %add3A_138 = arith.addi %mul3A_32, %scan3A_137 : i32
      %get3A_139 = arith.index_cast %add3A_138 : i32 to index
      %get3A_140 = tpu.vector_load %arg9[%get3A_139] {strides = array<i32>} : memref<272xi32, #tpu.memory_space<vmem>>, vector<16xi32>,
      %get3A_141 = vector.shape_cast %get3A_140 : vector<16xi32> to vector<16xi32>
      %slice3A_142 = vector.extract_strided_slice %get3A_141 {offsets = [0], sizes = [1], strides = [1]} : vector<16xi32> to vector<1xi32>
      %squeeze3A_143 = vector.extract %slice3A_142[0] : i32 from vector<1xi32>
      %add3A_144 = arith.constant 512 : i32
      %add3A_145 = arith.addi %squeeze3A_143, %add3A_144 : i32
      %broadcast_in_dim3A_146 = vector.broadcast %add3A_145 : i32 to vector<16xi32>
      %get3A_147 = arith.index_cast %add3A_138 : i32 to index
      %get3A_148 = tpu.vector_load %arg10[%get3A_147] {strides = array<i32>} : memref<272xi32, #tpu.memory_space<vmem>>, vector<16xi32>,
      %get3A_149 = vector.shape_cast %get3A_148 : vector<16xi32> to vector<16xi32>
      %slice3A_150 = vector.extract_strided_slice %get3A_149 {offsets = [0], sizes = [1], strides = [1]} : vector<16xi32> to vector<1xi32>
      %squeeze3A_151 = vector.extract %slice3A_150[0] : i32 from vector<1xi32>
      %add3A_152 = arith.constant 512 : i32
      %add3A_153 = arith.addi %squeeze3A_151, %add3A_152 : i32
      %broadcast_in_dim3A_154 = vector.broadcast %add3A_153 : i32 to vector<16xi32>
      %gt3A = arith.constant 0 : i32
      %gt3A_155 = arith.cmpi sgt, %scan3A_137, %gt3A : i32
      %convert_element_type3A_156 = arith.extui %gt3A_155 : i1 to i32
      %cond3A_157 = arith.constant 0 : i32
      %cond3A_158 = arith.cmpi ne, %convert_element_type3A_156, %cond3A_157 : i32
      scf.if %cond3A_158 {
        %dma_wait3A_487 = arith.constant 0 : i32
        %dma_wait3A_488 = arith.constant 0 : i32
        %dma_wait3A_489 = tpu.memref_slice %arg6[%dma_wait3A_487, %dma_wait3A_488] : memref<262144x128xf32, #tpu.memory_space<hbm>> -> memref<64x128xf32, #tpu.memory_space<hbm>>
        %dma_wait3A_490 = arith.constant 0 : i32
        %dma_wait3A_491 = arith.constant 0 : i32
        %dma_wait3A_492 = tpu.memref_slice %arg6[%dma_wait3A_490, %dma_wait3A_491] : memref<262144x128xf32, #tpu.memory_space<hbm>> -> memref<64x128xf32, #tpu.memory_space<hbm>>
        tpu.wait_dma2 semaphore(%arg36 : memref<!tpu.dma_semaphore, #tpu.memory_space<semaphore_mem>>) src(%arg28 : memref<64x128xf32, #tpu.memory_space<vmem>>) dst(%dma_wait3A_492 : memref<64x128xf32, #tpu.memory_space<hbm>>)
      } else {
      }
      %get3A_159 = arith.constant 64 : index
      %get3A_160 = tpu.vector_load %arg9[%get3A_159] {strides = array<i32>} : memref<272xi32, #tpu.memory_space<vmem>>, vector<16xi32>,
      %get3A_161 = vector.shape_cast %get3A_160 : vector<16xi32> to vector<16xi32>
      %sub3A_162 = arith.subi %broadcast_in_dim3A_146, %get3A_161 : vector<16xi32>
      %swap3A_163 = arith.constant 0 : index
      %swap3A_164 = tpu.vector_load %arg12[%swap3A_163] {strides = array<i32>} : memref<64xi32, #tpu.memory_space<vmem>>, vector<16xi32>,
      %swap3A_165 = vector.shape_cast %swap3A_164 : vector<16xi32> to vector<16xi32>
      %swap3A_166 = vector.shape_cast %sub3A_162 : vector<16xi32> to vector<16xi32>
      tpu.vector_store %arg12[%swap3A_163], %swap3A_166 {strides = array<i32>} : memref<64xi32, #tpu.memory_space<vmem>>, vector<16xi32>,
      %get3A_167 = arith.constant 64 : index
      %get3A_168 = tpu.vector_load %arg10[%get3A_167] {strides = array<i32>} : memref<272xi32, #tpu.memory_space<vmem>>, vector<16xi32>,
      %get3A_169 = vector.shape_cast %get3A_168 : vector<16xi32> to vector<16xi32>
      %sub3A_170 = arith.subi %broadcast_in_dim3A_154, %get3A_169 : vector<16xi32>
      %swap3A_171 = arith.constant 0 : index
      %swap3A_172 = tpu.vector_load %arg16[%swap3A_171] {strides = array<i32>} : memref<64xi32, #tpu.memory_space<vmem>>, vector<16xi32>,
      %swap3A_173 = vector.shape_cast %swap3A_172 : vector<16xi32> to vector<16xi32>
      %swap3A_174 = vector.shape_cast %sub3A_170 : vector<16xi32> to vector<16xi32>
      tpu.vector_store %arg16[%swap3A_171], %swap3A_174 {strides = array<i32>} : memref<64xi32, #tpu.memory_space<vmem>>, vector<16xi32>,
      %get3A_175 = arith.constant 80 : index
      %get3A_176 = tpu.vector_load %arg9[%get3A_175] {strides = array<i32>} : memref<272xi32, #tpu.memory_space<vmem>>, vector<16xi32>,
      %get3A_177 = vector.shape_cast %get3A_176 : vector<16xi32> to vector<16xi32>
      %sub3A_178 = arith.subi %broadcast_in_dim3A_146, %get3A_177 : vector<16xi32>
      %swap3A_179 = arith.constant 16 : index
      %swap3A_180 = tpu.vector_load %arg12[%swap3A_179] {strides = array<i32>} : memref<64xi32, #tpu.memory_space<vmem>>, vector<16xi32>,
      %swap3A_181 = vector.shape_cast %swap3A_180 : vector<16xi32> to vector<16xi32>
      %swap3A_182 = vector.shape_cast %sub3A_178 : vector<16xi32> to vector<16xi32>
      tpu.vector_store %arg12[%swap3A_179], %swap3A_182 {strides = array<i32>} : memref<64xi32, #tpu.memory_space<vmem>>, vector<16xi32>,
      %get3A_183 = arith.constant 80 : index
      %get3A_184 = tpu.vector_load %arg10[%get3A_183] {strides = array<i32>} : memref<272xi32, #tpu.memory_space<vmem>>, vector<16xi32>,
      %get3A_185 = vector.shape_cast %get3A_184 : vector<16xi32> to vector<16xi32>
      %sub3A_186 = arith.subi %broadcast_in_dim3A_154, %get3A_185 : vector<16xi32>
      %swap3A_187 = arith.constant 16 : index
      %swap3A_188 = tpu.vector_load %arg16[%swap3A_187] {strides = array<i32>} : memref<64xi32, #tpu.memory_space<vmem>>, vector<16xi32>,
      %swap3A_189 = vector.shape_cast %swap3A_188 : vector<16xi32> to vector<16xi32>
      %swap3A_190 = vector.shape_cast %sub3A_186 : vector<16xi32> to vector<16xi32>
      tpu.vector_store %arg16[%swap3A_187], %swap3A_190 {strides = array<i32>} : memref<64xi32, #tpu.memory_space<vmem>>, vector<16xi32>,
      %get3A_191 = arith.constant 96 : index
      %get3A_192 = tpu.vector_load %arg9[%get3A_191] {strides = array<i32>} : memref<272xi32, #tpu.memory_space<vmem>>, vector<16xi32>,
      %get3A_193 = vector.shape_cast %get3A_192 : vector<16xi32> to vector<16xi32>
      %sub3A_194 = arith.subi %broadcast_in_dim3A_146, %get3A_193 : vector<16xi32>
      %swap3A_195 = arith.constant 32 : index
      %swap3A_196 = tpu.vector_load %arg12[%swap3A_195] {strides = array<i32>} : memref<64xi32, #tpu.memory_space<vmem>>, vector<16xi32>,
      %swap3A_197 = vector.shape_cast %swap3A_196 : vector<16xi32> to vector<16xi32>
      %swap3A_198 = vector.shape_cast %sub3A_194 : vector<16xi32> to vector<16xi32>
      tpu.vector_store %arg12[%swap3A_195], %swap3A_198 {strides = array<i32>} : memref<64xi32, #tpu.memory_space<vmem>>, vector<16xi32>,
      %get3A_199 = arith.constant 96 : index
      %get3A_200 = tpu.vector_load %arg10[%get3A_199] {strides = array<i32>} : memref<272xi32, #tpu.memory_space<vmem>>, vector<16xi32>,
      %get3A_201 = vector.shape_cast %get3A_200 : vector<16xi32> to vector<16xi32>
      %sub3A_202 = arith.subi %broadcast_in_dim3A_154, %get3A_201 : vector<16xi32>
      %swap3A_203 = arith.constant 32 : index
      %swap3A_204 = tpu.vector_load %arg16[%swap3A_203] {strides = array<i32>} : memref<64xi32, #tpu.memory_space<vmem>>, vector<16xi32>,
      %swap3A_205 = vector.shape_cast %swap3A_204 : vector<16xi32> to vector<16xi32>
      %swap3A_206 = vector.shape_cast %sub3A_202 : vector<16xi32> to vector<16xi32>
      tpu.vector_store %arg16[%swap3A_203], %swap3A_206 {strides = array<i32>} : memref<64xi32, #tpu.memory_space<vmem>>, vector<16xi32>,
      %get3A_207 = arith.constant 112 : index
      %get3A_208 = tpu.vector_load %arg9[%get3A_207] {strides = array<i32>} : memref<272xi32, #tpu.memory_space<vmem>>, vector<16xi32>,
      %get3A_209 = vector.shape_cast %get3A_208 : vector<16xi32> to vector<16xi32>
      %sub3A_210 = arith.subi %broadcast_in_dim3A_146, %get3A_209 : vector<16xi32>
      %swap3A_211 = arith.constant 48 : index
      %swap3A_212 = tpu.vector_load %arg12[%swap3A_211] {strides = array<i32>} : memref<64xi32, #tpu.memory_space<vmem>>, vector<16xi32>,
      %swap3A_213 = vector.shape_cast %swap3A_212 : vector<16xi32> to vector<16xi32>
      %swap3A_214 = vector.shape_cast %sub3A_210 : vector<16xi32> to vector<16xi32>
      tpu.vector_store %arg12[%swap3A_211], %swap3A_214 {strides = array<i32>} : memref<64xi32, #tpu.memory_space<vmem>>, vector<16xi32>,
      %get3A_215 = arith.constant 112 : index
      %get3A_216 = tpu.vector_load %arg10[%get3A_215] {strides = array<i32>} : memref<272xi32, #tpu.memory_space<vmem>>, vector<16xi32>,
      %get3A_217 = vector.shape_cast %get3A_216 : vector<16xi32> to vector<16xi32>
      %sub3A_218 = arith.subi %broadcast_in_dim3A_154, %get3A_217 : vector<16xi32>
      %swap3A_219 = arith.constant 48 : index
      %swap3A_220 = tpu.vector_load %arg16[%swap3A_219] {strides = array<i32>} : memref<64xi32, #tpu.memory_space<vmem>>, vector<16xi32>,
      %swap3A_221 = vector.shape_cast %swap3A_220 : vector<16xi32> to vector<16xi32>
      %swap3A_222 = vector.shape_cast %sub3A_218 : vector<16xi32> to vector<16xi32>
      tpu.vector_store %arg16[%swap3A_219], %swap3A_222 {strides = array<i32>} : memref<64xi32, #tpu.memory_space<vmem>>, vector<16xi32>,
      %dma_start3A_223 = arith.constant 0 : i32
      %dma_start3A_224 = arith.constant 0 : i32
      %dma_start3A_225 = tpu.memref_slice %arg7[%dma_start3A_223, %dma_start3A_224] : memref<1025x128xf32, #tpu.memory_space<vmem_shared>> -> memref<1025x128xf32, #tpu.memory_space<vmem_shared>>
      tpu.enqueue_indirect_dma source(%dma_start3A_225 : memref<1025x128xf32, #tpu.memory_space<vmem_shared>>) target(%arg20 : memref<64x128xf32, #tpu.memory_space<vmem>>) offsets(%arg12 : memref<64xi32, #tpu.memory_space<vmem>>) semaphore(%arg32 : memref<!tpu.dma_semaphore, #tpu.memory_space<semaphore_mem>>)
      %dma_wait3A_226 = arith.constant 0 : i32
      %dma_wait3A_227 = arith.constant 0 : i32
      %dma_wait3A_228 = tpu.memref_slice %arg7[%dma_wait3A_226, %dma_wait3A_227] : memref<1025x128xf32, #tpu.memory_space<vmem_shared>> -> memref<1025x128xf32, #tpu.memory_space<vmem_shared>>
      tpu.wait_indirect_dma semaphore(%arg31 : memref<!tpu.dma_semaphore, #tpu.memory_space<semaphore_mem>>) src(%dma_wait3A_228 : memref<1025x128xf32, #tpu.memory_space<vmem_shared>>) dst(%arg19 : memref<64x128xf32, #tpu.memory_space<vmem>>)
      %dma_start3A_229 = arith.constant 0 : i32
      %dma_start3A_230 = arith.constant 0 : i32
      %dma_start3A_231 = tpu.memref_slice %arg8[%dma_start3A_229, %dma_start3A_230] : memref<1025x128xf32, #tpu.memory_space<vmem_shared>> -> memref<1025x128xf32, #tpu.memory_space<vmem_shared>>
      tpu.enqueue_indirect_dma source(%dma_start3A_231 : memref<1025x128xf32, #tpu.memory_space<vmem_shared>>) target(%arg19 : memref<64x128xf32, #tpu.memory_space<vmem>>) offsets(%arg15 : memref<64xi32, #tpu.memory_space<vmem>>) semaphore(%arg31 : memref<!tpu.dma_semaphore, #tpu.memory_space<semaphore_mem>>) {add = true}
      %dma_wait3A_232 = arith.constant 0 : i32
      %dma_wait3A_233 = arith.constant 0 : i32
      %dma_wait3A_234 = tpu.memref_slice %arg8[%dma_wait3A_232, %dma_wait3A_233] : memref<1025x128xf32, #tpu.memory_space<vmem_shared>> -> memref<1025x128xf32, #tpu.memory_space<vmem_shared>>
      tpu.wait_indirect_dma semaphore(%arg31 : memref<!tpu.dma_semaphore, #tpu.memory_space<semaphore_mem>>) src(%dma_wait3A_234 : memref<1025x128xf32, #tpu.memory_space<vmem_shared>>) dst(%arg19 : memref<64x128xf32, #tpu.memory_space<vmem>>)
      %scan3A_235 = arith.constant 0 : i32
      %scan3A_236 = arith.constant 0 : i32
      %scan3A_237 = arith.constant 64 : i32
      %scan3A_238 = arith.addi %scan3A_236, %scan3A_237 : i32
      %scan3A_239 = arith.constant 4 : i32
      scf.for %scan3A_487 = %scan3A_236 to %scan3A_238 step %scan3A_239  : i32 {
        %get3A_488 = arith.index_cast %scan3A_487 : i32 to index
        %get3A_489 = arith.constant 0 : index
        %get3A_490 = tpu.vector_load %arg19[%get3A_488, %get3A_489] {strides = array<i32>} : memref<64x128xf32, #tpu.memory_space<vmem>>, vector<1x16xf32>,
        %get3A_491 = vector.shape_cast %get3A_490 : vector<1x16xf32> to vector<16xf32>
        %max3A = arith.constant 0.000000e+00 : f32
        %max3A_492 = vector.broadcast %max3A : f32 to vector<16xf32>
        %max3A_493 = arith.maximumf %get3A_491, %max3A_492 : vector<16xf32>
        %swap3A_494 = arith.index_cast %scan3A_487 : i32 to index
        %swap3A_495 = arith.constant 0 : index
        %swap3A_496 = tpu.vector_load %arg27[%swap3A_494, %swap3A_495] {strides = array<i32>} : memref<64x128xf32, #tpu.memory_space<vmem>>, vector<1x16xf32>,
        %swap3A_497 = vector.shape_cast %swap3A_496 : vector<1x16xf32> to vector<16xf32>
        %swap3A_498 = vector.shape_cast %max3A_493 : vector<16xf32> to vector<1x16xf32>
        tpu.vector_store %arg27[%swap3A_494, %swap3A_495], %swap3A_498 {strides = array<i32>} : memref<64x128xf32, #tpu.memory_space<vmem>>, vector<1x16xf32>,
        %get3A_499 = arith.index_cast %scan3A_487 : i32 to index
        %get3A_500 = arith.constant 16 : index
        %get3A_501 = tpu.vector_load %arg19[%get3A_499, %get3A_500] {strides = array<i32>} : memref<64x128xf32, #tpu.memory_space<vmem>>, vector<1x16xf32>,
        %get3A_502 = vector.shape_cast %get3A_501 : vector<1x16xf32> to vector<16xf32>
        %max3A_503 = arith.constant 0.000000e+00 : f32
        %max3A_504 = vector.broadcast %max3A_503 : f32 to vector<16xf32>
        %max3A_505 = arith.maximumf %get3A_502, %max3A_504 : vector<16xf32>
        %swap3A_506 = arith.index_cast %scan3A_487 : i32 to index
        %swap3A_507 = arith.constant 16 : index
        %swap3A_508 = tpu.vector_load %arg27[%swap3A_506, %swap3A_507] {strides = array<i32>} : memref<64x128xf32, #tpu.memory_space<vmem>>, vector<1x16xf32>,
        %swap3A_509 = vector.shape_cast %swap3A_508 : vector<1x16xf32> to vector<16xf32>
        %swap3A_510 = vector.shape_cast %max3A_505 : vector<16xf32> to vector<1x16xf32>
        tpu.vector_store %arg27[%swap3A_506, %swap3A_507], %swap3A_510 {strides = array<i32>} : memref<64x128xf32, #tpu.memory_space<vmem>>, vector<1x16xf32>,
        %get3A_511 = arith.index_cast %scan3A_487 : i32 to index
        %get3A_512 = arith.constant 32 : index
        %get3A_513 = tpu.vector_load %arg19[%get3A_511, %get3A_512] {strides = array<i32>} : memref<64x128xf32, #tpu.memory_space<vmem>>, vector<1x16xf32>,
        %get3A_514 = vector.shape_cast %get3A_513 : vector<1x16xf32> to vector<16xf32>
        %max3A_515 = arith.constant 0.000000e+00 : f32
        %max3A_516 = vector.broadcast %max3A_515 : f32 to vector<16xf32>
        %max3A_517 = arith.maximumf %get3A_514, %max3A_516 : vector<16xf32>
        %swap3A_518 = arith.index_cast %scan3A_487 : i32 to index
        %swap3A_519 = arith.constant 32 : index
        %swap3A_520 = tpu.vector_load %arg27[%swap3A_518, %swap3A_519] {strides = array<i32>} : memref<64x128xf32, #tpu.memory_space<vmem>>, vector<1x16xf32>,
        %swap3A_521 = vector.shape_cast %swap3A_520 : vector<1x16xf32> to vector<16xf32>
        %swap3A_522 = vector.shape_cast %max3A_517 : vector<16xf32> to vector<1x16xf32>
        tpu.vector_store %arg27[%swap3A_518, %swap3A_519], %swap3A_522 {strides = array<i32>} : memref<64x128xf32, #tpu.memory_space<vmem>>, vector<1x16xf32>,
        %get3A_523 = arith.index_cast %scan3A_487 : i32 to index
        %get3A_524 = arith.constant 48 : index
        %get3A_525 = tpu.vector_load %arg19[%get3A_523, %get3A_524] {strides = array<i32>} : memref<64x128xf32, #tpu.memory_space<vmem>>, vector<1x16xf32>,
        %get3A_526 = vector.shape_cast %get3A_525 : vector<1x16xf32> to vector<16xf32>
        %max3A_527 = arith.constant 0.000000e+00 : f32
        %max3A_528 = vector.broadcast %max3A_527 : f32 to vector<16xf32>
        %max3A_529 = arith.maximumf %get3A_526, %max3A_528 : vector<16xf32>
        %swap3A_530 = arith.index_cast %scan3A_487 : i32 to index
        %swap3A_531 = arith.constant 48 : index
        %swap3A_532 = tpu.vector_load %arg27[%swap3A_530, %swap3A_531] {strides = array<i32>} : memref<64x128xf32, #tpu.memory_space<vmem>>, vector<1x16xf32>,
        %swap3A_533 = vector.shape_cast %swap3A_532 : vector<1x16xf32> to vector<16xf32>
        %swap3A_534 = vector.shape_cast %max3A_529 : vector<16xf32> to vector<1x16xf32>
        tpu.vector_store %arg27[%swap3A_530, %swap3A_531], %swap3A_534 {strides = array<i32>} : memref<64x128xf32, #tpu.memory_space<vmem>>, vector<1x16xf32>,
        %get3A_535 = arith.index_cast %scan3A_487 : i32 to index
        %get3A_536 = arith.constant 64 : index
        %get3A_537 = tpu.vector_load %arg19[%get3A_535, %get3A_536] {strides = array<i32>} : memref<64x128xf32, #tpu.memory_space<vmem>>, vector<1x16xf32>,
        %get3A_538 = vector.shape_cast %get3A_537 : vector<1x16xf32> to vector<16xf32>
        %max3A_539 = arith.constant 0.000000e+00 : f32
        %max3A_540 = vector.broadcast %max3A_539 : f32 to vector<16xf32>
        %max3A_541 = arith.maximumf %get3A_538, %max3A_540 : vector<16xf32>
        %swap3A_542 = arith.index_cast %scan3A_487 : i32 to index
        %swap3A_543 = arith.constant 64 : index
        %swap3A_544 = tpu.vector_load %arg27[%swap3A_542, %swap3A_543] {strides = array<i32>} : memref<64x128xf32, #tpu.memory_space<vmem>>, vector<1x16xf32>,
        %swap3A_545 = vector.shape_cast %swap3A_544 : vector<1x16xf32> to vector<16xf32>
        %swap3A_546 = vector.shape_cast %max3A_541 : vector<16xf32> to vector<1x16xf32>
        tpu.vector_store %arg27[%swap3A_542, %swap3A_543], %swap3A_546 {strides = array<i32>} : memref<64x128xf32, #tpu.memory_space<vmem>>, vector<1x16xf32>,
        %get3A_547 = arith.index_cast %scan3A_487 : i32 to index
        %get3A_548 = arith.constant 80 : index
        %get3A_549 = tpu.vector_load %arg19[%get3A_547, %get3A_548] {strides = array<i32>} : memref<64x128xf32, #tpu.memory_space<vmem>>, vector<1x16xf32>,
        %get3A_550 = vector.shape_cast %get3A_549 : vector<1x16xf32> to vector<16xf32>
        %max3A_551 = arith.constant 0.000000e+00 : f32
        %max3A_552 = vector.broadcast %max3A_551 : f32 to vector<16xf32>
        %max3A_553 = arith.maximumf %get3A_550, %max3A_552 : vector<16xf32>
        %swap3A_554 = arith.index_cast %scan3A_487 : i32 to index
        %swap3A_555 = arith.constant 80 : index
        %swap3A_556 = tpu.vector_load %arg27[%swap3A_554, %swap3A_555] {strides = array<i32>} : memref<64x128xf32, #tpu.memory_space<vmem>>, vector<1x16xf32>,
        %swap3A_557 = vector.shape_cast %swap3A_556 : vector<1x16xf32> to vector<16xf32>
        %swap3A_558 = vector.shape_cast %max3A_553 : vector<16xf32> to vector<1x16xf32>
        tpu.vector_store %arg27[%swap3A_554, %swap3A_555], %swap3A_558 {strides = array<i32>} : memref<64x128xf32, #tpu.memory_space<vmem>>, vector<1x16xf32>,
        %get3A_559 = arith.index_cast %scan3A_487 : i32 to index
        %get3A_560 = arith.constant 96 : index
        %get3A_561 = tpu.vector_load %arg19[%get3A_559, %get3A_560] {strides = array<i32>} : memref<64x128xf32, #tpu.memory_space<vmem>>, vector<1x16xf32>,
        %get3A_562 = vector.shape_cast %get3A_561 : vector<1x16xf32> to vector<16xf32>
        %max3A_563 = arith.constant 0.000000e+00 : f32
        %max3A_564 = vector.broadcast %max3A_563 : f32 to vector<16xf32>
        %max3A_565 = arith.maximumf %get3A_562, %max3A_564 : vector<16xf32>
        %swap3A_566 = arith.index_cast %scan3A_487 : i32 to index
        %swap3A_567 = arith.constant 96 : index
        %swap3A_568 = tpu.vector_load %arg27[%swap3A_566, %swap3A_567] {strides = array<i32>} : memref<64x128xf32, #tpu.memory_space<vmem>>, vector<1x16xf32>,
        %swap3A_569 = vector.shape_cast %swap3A_568 : vector<1x16xf32> to vector<16xf32>
        %swap3A_570 = vector.shape_cast %max3A_565 : vector<16xf32> to vector<1x16xf32>
        tpu.vector_store %arg27[%swap3A_566, %swap3A_567], %swap3A_570 {strides = array<i32>} : memref<64x128xf32, #tpu.memory_space<vmem>>, vector<1x16xf32>,
        %get3A_571 = arith.index_cast %scan3A_487 : i32 to index
        %get3A_572 = arith.constant 112 : index
        %get3A_573 = tpu.vector_load %arg19[%get3A_571, %get3A_572] {strides = array<i32>} : memref<64x128xf32, #tpu.memory_space<vmem>>, vector<1x16xf32>,
        %get3A_574 = vector.shape_cast %get3A_573 : vector<1x16xf32> to vector<16xf32>
        %max3A_575 = arith.constant 0.000000e+00 : f32
        %max3A_576 = vector.broadcast %max3A_575 : f32 to vector<16xf32>
        %max3A_577 = arith.maximumf %get3A_574, %max3A_576 : vector<16xf32>
        %swap3A_578 = arith.index_cast %scan3A_487 : i32 to index
        %swap3A_579 = arith.constant 112 : index
        %swap3A_580 = tpu.vector_load %arg27[%swap3A_578, %swap3A_579] {strides = array<i32>} : memref<64x128xf32, #tpu.memory_space<vmem>>, vector<1x16xf32>,
        %swap3A_581 = vector.shape_cast %swap3A_580 : vector<1x16xf32> to vector<16xf32>
        %swap3A_582 = vector.shape_cast %max3A_577 : vector<16xf32> to vector<1x16xf32>
        tpu.vector_store %arg27[%swap3A_578, %swap3A_579], %swap3A_582 {strides = array<i32>} : memref<64x128xf32, #tpu.memory_space<vmem>>, vector<1x16xf32>,
        %scan3A_583 = arith.constant 1 : i32
        %scan3A_584 = arith.addi %scan3A_487, %scan3A_583 : i32
        %get3A_585 = arith.index_cast %scan3A_584 : i32 to index
        %get3A_586 = arith.constant 0 : index
        %get3A_587 = tpu.vector_load %arg19[%get3A_585, %get3A_586] {strides = array<i32>} : memref<64x128xf32, #tpu.memory_space<vmem>>, vector<1x16xf32>,
        %get3A_588 = vector.shape_cast %get3A_587 : vector<1x16xf32> to vector<16xf32>
        %max3A_589 = arith.constant 0.000000e+00 : f32
        %max3A_590 = vector.broadcast %max3A_589 : f32 to vector<16xf32>
        %max3A_591 = arith.maximumf %get3A_588, %max3A_590 : vector<16xf32>
        %swap3A_592 = arith.index_cast %scan3A_584 : i32 to index
        %swap3A_593 = arith.constant 0 : index
        %swap3A_594 = tpu.vector_load %arg27[%swap3A_592, %swap3A_593] {strides = array<i32>} : memref<64x128xf32, #tpu.memory_space<vmem>>, vector<1x16xf32>,
        %swap3A_595 = vector.shape_cast %swap3A_594 : vector<1x16xf32> to vector<16xf32>
        %swap3A_596 = vector.shape_cast %max3A_591 : vector<16xf32> to vector<1x16xf32>
        tpu.vector_store %arg27[%swap3A_592, %swap3A_593], %swap3A_596 {strides = array<i32>} : memref<64x128xf32, #tpu.memory_space<vmem>>, vector<1x16xf32>,
        %get3A_597 = arith.index_cast %scan3A_584 : i32 to index
        %get3A_598 = arith.constant 16 : index
        %get3A_599 = tpu.vector_load %arg19[%get3A_597, %get3A_598] {strides = array<i32>} : memref<64x128xf32, #tpu.memory_space<vmem>>, vector<1x16xf32>,
        %get3A_600 = vector.shape_cast %get3A_599 : vector<1x16xf32> to vector<16xf32>
        %max3A_601 = arith.constant 0.000000e+00 : f32
        %max3A_602 = vector.broadcast %max3A_601 : f32 to vector<16xf32>
        %max3A_603 = arith.maximumf %get3A_600, %max3A_602 : vector<16xf32>
        %swap3A_604 = arith.index_cast %scan3A_584 : i32 to index
        %swap3A_605 = arith.constant 16 : index
        %swap3A_606 = tpu.vector_load %arg27[%swap3A_604, %swap3A_605] {strides = array<i32>} : memref<64x128xf32, #tpu.memory_space<vmem>>, vector<1x16xf32>,
        %swap3A_607 = vector.shape_cast %swap3A_606 : vector<1x16xf32> to vector<16xf32>
        %swap3A_608 = vector.shape_cast %max3A_603 : vector<16xf32> to vector<1x16xf32>
        tpu.vector_store %arg27[%swap3A_604, %swap3A_605], %swap3A_608 {strides = array<i32>} : memref<64x128xf32, #tpu.memory_space<vmem>>, vector<1x16xf32>,
        %get3A_609 = arith.index_cast %scan3A_584 : i32 to index
        %get3A_610 = arith.constant 32 : index
        %get3A_611 = tpu.vector_load %arg19[%get3A_609, %get3A_610] {strides = array<i32>} : memref<64x128xf32, #tpu.memory_space<vmem>>, vector<1x16xf32>,
        %get3A_612 = vector.shape_cast %get3A_611 : vector<1x16xf32> to vector<16xf32>
        %max3A_613 = arith.constant 0.000000e+00 : f32
        %max3A_614 = vector.broadcast %max3A_613 : f32 to vector<16xf32>
        %max3A_615 = arith.maximumf %get3A_612, %max3A_614 : vector<16xf32>
        %swap3A_616 = arith.index_cast %scan3A_584 : i32 to index
        %swap3A_617 = arith.constant 32 : index
        %swap3A_618 = tpu.vector_load %arg27[%swap3A_616, %swap3A_617] {strides = array<i32>} : memref<64x128xf32, #tpu.memory_space<vmem>>, vector<1x16xf32>,
        %swap3A_619 = vector.shape_cast %swap3A_618 : vector<1x16xf32> to vector<16xf32>
        %swap3A_620 = vector.shape_cast %max3A_615 : vector<16xf32> to vector<1x16xf32>
        tpu.vector_store %arg27[%swap3A_616, %swap3A_617], %swap3A_620 {strides = array<i32>} : memref<64x128xf32, #tpu.memory_space<vmem>>, vector<1x16xf32>,
        %get3A_621 = arith.index_cast %scan3A_584 : i32 to index
        %get3A_622 = arith.constant 48 : index
        %get3A_623 = tpu.vector_load %arg19[%get3A_621, %get3A_622] {strides = array<i32>} : memref<64x128xf32, #tpu.memory_space<vmem>>, vector<1x16xf32>,
        %get3A_624 = vector.shape_cast %get3A_623 : vector<1x16xf32> to vector<16xf32>
        %max3A_625 = arith.constant 0.000000e+00 : f32
        %max3A_626 = vector.broadcast %max3A_625 : f32 to vector<16xf32>
        %max3A_627 = arith.maximumf %get3A_624, %max3A_626 : vector<16xf32>
        %swap3A_628 = arith.index_cast %scan3A_584 : i32 to index
        %swap3A_629 = arith.constant 48 : index
        %swap3A_630 = tpu.vector_load %arg27[%swap3A_628, %swap3A_629] {strides = array<i32>} : memref<64x128xf32, #tpu.memory_space<vmem>>, vector<1x16xf32>,
        %swap3A_631 = vector.shape_cast %swap3A_630 : vector<1x16xf32> to vector<16xf32>
        %swap3A_632 = vector.shape_cast %max3A_627 : vector<16xf32> to vector<1x16xf32>
        tpu.vector_store %arg27[%swap3A_628, %swap3A_629], %swap3A_632 {strides = array<i32>} : memref<64x128xf32, #tpu.memory_space<vmem>>, vector<1x16xf32>,
        %get3A_633 = arith.index_cast %scan3A_584 : i32 to index
        %get3A_634 = arith.constant 64 : index
        %get3A_635 = tpu.vector_load %arg19[%get3A_633, %get3A_634] {strides = array<i32>} : memref<64x128xf32, #tpu.memory_space<vmem>>, vector<1x16xf32>,
        %get3A_636 = vector.shape_cast %get3A_635 : vector<1x16xf32> to vector<16xf32>
        %max3A_637 = arith.constant 0.000000e+00 : f32
        %max3A_638 = vector.broadcast %max3A_637 : f32 to vector<16xf32>
        %max3A_639 = arith.maximumf %get3A_636, %max3A_638 : vector<16xf32>
        %swap3A_640 = arith.index_cast %scan3A_584 : i32 to index
        %swap3A_641 = arith.constant 64 : index
        %swap3A_642 = tpu.vector_load %arg27[%swap3A_640, %swap3A_641] {strides = array<i32>} : memref<64x128xf32, #tpu.memory_space<vmem>>, vector<1x16xf32>,
        %swap3A_643 = vector.shape_cast %swap3A_642 : vector<1x16xf32> to vector<16xf32>
        %swap3A_644 = vector.shape_cast %max3A_639 : vector<16xf32> to vector<1x16xf32>
        tpu.vector_store %arg27[%swap3A_640, %swap3A_641], %swap3A_644 {strides = array<i32>} : memref<64x128xf32, #tpu.memory_space<vmem>>, vector<1x16xf32>,
        %get3A_645 = arith.index_cast %scan3A_584 : i32 to index
        %get3A_646 = arith.constant 80 : index
        %get3A_647 = tpu.vector_load %arg19[%get3A_645, %get3A_646] {strides = array<i32>} : memref<64x128xf32, #tpu.memory_space<vmem>>, vector<1x16xf32>,
        %get3A_648 = vector.shape_cast %get3A_647 : vector<1x16xf32> to vector<16xf32>
        %max3A_649 = arith.constant 0.000000e+00 : f32
        %max3A_650 = vector.broadcast %max3A_649 : f32 to vector<16xf32>
        %max3A_651 = arith.maximumf %get3A_648, %max3A_650 : vector<16xf32>
        %swap3A_652 = arith.index_cast %scan3A_584 : i32 to index
        %swap3A_653 = arith.constant 80 : index
        %swap3A_654 = tpu.vector_load %arg27[%swap3A_652, %swap3A_653] {strides = array<i32>} : memref<64x128xf32, #tpu.memory_space<vmem>>, vector<1x16xf32>,
        %swap3A_655 = vector.shape_cast %swap3A_654 : vector<1x16xf32> to vector<16xf32>
        %swap3A_656 = vector.shape_cast %max3A_651 : vector<16xf32> to vector<1x16xf32>
        tpu.vector_store %arg27[%swap3A_652, %swap3A_653], %swap3A_656 {strides = array<i32>} : memref<64x128xf32, #tpu.memory_space<vmem>>, vector<1x16xf32>,
        %get3A_657 = arith.index_cast %scan3A_584 : i32 to index
        %get3A_658 = arith.constant 96 : index
        %get3A_659 = tpu.vector_load %arg19[%get3A_657, %get3A_658] {strides = array<i32>} : memref<64x128xf32, #tpu.memory_space<vmem>>, vector<1x16xf32>,
        %get3A_660 = vector.shape_cast %get3A_659 : vector<1x16xf32> to vector<16xf32>
        %max3A_661 = arith.constant 0.000000e+00 : f32
        %max3A_662 = vector.broadcast %max3A_661 : f32 to vector<16xf32>
        %max3A_663 = arith.maximumf %get3A_660, %max3A_662 : vector<16xf32>
        %swap3A_664 = arith.index_cast %scan3A_584 : i32 to index
        %swap3A_665 = arith.constant 96 : index
        %swap3A_666 = tpu.vector_load %arg27[%swap3A_664, %swap3A_665] {strides = array<i32>} : memref<64x128xf32, #tpu.memory_space<vmem>>, vector<1x16xf32>,
        %swap3A_667 = vector.shape_cast %swap3A_666 : vector<1x16xf32> to vector<16xf32>
        %swap3A_668 = vector.shape_cast %max3A_663 : vector<16xf32> to vector<1x16xf32>
        tpu.vector_store %arg27[%swap3A_664, %swap3A_665], %swap3A_668 {strides = array<i32>} : memref<64x128xf32, #tpu.memory_space<vmem>>, vector<1x16xf32>,
        %get3A_669 = arith.index_cast %scan3A_584 : i32 to index
        %get3A_670 = arith.constant 112 : index
        %get3A_671 = tpu.vector_load %arg19[%get3A_669, %get3A_670] {strides = array<i32>} : memref<64x128xf32, #tpu.memory_space<vmem>>, vector<1x16xf32>,
        %get3A_672 = vector.shape_cast %get3A_671 : vector<1x16xf32> to vector<16xf32>
        %max3A_673 = arith.constant 0.000000e+00 : f32
        %max3A_674 = vector.broadcast %max3A_673 : f32 to vector<16xf32>
        %max3A_675 = arith.maximumf %get3A_672, %max3A_674 : vector<16xf32>
        %swap3A_676 = arith.index_cast %scan3A_584 : i32 to index
        %swap3A_677 = arith.constant 112 : index
        %swap3A_678 = tpu.vector_load %arg27[%swap3A_676, %swap3A_677] {strides = array<i32>} : memref<64x128xf32, #tpu.memory_space<vmem>>, vector<1x16xf32>,
        %swap3A_679 = vector.shape_cast %swap3A_678 : vector<1x16xf32> to vector<16xf32>
        %swap3A_680 = vector.shape_cast %max3A_675 : vector<16xf32> to vector<1x16xf32>
        tpu.vector_store %arg27[%swap3A_676, %swap3A_677], %swap3A_680 {strides = array<i32>} : memref<64x128xf32, #tpu.memory_space<vmem>>, vector<1x16xf32>,
        %scan3A_681 = arith.constant 2 : i32
        %scan3A_682 = arith.addi %scan3A_487, %scan3A_681 : i32
        %get3A_683 = arith.index_cast %scan3A_682 : i32 to index
        %get3A_684 = arith.constant 0 : index
        %get3A_685 = tpu.vector_load %arg19[%get3A_683, %get3A_684] {strides = array<i32>} : memref<64x128xf32, #tpu.memory_space<vmem>>, vector<1x16xf32>,
        %get3A_686 = vector.shape_cast %get3A_685 : vector<1x16xf32> to vector<16xf32>
        %max3A_687 = arith.constant 0.000000e+00 : f32
        %max3A_688 = vector.broadcast %max3A_687 : f32 to vector<16xf32>
        %max3A_689 = arith.maximumf %get3A_686, %max3A_688 : vector<16xf32>
        %swap3A_690 = arith.index_cast %scan3A_682 : i32 to index
        %swap3A_691 = arith.constant 0 : index
        %swap3A_692 = tpu.vector_load %arg27[%swap3A_690, %swap3A_691] {strides = array<i32>} : memref<64x128xf32, #tpu.memory_space<vmem>>, vector<1x16xf32>,
        %swap3A_693 = vector.shape_cast %swap3A_692 : vector<1x16xf32> to vector<16xf32>
        %swap3A_694 = vector.shape_cast %max3A_689 : vector<16xf32> to vector<1x16xf32>
        tpu.vector_store %arg27[%swap3A_690, %swap3A_691], %swap3A_694 {strides = array<i32>} : memref<64x128xf32, #tpu.memory_space<vmem>>, vector<1x16xf32>,
        %get3A_695 = arith.index_cast %scan3A_682 : i32 to index
        %get3A_696 = arith.constant 16 : index
        %get3A_697 = tpu.vector_load %arg19[%get3A_695, %get3A_696] {strides = array<i32>} : memref<64x128xf32, #tpu.memory_space<vmem>>, vector<1x16xf32>,
        %get3A_698 = vector.shape_cast %get3A_697 : vector<1x16xf32> to vector<16xf32>
        %max3A_699 = arith.constant 0.000000e+00 : f32
        %max3A_700 = vector.broadcast %max3A_699 : f32 to vector<16xf32>
        %max3A_701 = arith.maximumf %get3A_698, %max3A_700 : vector<16xf32>
        %swap3A_702 = arith.index_cast %scan3A_682 : i32 to index
        %swap3A_703 = arith.constant 16 : index
        %swap3A_704 = tpu.vector_load %arg27[%swap3A_702, %swap3A_703] {strides = array<i32>} : memref<64x128xf32, #tpu.memory_space<vmem>>, vector<1x16xf32>,
        %swap3A_705 = vector.shape_cast %swap3A_704 : vector<1x16xf32> to vector<16xf32>
        %swap3A_706 = vector.shape_cast %max3A_701 : vector<16xf32> to vector<1x16xf32>
        tpu.vector_store %arg27[%swap3A_702, %swap3A_703], %swap3A_706 {strides = array<i32>} : memref<64x128xf32, #tpu.memory_space<vmem>>, vector<1x16xf32>,
        %get3A_707 = arith.index_cast %scan3A_682 : i32 to index
        %get3A_708 = arith.constant 32 : index
        %get3A_709 = tpu.vector_load %arg19[%get3A_707, %get3A_708] {strides = array<i32>} : memref<64x128xf32, #tpu.memory_space<vmem>>, vector<1x16xf32>,
        %get3A_710 = vector.shape_cast %get3A_709 : vector<1x16xf32> to vector<16xf32>
        %max3A_711 = arith.constant 0.000000e+00 : f32
        %max3A_712 = vector.broadcast %max3A_711 : f32 to vector<16xf32>
        %max3A_713 = arith.maximumf %get3A_710, %max3A_712 : vector<16xf32>
        %swap3A_714 = arith.index_cast %scan3A_682 : i32 to index
        %swap3A_715 = arith.constant 32 : index
        %swap3A_716 = tpu.vector_load %arg27[%swap3A_714, %swap3A_715] {strides = array<i32>} : memref<64x128xf32, #tpu.memory_space<vmem>>, vector<1x16xf32>,
        %swap3A_717 = vector.shape_cast %swap3A_716 : vector<1x16xf32> to vector<16xf32>
        %swap3A_718 = vector.shape_cast %max3A_713 : vector<16xf32> to vector<1x16xf32>
        tpu.vector_store %arg27[%swap3A_714, %swap3A_715], %swap3A_718 {strides = array<i32>} : memref<64x128xf32, #tpu.memory_space<vmem>>, vector<1x16xf32>,
        %get3A_719 = arith.index_cast %scan3A_682 : i32 to index
        %get3A_720 = arith.constant 48 : index
        %get3A_721 = tpu.vector_load %arg19[%get3A_719, %get3A_720] {strides = array<i32>} : memref<64x128xf32, #tpu.memory_space<vmem>>, vector<1x16xf32>,
        %get3A_722 = vector.shape_cast %get3A_721 : vector<1x16xf32> to vector<16xf32>
        %max3A_723 = arith.constant 0.000000e+00 : f32
        %max3A_724 = vector.broadcast %max3A_723 : f32 to vector<16xf32>
        %max3A_725 = arith.maximumf %get3A_722, %max3A_724 : vector<16xf32>
        %swap3A_726 = arith.index_cast %scan3A_682 : i32 to index
        %swap3A_727 = arith.constant 48 : index
        %swap3A_728 = tpu.vector_load %arg27[%swap3A_726, %swap3A_727] {strides = array<i32>} : memref<64x128xf32, #tpu.memory_space<vmem>>, vector<1x16xf32>,
        %swap3A_729 = vector.shape_cast %swap3A_728 : vector<1x16xf32> to vector<16xf32>
        %swap3A_730 = vector.shape_cast %max3A_725 : vector<16xf32> to vector<1x16xf32>
        tpu.vector_store %arg27[%swap3A_726, %swap3A_727], %swap3A_730 {strides = array<i32>} : memref<64x128xf32, #tpu.memory_space<vmem>>, vector<1x16xf32>,
        %get3A_731 = arith.index_cast %scan3A_682 : i32 to index
        %get3A_732 = arith.constant 64 : index
        %get3A_733 = tpu.vector_load %arg19[%get3A_731, %get3A_732] {strides = array<i32>} : memref<64x128xf32, #tpu.memory_space<vmem>>, vector<1x16xf32>,
        %get3A_734 = vector.shape_cast %get3A_733 : vector<1x16xf32> to vector<16xf32>
        %max3A_735 = arith.constant 0.000000e+00 : f32
        %max3A_736 = vector.broadcast %max3A_735 : f32 to vector<16xf32>
        %max3A_737 = arith.maximumf %get3A_734, %max3A_736 : vector<16xf32>
        %swap3A_738 = arith.index_cast %scan3A_682 : i32 to index
        %swap3A_739 = arith.constant 64 : index
        %swap3A_740 = tpu.vector_load %arg27[%swap3A_738, %swap3A_739] {strides = array<i32>} : memref<64x128xf32, #tpu.memory_space<vmem>>, vector<1x16xf32>,
        %swap3A_741 = vector.shape_cast %swap3A_740 : vector<1x16xf32> to vector<16xf32>
        %swap3A_742 = vector.shape_cast %max3A_737 : vector<16xf32> to vector<1x16xf32>
        tpu.vector_store %arg27[%swap3A_738, %swap3A_739], %swap3A_742 {strides = array<i32>} : memref<64x128xf32, #tpu.memory_space<vmem>>, vector<1x16xf32>,
        %get3A_743 = arith.index_cast %scan3A_682 : i32 to index
        %get3A_744 = arith.constant 80 : index
        %get3A_745 = tpu.vector_load %arg19[%get3A_743, %get3A_744] {strides = array<i32>} : memref<64x128xf32, #tpu.memory_space<vmem>>, vector<1x16xf32>,
        %get3A_746 = vector.shape_cast %get3A_745 : vector<1x16xf32> to vector<16xf32>
        %max3A_747 = arith.constant 0.000000e+00 : f32
        %max3A_748 = vector.broadcast %max3A_747 : f32 to vector<16xf32>
        %max3A_749 = arith.maximumf %get3A_746, %max3A_748 : vector<16xf32>
        %swap3A_750 = arith.index_cast %scan3A_682 : i32 to index
        %swap3A_751 = arith.constant 80 : index
        %swap3A_752 = tpu.vector_load %arg27[%swap3A_750, %swap3A_751] {strides = array<i32>} : memref<64x128xf32, #tpu.memory_space<vmem>>, vector<1x16xf32>,
        %swap3A_753 = vector.shape_cast %swap3A_752 : vector<1x16xf32> to vector<16xf32>
        %swap3A_754 = vector.shape_cast %max3A_749 : vector<16xf32> to vector<1x16xf32>
        tpu.vector_store %arg27[%swap3A_750, %swap3A_751], %swap3A_754 {strides = array<i32>} : memref<64x128xf32, #tpu.memory_space<vmem>>, vector<1x16xf32>,
        %get3A_755 = arith.index_cast %scan3A_682 : i32 to index
        %get3A_756 = arith.constant 96 : index
        %get3A_757 = tpu.vector_load %arg19[%get3A_755, %get3A_756] {strides = array<i32>} : memref<64x128xf32, #tpu.memory_space<vmem>>, vector<1x16xf32>,
        %get3A_758 = vector.shape_cast %get3A_757 : vector<1x16xf32> to vector<16xf32>
        %max3A_759 = arith.constant 0.000000e+00 : f32
        %max3A_760 = vector.broadcast %max3A_759 : f32 to vector<16xf32>
        %max3A_761 = arith.maximumf %get3A_758, %max3A_760 : vector<16xf32>
        %swap3A_762 = arith.index_cast %scan3A_682 : i32 to index
        %swap3A_763 = arith.constant 96 : index
        %swap3A_764 = tpu.vector_load %arg27[%swap3A_762, %swap3A_763] {strides = array<i32>} : memref<64x128xf32, #tpu.memory_space<vmem>>, vector<1x16xf32>,
        %swap3A_765 = vector.shape_cast %swap3A_764 : vector<1x16xf32> to vector<16xf32>
        %swap3A_766 = vector.shape_cast %max3A_761 : vector<16xf32> to vector<1x16xf32>
        tpu.vector_store %arg27[%swap3A_762, %swap3A_763], %swap3A_766 {strides = array<i32>} : memref<64x128xf32, #tpu.memory_space<vmem>>, vector<1x16xf32>,
        %get3A_767 = arith.index_cast %scan3A_682 : i32 to index
        %get3A_768 = arith.constant 112 : index
        %get3A_769 = tpu.vector_load %arg19[%get3A_767, %get3A_768] {strides = array<i32>} : memref<64x128xf32, #tpu.memory_space<vmem>>, vector<1x16xf32>,
        %get3A_770 = vector.shape_cast %get3A_769 : vector<1x16xf32> to vector<16xf32>
        %max3A_771 = arith.constant 0.000000e+00 : f32
        %max3A_772 = vector.broadcast %max3A_771 : f32 to vector<16xf32>
        %max3A_773 = arith.maximumf %get3A_770, %max3A_772 : vector<16xf32>
        %swap3A_774 = arith.index_cast %scan3A_682 : i32 to index
        %swap3A_775 = arith.constant 112 : index
        %swap3A_776 = tpu.vector_load %arg27[%swap3A_774, %swap3A_775] {strides = array<i32>} : memref<64x128xf32, #tpu.memory_space<vmem>>, vector<1x16xf32>,
        %swap3A_777 = vector.shape_cast %swap3A_776 : vector<1x16xf32> to vector<16xf32>
        %swap3A_778 = vector.shape_cast %max3A_773 : vector<16xf32> to vector<1x16xf32>
        tpu.vector_store %arg27[%swap3A_774, %swap3A_775], %swap3A_778 {strides = array<i32>} : memref<64x128xf32, #tpu.memory_space<vmem>>, vector<1x16xf32>,
        %scan3A_779 = arith.constant 3 : i32
        %scan3A_780 = arith.addi %scan3A_487, %scan3A_779 : i32
        %get3A_781 = arith.index_cast %scan3A_780 : i32 to index
        %get3A_782 = arith.constant 0 : index
        %get3A_783 = tpu.vector_load %arg19[%get3A_781, %get3A_782] {strides = array<i32>} : memref<64x128xf32, #tpu.memory_space<vmem>>, vector<1x16xf32>,
        %get3A_784 = vector.shape_cast %get3A_783 : vector<1x16xf32> to vector<16xf32>
        %max3A_785 = arith.constant 0.000000e+00 : f32
        %max3A_786 = vector.broadcast %max3A_785 : f32 to vector<16xf32>
        %max3A_787 = arith.maximumf %get3A_784, %max3A_786 : vector<16xf32>
        %swap3A_788 = arith.index_cast %scan3A_780 : i32 to index
        %swap3A_789 = arith.constant 0 : index
        %swap3A_790 = tpu.vector_load %arg27[%swap3A_788, %swap3A_789] {strides = array<i32>} : memref<64x128xf32, #tpu.memory_space<vmem>>, vector<1x16xf32>,
        %swap3A_791 = vector.shape_cast %swap3A_790 : vector<1x16xf32> to vector<16xf32>
        %swap3A_792 = vector.shape_cast %max3A_787 : vector<16xf32> to vector<1x16xf32>
        tpu.vector_store %arg27[%swap3A_788, %swap3A_789], %swap3A_792 {strides = array<i32>} : memref<64x128xf32, #tpu.memory_space<vmem>>, vector<1x16xf32>,
        %get3A_793 = arith.index_cast %scan3A_780 : i32 to index
        %get3A_794 = arith.constant 16 : index
        %get3A_795 = tpu.vector_load %arg19[%get3A_793, %get3A_794] {strides = array<i32>} : memref<64x128xf32, #tpu.memory_space<vmem>>, vector<1x16xf32>,
        %get3A_796 = vector.shape_cast %get3A_795 : vector<1x16xf32> to vector<16xf32>
        %max3A_797 = arith.constant 0.000000e+00 : f32
        %max3A_798 = vector.broadcast %max3A_797 : f32 to vector<16xf32>
        %max3A_799 = arith.maximumf %get3A_796, %max3A_798 : vector<16xf32>
        %swap3A_800 = arith.index_cast %scan3A_780 : i32 to index
        %swap3A_801 = arith.constant 16 : index
        %swap3A_802 = tpu.vector_load %arg27[%swap3A_800, %swap3A_801] {strides = array<i32>} : memref<64x128xf32, #tpu.memory_space<vmem>>, vector<1x16xf32>,
        %swap3A_803 = vector.shape_cast %swap3A_802 : vector<1x16xf32> to vector<16xf32>
        %swap3A_804 = vector.shape_cast %max3A_799 : vector<16xf32> to vector<1x16xf32>
        tpu.vector_store %arg27[%swap3A_800, %swap3A_801], %swap3A_804 {strides = array<i32>} : memref<64x128xf32, #tpu.memory_space<vmem>>, vector<1x16xf32>,
        %get3A_805 = arith.index_cast %scan3A_780 : i32 to index
        %get3A_806 = arith.constant 32 : index
        %get3A_807 = tpu.vector_load %arg19[%get3A_805, %get3A_806] {strides = array<i32>} : memref<64x128xf32, #tpu.memory_space<vmem>>, vector<1x16xf32>,
        %get3A_808 = vector.shape_cast %get3A_807 : vector<1x16xf32> to vector<16xf32>
        %max3A_809 = arith.constant 0.000000e+00 : f32
        %max3A_810 = vector.broadcast %max3A_809 : f32 to vector<16xf32>
        %max3A_811 = arith.maximumf %get3A_808, %max3A_810 : vector<16xf32>
        %swap3A_812 = arith.index_cast %scan3A_780 : i32 to index
        %swap3A_813 = arith.constant 32 : index
        %swap3A_814 = tpu.vector_load %arg27[%swap3A_812, %swap3A_813] {strides = array<i32>} : memref<64x128xf32, #tpu.memory_space<vmem>>, vector<1x16xf32>,
        %swap3A_815 = vector.shape_cast %swap3A_814 : vector<1x16xf32> to vector<16xf32>
        %swap3A_816 = vector.shape_cast %max3A_811 : vector<16xf32> to vector<1x16xf32>
        tpu.vector_store %arg27[%swap3A_812, %swap3A_813], %swap3A_816 {strides = array<i32>} : memref<64x128xf32, #tpu.memory_space<vmem>>, vector<1x16xf32>,
        %get3A_817 = arith.index_cast %scan3A_780 : i32 to index
        %get3A_818 = arith.constant 48 : index
        %get3A_819 = tpu.vector_load %arg19[%get3A_817, %get3A_818] {strides = array<i32>} : memref<64x128xf32, #tpu.memory_space<vmem>>, vector<1x16xf32>,
        %get3A_820 = vector.shape_cast %get3A_819 : vector<1x16xf32> to vector<16xf32>
        %max3A_821 = arith.constant 0.000000e+00 : f32
        %max3A_822 = vector.broadcast %max3A_821 : f32 to vector<16xf32>
        %max3A_823 = arith.maximumf %get3A_820, %max3A_822 : vector<16xf32>
        %swap3A_824 = arith.index_cast %scan3A_780 : i32 to index
        %swap3A_825 = arith.constant 48 : index
        %swap3A_826 = tpu.vector_load %arg27[%swap3A_824, %swap3A_825] {strides = array<i32>} : memref<64x128xf32, #tpu.memory_space<vmem>>, vector<1x16xf32>,
        %swap3A_827 = vector.shape_cast %swap3A_826 : vector<1x16xf32> to vector<16xf32>
        %swap3A_828 = vector.shape_cast %max3A_823 : vector<16xf32> to vector<1x16xf32>
        tpu.vector_store %arg27[%swap3A_824, %swap3A_825], %swap3A_828 {strides = array<i32>} : memref<64x128xf32, #tpu.memory_space<vmem>>, vector<1x16xf32>,
        %get3A_829 = arith.index_cast %scan3A_780 : i32 to index
        %get3A_830 = arith.constant 64 : index
        %get3A_831 = tpu.vector_load %arg19[%get3A_829, %get3A_830] {strides = array<i32>} : memref<64x128xf32, #tpu.memory_space<vmem>>, vector<1x16xf32>,
        %get3A_832 = vector.shape_cast %get3A_831 : vector<1x16xf32> to vector<16xf32>
        %max3A_833 = arith.constant 0.000000e+00 : f32
        %max3A_834 = vector.broadcast %max3A_833 : f32 to vector<16xf32>
        %max3A_835 = arith.maximumf %get3A_832, %max3A_834 : vector<16xf32>
        %swap3A_836 = arith.index_cast %scan3A_780 : i32 to index
        %swap3A_837 = arith.constant 64 : index
        %swap3A_838 = tpu.vector_load %arg27[%swap3A_836, %swap3A_837] {strides = array<i32>} : memref<64x128xf32, #tpu.memory_space<vmem>>, vector<1x16xf32>,
        %swap3A_839 = vector.shape_cast %swap3A_838 : vector<1x16xf32> to vector<16xf32>
        %swap3A_840 = vector.shape_cast %max3A_835 : vector<16xf32> to vector<1x16xf32>
        tpu.vector_store %arg27[%swap3A_836, %swap3A_837], %swap3A_840 {strides = array<i32>} : memref<64x128xf32, #tpu.memory_space<vmem>>, vector<1x16xf32>,
        %get3A_841 = arith.index_cast %scan3A_780 : i32 to index
        %get3A_842 = arith.constant 80 : index
        %get3A_843 = tpu.vector_load %arg19[%get3A_841, %get3A_842] {strides = array<i32>} : memref<64x128xf32, #tpu.memory_space<vmem>>, vector<1x16xf32>,
        %get3A_844 = vector.shape_cast %get3A_843 : vector<1x16xf32> to vector<16xf32>
        %max3A_845 = arith.constant 0.000000e+00 : f32
        %max3A_846 = vector.broadcast %max3A_845 : f32 to vector<16xf32>
        %max3A_847 = arith.maximumf %get3A_844, %max3A_846 : vector<16xf32>
        %swap3A_848 = arith.index_cast %scan3A_780 : i32 to index
        %swap3A_849 = arith.constant 80 : index
        %swap3A_850 = tpu.vector_load %arg27[%swap3A_848, %swap3A_849] {strides = array<i32>} : memref<64x128xf32, #tpu.memory_space<vmem>>, vector<1x16xf32>,
        %swap3A_851 = vector.shape_cast %swap3A_850 : vector<1x16xf32> to vector<16xf32>
        %swap3A_852 = vector.shape_cast %max3A_847 : vector<16xf32> to vector<1x16xf32>
        tpu.vector_store %arg27[%swap3A_848, %swap3A_849], %swap3A_852 {strides = array<i32>} : memref<64x128xf32, #tpu.memory_space<vmem>>, vector<1x16xf32>,
        %get3A_853 = arith.index_cast %scan3A_780 : i32 to index
        %get3A_854 = arith.constant 96 : index
        %get3A_855 = tpu.vector_load %arg19[%get3A_853, %get3A_854] {strides = array<i32>} : memref<64x128xf32, #tpu.memory_space<vmem>>, vector<1x16xf32>,
        %get3A_856 = vector.shape_cast %get3A_855 : vector<1x16xf32> to vector<16xf32>
        %max3A_857 = arith.constant 0.000000e+00 : f32
        %max3A_858 = vector.broadcast %max3A_857 : f32 to vector<16xf32>
        %max3A_859 = arith.maximumf %get3A_856, %max3A_858 : vector<16xf32>
        %swap3A_860 = arith.index_cast %scan3A_780 : i32 to index
        %swap3A_861 = arith.constant 96 : index
        %swap3A_862 = tpu.vector_load %arg27[%swap3A_860, %swap3A_861] {strides = array<i32>} : memref<64x128xf32, #tpu.memory_space<vmem>>, vector<1x16xf32>,
        %swap3A_863 = vector.shape_cast %swap3A_862 : vector<1x16xf32> to vector<16xf32>
        %swap3A_864 = vector.shape_cast %max3A_859 : vector<16xf32> to vector<1x16xf32>
        tpu.vector_store %arg27[%swap3A_860, %swap3A_861], %swap3A_864 {strides = array<i32>} : memref<64x128xf32, #tpu.memory_space<vmem>>, vector<1x16xf32>,
        %get3A_865 = arith.index_cast %scan3A_780 : i32 to index
        %get3A_866 = arith.constant 112 : index
        %get3A_867 = tpu.vector_load %arg19[%get3A_865, %get3A_866] {strides = array<i32>} : memref<64x128xf32, #tpu.memory_space<vmem>>, vector<1x16xf32>,
        %get3A_868 = vector.shape_cast %get3A_867 : vector<1x16xf32> to vector<16xf32>
        %max3A_869 = arith.constant 0.000000e+00 : f32
        %max3A_870 = vector.broadcast %max3A_869 : f32 to vector<16xf32>
        %max3A_871 = arith.maximumf %get3A_868, %max3A_870 : vector<16xf32>
        %swap3A_872 = arith.index_cast %scan3A_780 : i32 to index
        %swap3A_873 = arith.constant 112 : index
        %swap3A_874 = tpu.vector_load %arg27[%swap3A_872, %swap3A_873] {strides = array<i32>} : memref<64x128xf32, #tpu.memory_space<vmem>>, vector<1x16xf32>,
        %swap3A_875 = vector.shape_cast %swap3A_874 : vector<1x16xf32> to vector<16xf32>
        %swap3A_876 = vector.shape_cast %max3A_871 : vector<16xf32> to vector<1x16xf32>
        tpu.vector_store %arg27[%swap3A_872, %swap3A_873], %swap3A_876 {strides = array<i32>} : memref<64x128xf32, #tpu.memory_space<vmem>>, vector<1x16xf32>,
      }
      %scan3A_240 = arith.constant 64 : i32
      %mul3A_241 = arith.constant 32 : i32
      %mul3A_242 = arith.muli %add3A, %mul3A_241 : i32
      %add3A_243 = arith.addi %mul3A_242, %scan3A_137 : i32
      %mul3A_244 = arith.constant 256 : i32
      %mul3A_245 = arith.muli %add3A_243, %mul3A_244 : i32
      %add3A_246 = arith.constant 0 : i32
      %add3A_247 = arith.addi %mul3A_245, %add3A_246 : i32
      %dma_start3A_248 = arith.constant 0 : i32
      %dma_start3A_249 = tpu.memref_slice %arg6[%add3A_247, %dma_start3A_248] : memref<262144x128xf32, #tpu.memory_space<hbm>> -> memref<64x128xf32, #tpu.memory_space<hbm>>
      %dma_start3A_250 = arith.constant 0 : i32
      %dma_start3A_251 = tpu.memref_slice %arg6[%add3A_247, %dma_start3A_250] : memref<262144x128xf32, #tpu.memory_space<hbm>> -> memref<64x128xf32, #tpu.memory_space<hbm>>
      tpu.enqueue_dma source(%arg27 : memref<64x128xf32, #tpu.memory_space<vmem>>) target(%dma_start3A_251 : memref<64x128xf32, #tpu.memory_space<hbm>>) target_semaphore(%arg35 : memref<!tpu.dma_semaphore, #tpu.memory_space<semaphore_mem>>)
      %gt3A_252 = arith.constant 0 : i32
      %gt3A_253 = arith.cmpi sgt, %scan3A_137, %gt3A_252 : i32
      %convert_element_type3A_254 = arith.extui %gt3A_253 : i1 to i32
      %cond3A_255 = arith.constant 0 : i32
      %cond3A_256 = arith.cmpi ne, %convert_element_type3A_254, %cond3A_255 : i32
      scf.if %cond3A_256 {
        %dma_wait3A_487 = arith.constant 0 : i32
        %dma_wait3A_488 = arith.constant 0 : i32
        %dma_wait3A_489 = tpu.memref_slice %arg6[%dma_wait3A_487, %dma_wait3A_488] : memref<262144x128xf32, #tpu.memory_space<hbm>> -> memref<64x128xf32, #tpu.memory_space<hbm>>
        %dma_wait3A_490 = arith.constant 0 : i32
        %dma_wait3A_491 = arith.constant 0 : i32
        %dma_wait3A_492 = tpu.memref_slice %arg6[%dma_wait3A_490, %dma_wait3A_491] : memref<262144x128xf32, #tpu.memory_space<hbm>> -> memref<64x128xf32, #tpu.memory_space<hbm>>
        tpu.wait_dma2 semaphore(%arg37 : memref<!tpu.dma_semaphore, #tpu.memory_space<semaphore_mem>>) src(%arg29 : memref<64x128xf32, #tpu.memory_space<vmem>>) dst(%dma_wait3A_492 : memref<64x128xf32, #tpu.memory_space<hbm>>)
      } else {
      }
      %get3A_257 = arith.constant 128 : index
      %get3A_258 = tpu.vector_load %arg9[%get3A_257] {strides = array<i32>} : memref<272xi32, #tpu.memory_space<vmem>>, vector<16xi32>,
      %get3A_259 = vector.shape_cast %get3A_258 : vector<16xi32> to vector<16xi32>
      %sub3A_260 = arith.subi %broadcast_in_dim3A_146, %get3A_259 : vector<16xi32>
      %swap3A_261 = arith.constant 0 : index
      %swap3A_262 = tpu.vector_load %arg13[%swap3A_261] {strides = array<i32>} : memref<64xi32, #tpu.memory_space<vmem>>, vector<16xi32>,
      %swap3A_263 = vector.shape_cast %swap3A_262 : vector<16xi32> to vector<16xi32>
      %swap3A_264 = vector.shape_cast %sub3A_260 : vector<16xi32> to vector<16xi32>
      tpu.vector_store %arg13[%swap3A_261], %swap3A_264 {strides = array<i32>} : memref<64xi32, #tpu.memory_space<vmem>>, vector<16xi32>,
      %get3A_265 = arith.constant 128 : index
      %get3A_266 = tpu.vector_load %arg10[%get3A_265] {strides = array<i32>} : memref<272xi32, #tpu.memory_space<vmem>>, vector<16xi32>,
      %get3A_267 = vector.shape_cast %get3A_266 : vector<16xi32> to vector<16xi32>
      %sub3A_268 = arith.subi %broadcast_in_dim3A_154, %get3A_267 : vector<16xi32>
      %swap3A_269 = arith.constant 0 : index
      %swap3A_270 = tpu.vector_load %arg17[%swap3A_269] {strides = array<i32>} : memref<64xi32, #tpu.memory_space<vmem>>, vector<16xi32>,
      %swap3A_271 = vector.shape_cast %swap3A_270 : vector<16xi32> to vector<16xi32>
      %swap3A_272 = vector.shape_cast %sub3A_268 : vector<16xi32> to vector<16xi32>
      tpu.vector_store %arg17[%swap3A_269], %swap3A_272 {strides = array<i32>} : memref<64xi32, #tpu.memory_space<vmem>>, vector<16xi32>,
      %get3A_273 = arith.constant 144 : index
      %get3A_274 = tpu.vector_load %arg9[%get3A_273] {strides = array<i32>} : memref<272xi32, #tpu.memory_space<vmem>>, vector<16xi32>,
      %get3A_275 = vector.shape_cast %get3A_274 : vector<16xi32> to vector<16xi32>
      %sub3A_276 = arith.subi %broadcast_in_dim3A_146, %get3A_275 : vector<16xi32>
      %swap3A_277 = arith.constant 16 : index
      %swap3A_278 = tpu.vector_load %arg13[%swap3A_277] {strides = array<i32>} : memref<64xi32, #tpu.memory_space<vmem>>, vector<16xi32>,
      %swap3A_279 = vector.shape_cast %swap3A_278 : vector<16xi32> to vector<16xi32>
      %swap3A_280 = vector.shape_cast %sub3A_276 : vector<16xi32> to vector<16xi32>
      tpu.vector_store %arg13[%swap3A_277], %swap3A_280 {strides = array<i32>} : memref<64xi32, #tpu.memory_space<vmem>>, vector<16xi32>,
      %get3A_281 = arith.constant 144 : index
      %get3A_282 = tpu.vector_load %arg10[%get3A_281] {strides = array<i32>} : memref<272xi32, #tpu.memory_space<vmem>>, vector<16xi32>,
      %get3A_283 = vector.shape_cast %get3A_282 : vector<16xi32> to vector<16xi32>
      %sub3A_284 = arith.subi %broadcast_in_dim3A_154, %get3A_283 : vector<16xi32>
      %swap3A_285 = arith.constant 16 : index
      %swap3A_286 = tpu.vector_load %arg17[%swap3A_285] {strides = array<i32>} : memref<64xi32, #tpu.memory_space<vmem>>, vector<16xi32>,
      %swap3A_287 = vector.shape_cast %swap3A_286 : vector<16xi32> to vector<16xi32>
      %swap3A_288 = vector.shape_cast %sub3A_284 : vector<16xi32> to vector<16xi32>
      tpu.vector_store %arg17[%swap3A_285], %swap3A_288 {strides = array<i32>} : memref<64xi32, #tpu.memory_space<vmem>>, vector<16xi32>,
      %get3A_289 = arith.constant 160 : index
      %get3A_290 = tpu.vector_load %arg9[%get3A_289] {strides = array<i32>} : memref<272xi32, #tpu.memory_space<vmem>>, vector<16xi32>,
      %get3A_291 = vector.shape_cast %get3A_290 : vector<16xi32> to vector<16xi32>
      %sub3A_292 = arith.subi %broadcast_in_dim3A_146, %get3A_291 : vector<16xi32>
      %swap3A_293 = arith.constant 32 : index
      %swap3A_294 = tpu.vector_load %arg13[%swap3A_293] {strides = array<i32>} : memref<64xi32, #tpu.memory_space<vmem>>, vector<16xi32>,
      %swap3A_295 = vector.shape_cast %swap3A_294 : vector<16xi32> to vector<16xi32>
      %swap3A_296 = vector.shape_cast %sub3A_292 : vector<16xi32> to vector<16xi32>
      tpu.vector_store %arg13[%swap3A_293], %swap3A_296 {strides = array<i32>} : memref<64xi32, #tpu.memory_space<vmem>>, vector<16xi32>,
      %get3A_297 = arith.constant 160 : index
      %get3A_298 = tpu.vector_load %arg10[%get3A_297] {strides = array<i32>} : memref<272xi32, #tpu.memory_space<vmem>>, vector<16xi32>,
      %get3A_299 = vector.shape_cast %get3A_298 : vector<16xi32> to vector<16xi32>
      %sub3A_300 = arith.subi %broadcast_in_dim3A_154, %get3A_299 : vector<16xi32>
      %swap3A_301 = arith.constant 32 : index
      %swap3A_302 = tpu.vector_load %arg17[%swap3A_301] {strides = array<i32>} : memref<64xi32, #tpu.memory_space<vmem>>, vector<16xi32>,
      %swap3A_303 = vector.shape_cast %swap3A_302 : vector<16xi32> to vector<16xi32>
      %swap3A_304 = vector.shape_cast %sub3A_300 : vector<16xi32> to vector<16xi32>
      tpu.vector_store %arg17[%swap3A_301], %swap3A_304 {strides = array<i32>} : memref<64xi32, #tpu.memory_space<vmem>>, vector<16xi32>,
      %get3A_305 = arith.constant 176 : index
      %get3A_306 = tpu.vector_load %arg9[%get3A_305] {strides = array<i32>} : memref<272xi32, #tpu.memory_space<vmem>>, vector<16xi32>,
      %get3A_307 = vector.shape_cast %get3A_306 : vector<16xi32> to vector<16xi32>
      %sub3A_308 = arith.subi %broadcast_in_dim3A_146, %get3A_307 : vector<16xi32>
      %swap3A_309 = arith.constant 48 : index
      %swap3A_310 = tpu.vector_load %arg13[%swap3A_309] {strides = array<i32>} : memref<64xi32, #tpu.memory_space<vmem>>, vector<16xi32>,
      %swap3A_311 = vector.shape_cast %swap3A_310 : vector<16xi32> to vector<16xi32>
      %swap3A_312 = vector.shape_cast %sub3A_308 : vector<16xi32> to vector<16xi32>
      tpu.vector_store %arg13[%swap3A_309], %swap3A_312 {strides = array<i32>} : memref<64xi32, #tpu.memory_space<vmem>>, vector<16xi32>,
      %get3A_313 = arith.constant 176 : index
      %get3A_314 = tpu.vector_load %arg10[%get3A_313] {strides = array<i32>} : memref<272xi32, #tpu.memory_space<vmem>>, vector<16xi32>,
      %get3A_315 = vector.shape_cast %get3A_314 : vector<16xi32> to vector<16xi32>
      %sub3A_316 = arith.subi %broadcast_in_dim3A_154, %get3A_315 : vector<16xi32>
      %swap3A_317 = arith.constant 48 : index
      %swap3A_318 = tpu.vector_load %arg17[%swap3A_317] {strides = array<i32>} : memref<64xi32, #tpu.memory_space<vmem>>, vector<16xi32>,
      %swap3A_319 = vector.shape_cast %swap3A_318 : vector<16xi32> to vector<16xi32>
      %swap3A_320 = vector.shape_cast %sub3A_316 : vector<16xi32> to vector<16xi32>
      tpu.vector_store %arg17[%swap3A_317], %swap3A_320 {strides = array<i32>} : memref<64xi32, #tpu.memory_space<vmem>>, vector<16xi32>,
      %dma_start3A_321 = arith.constant 0 : i32
      %dma_start3A_322 = arith.constant 0 : i32
      %dma_start3A_323 = tpu.memref_slice %arg7[%dma_start3A_321, %dma_start3A_322] : memref<1025x128xf32, #tpu.memory_space<vmem_shared>> -> memref<1025x128xf32, #tpu.memory_space<vmem_shared>>
      tpu.enqueue_indirect_dma source(%dma_start3A_323 : memref<1025x128xf32, #tpu.memory_space<vmem_shared>>) target(%arg21 : memref<64x128xf32, #tpu.memory_space<vmem>>) offsets(%arg13 : memref<64xi32, #tpu.memory_space<vmem>>) semaphore(%arg33 : memref<!tpu.dma_semaphore, #tpu.memory_space<semaphore_mem>>)
      %dma_wait3A_324 = arith.constant 0 : i32
      %dma_wait3A_325 = arith.constant 0 : i32
      %dma_wait3A_326 = tpu.memref_slice %arg7[%dma_wait3A_324, %dma_wait3A_325] : memref<1025x128xf32, #tpu.memory_space<vmem_shared>> -> memref<1025x128xf32, #tpu.memory_space<vmem_shared>>
      tpu.wait_indirect_dma semaphore(%arg32 : memref<!tpu.dma_semaphore, #tpu.memory_space<semaphore_mem>>) src(%dma_wait3A_326 : memref<1025x128xf32, #tpu.memory_space<vmem_shared>>) dst(%arg20 : memref<64x128xf32, #tpu.memory_space<vmem>>)
      %dma_start3A_327 = arith.constant 0 : i32
      %dma_start3A_328 = arith.constant 0 : i32
      %dma_start3A_329 = tpu.memref_slice %arg8[%dma_start3A_327, %dma_start3A_328] : memref<1025x128xf32, #tpu.memory_space<vmem_shared>> -> memref<1025x128xf32, #tpu.memory_space<vmem_shared>>
      tpu.enqueue_indirect_dma source(%dma_start3A_329 : memref<1025x128xf32, #tpu.memory_space<vmem_shared>>) target(%arg20 : memref<64x128xf32, #tpu.memory_space<vmem>>) offsets(%arg16 : memref<64xi32, #tpu.memory_space<vmem>>) semaphore(%arg32 : memref<!tpu.dma_semaphore, #tpu.memory_space<semaphore_mem>>) {add = true}
      %dma_wait3A_330 = arith.constant 0 : i32
      %dma_wait3A_331 = arith.constant 0 : i32
      %dma_wait3A_332 = tpu.memref_slice %arg8[%dma_wait3A_330, %dma_wait3A_331] : memref<1025x128xf32, #tpu.memory_space<vmem_shared>> -> memref<1025x128xf32, #tpu.memory_space<vmem_shared>>
      tpu.wait_indirect_dma semaphore(%arg32 : memref<!tpu.dma_semaphore, #tpu.memory_space<semaphore_mem>>) src(%dma_wait3A_332 : memref<1025x128xf32, #tpu.memory_space<vmem_shared>>) dst(%arg20 : memref<64x128xf32, #tpu.memory_space<vmem>>)
      %scan3A_333 = arith.constant 0 : i32
      %scan3A_334 = arith.constant 0 : i32
      %scan3A_335 = arith.constant 64 : i32
      %scan3A_336 = arith.addi %scan3A_334, %scan3A_335 : i32
      %scan3A_337 = arith.constant 4 : i32
      scf.for %scan3A_487 = %scan3A_334 to %scan3A_336 step %scan3A_337  : i32 {
        %get3A_488 = arith.index_cast %scan3A_487 : i32 to index
        %get3A_489 = arith.constant 0 : index
        %get3A_490 = tpu.vector_load %arg20[%get3A_488, %get3A_489] {strides = array<i32>} : memref<64x128xf32, #tpu.memory_space<vmem>>, vector<1x16xf32>,
        %get3A_491 = vector.shape_cast %get3A_490 : vector<1x16xf32> to vector<16xf32>
        %max3A = arith.constant 0.000000e+00 : f32
        %max3A_492 = vector.broadcast %max3A : f32 to vector<16xf32>
        %max3A_493 = arith.maximumf %get3A_491, %max3A_492 : vector<16xf32>
        %swap3A_494 = arith.index_cast %scan3A_487 : i32 to index
        %swap3A_495 = arith.constant 0 : index
        %swap3A_496 = tpu.vector_load %arg28[%swap3A_494, %swap3A_495] {strides = array<i32>} : memref<64x128xf32, #tpu.memory_space<vmem>>, vector<1x16xf32>,
        %swap3A_497 = vector.shape_cast %swap3A_496 : vector<1x16xf32> to vector<16xf32>
        %swap3A_498 = vector.shape_cast %max3A_493 : vector<16xf32> to vector<1x16xf32>
        tpu.vector_store %arg28[%swap3A_494, %swap3A_495], %swap3A_498 {strides = array<i32>} : memref<64x128xf32, #tpu.memory_space<vmem>>, vector<1x16xf32>,
        %get3A_499 = arith.index_cast %scan3A_487 : i32 to index
        %get3A_500 = arith.constant 16 : index
        %get3A_501 = tpu.vector_load %arg20[%get3A_499, %get3A_500] {strides = array<i32>} : memref<64x128xf32, #tpu.memory_space<vmem>>, vector<1x16xf32>,
        %get3A_502 = vector.shape_cast %get3A_501 : vector<1x16xf32> to vector<16xf32>
        %max3A_503 = arith.constant 0.000000e+00 : f32
        %max3A_504 = vector.broadcast %max3A_503 : f32 to vector<16xf32>
        %max3A_505 = arith.maximumf %get3A_502, %max3A_504 : vector<16xf32>
        %swap3A_506 = arith.index_cast %scan3A_487 : i32 to index
        %swap3A_507 = arith.constant 16 : index
        %swap3A_508 = tpu.vector_load %arg28[%swap3A_506, %swap3A_507] {strides = array<i32>} : memref<64x128xf32, #tpu.memory_space<vmem>>, vector<1x16xf32>,
        %swap3A_509 = vector.shape_cast %swap3A_508 : vector<1x16xf32> to vector<16xf32>
        %swap3A_510 = vector.shape_cast %max3A_505 : vector<16xf32> to vector<1x16xf32>
        tpu.vector_store %arg28[%swap3A_506, %swap3A_507], %swap3A_510 {strides = array<i32>} : memref<64x128xf32, #tpu.memory_space<vmem>>, vector<1x16xf32>,
        %get3A_511 = arith.index_cast %scan3A_487 : i32 to index
        %get3A_512 = arith.constant 32 : index
        %get3A_513 = tpu.vector_load %arg20[%get3A_511, %get3A_512] {strides = array<i32>} : memref<64x128xf32, #tpu.memory_space<vmem>>, vector<1x16xf32>,
        %get3A_514 = vector.shape_cast %get3A_513 : vector<1x16xf32> to vector<16xf32>
        %max3A_515 = arith.constant 0.000000e+00 : f32
        %max3A_516 = vector.broadcast %max3A_515 : f32 to vector<16xf32>
        %max3A_517 = arith.maximumf %get3A_514, %max3A_516 : vector<16xf32>
        %swap3A_518 = arith.index_cast %scan3A_487 : i32 to index
        %swap3A_519 = arith.constant 32 : index
        %swap3A_520 = tpu.vector_load %arg28[%swap3A_518, %swap3A_519] {strides = array<i32>} : memref<64x128xf32, #tpu.memory_space<vmem>>, vector<1x16xf32>,
        %swap3A_521 = vector.shape_cast %swap3A_520 : vector<1x16xf32> to vector<16xf32>
        %swap3A_522 = vector.shape_cast %max3A_517 : vector<16xf32> to vector<1x16xf32>
        tpu.vector_store %arg28[%swap3A_518, %swap3A_519], %swap3A_522 {strides = array<i32>} : memref<64x128xf32, #tpu.memory_space<vmem>>, vector<1x16xf32>,
        %get3A_523 = arith.index_cast %scan3A_487 : i32 to index
        %get3A_524 = arith.constant 48 : index
        %get3A_525 = tpu.vector_load %arg20[%get3A_523, %get3A_524] {strides = array<i32>} : memref<64x128xf32, #tpu.memory_space<vmem>>, vector<1x16xf32>,
        %get3A_526 = vector.shape_cast %get3A_525 : vector<1x16xf32> to vector<16xf32>
        %max3A_527 = arith.constant 0.000000e+00 : f32
        %max3A_528 = vector.broadcast %max3A_527 : f32 to vector<16xf32>
        %max3A_529 = arith.maximumf %get3A_526, %max3A_528 : vector<16xf32>
        %swap3A_530 = arith.index_cast %scan3A_487 : i32 to index
        %swap3A_531 = arith.constant 48 : index
        %swap3A_532 = tpu.vector_load %arg28[%swap3A_530, %swap3A_531] {strides = array<i32>} : memref<64x128xf32, #tpu.memory_space<vmem>>, vector<1x16xf32>,
        %swap3A_533 = vector.shape_cast %swap3A_532 : vector<1x16xf32> to vector<16xf32>
        %swap3A_534 = vector.shape_cast %max3A_529 : vector<16xf32> to vector<1x16xf32>
        tpu.vector_store %arg28[%swap3A_530, %swap3A_531], %swap3A_534 {strides = array<i32>} : memref<64x128xf32, #tpu.memory_space<vmem>>, vector<1x16xf32>,
        %get3A_535 = arith.index_cast %scan3A_487 : i32 to index
        %get3A_536 = arith.constant 64 : index
        %get3A_537 = tpu.vector_load %arg20[%get3A_535, %get3A_536] {strides = array<i32>} : memref<64x128xf32, #tpu.memory_space<vmem>>, vector<1x16xf32>,
        %get3A_538 = vector.shape_cast %get3A_537 : vector<1x16xf32> to vector<16xf32>
        %max3A_539 = arith.constant 0.000000e+00 : f32
        %max3A_540 = vector.broadcast %max3A_539 : f32 to vector<16xf32>
        %max3A_541 = arith.maximumf %get3A_538, %max3A_540 : vector<16xf32>
        %swap3A_542 = arith.index_cast %scan3A_487 : i32 to index
        %swap3A_543 = arith.constant 64 : index
        %swap3A_544 = tpu.vector_load %arg28[%swap3A_542, %swap3A_543] {strides = array<i32>} : memref<64x128xf32, #tpu.memory_space<vmem>>, vector<1x16xf32>,
        %swap3A_545 = vector.shape_cast %swap3A_544 : vector<1x16xf32> to vector<16xf32>
        %swap3A_546 = vector.shape_cast %max3A_541 : vector<16xf32> to vector<1x16xf32>
        tpu.vector_store %arg28[%swap3A_542, %swap3A_543], %swap3A_546 {strides = array<i32>} : memref<64x128xf32, #tpu.memory_space<vmem>>, vector<1x16xf32>,
        %get3A_547 = arith.index_cast %scan3A_487 : i32 to index
        %get3A_548 = arith.constant 80 : index
        %get3A_549 = tpu.vector_load %arg20[%get3A_547, %get3A_548] {strides = array<i32>} : memref<64x128xf32, #tpu.memory_space<vmem>>, vector<1x16xf32>,
        %get3A_550 = vector.shape_cast %get3A_549 : vector<1x16xf32> to vector<16xf32>
        %max3A_551 = arith.constant 0.000000e+00 : f32
        %max3A_552 = vector.broadcast %max3A_551 : f32 to vector<16xf32>
        %max3A_553 = arith.maximumf %get3A_550, %max3A_552 : vector<16xf32>
        %swap3A_554 = arith.index_cast %scan3A_487 : i32 to index
        %swap3A_555 = arith.constant 80 : index
        %swap3A_556 = tpu.vector_load %arg28[%swap3A_554, %swap3A_555] {strides = array<i32>} : memref<64x128xf32, #tpu.memory_space<vmem>>, vector<1x16xf32>,
        %swap3A_557 = vector.shape_cast %swap3A_556 : vector<1x16xf32> to vector<16xf32>
        %swap3A_558 = vector.shape_cast %max3A_553 : vector<16xf32> to vector<1x16xf32>
        tpu.vector_store %arg28[%swap3A_554, %swap3A_555], %swap3A_558 {strides = array<i32>} : memref<64x128xf32, #tpu.memory_space<vmem>>, vector<1x16xf32>,
        %get3A_559 = arith.index_cast %scan3A_487 : i32 to index
        %get3A_560 = arith.constant 96 : index
        %get3A_561 = tpu.vector_load %arg20[%get3A_559, %get3A_560] {strides = array<i32>} : memref<64x128xf32, #tpu.memory_space<vmem>>, vector<1x16xf32>,
        %get3A_562 = vector.shape_cast %get3A_561 : vector<1x16xf32> to vector<16xf32>
        %max3A_563 = arith.constant 0.000000e+00 : f32
        %max3A_564 = vector.broadcast %max3A_563 : f32 to vector<16xf32>
        %max3A_565 = arith.maximumf %get3A_562, %max3A_564 : vector<16xf32>
        %swap3A_566 = arith.index_cast %scan3A_487 : i32 to index
        %swap3A_567 = arith.constant 96 : index
        %swap3A_568 = tpu.vector_load %arg28[%swap3A_566, %swap3A_567] {strides = array<i32>} : memref<64x128xf32, #tpu.memory_space<vmem>>, vector<1x16xf32>,
        %swap3A_569 = vector.shape_cast %swap3A_568 : vector<1x16xf32> to vector<16xf32>
        %swap3A_570 = vector.shape_cast %max3A_565 : vector<16xf32> to vector<1x16xf32>
        tpu.vector_store %arg28[%swap3A_566, %swap3A_567], %swap3A_570 {strides = array<i32>} : memref<64x128xf32, #tpu.memory_space<vmem>>, vector<1x16xf32>,
        %get3A_571 = arith.index_cast %scan3A_487 : i32 to index
        %get3A_572 = arith.constant 112 : index
        %get3A_573 = tpu.vector_load %arg20[%get3A_571, %get3A_572] {strides = array<i32>} : memref<64x128xf32, #tpu.memory_space<vmem>>, vector<1x16xf32>,
        %get3A_574 = vector.shape_cast %get3A_573 : vector<1x16xf32> to vector<16xf32>
        %max3A_575 = arith.constant 0.000000e+00 : f32
        %max3A_576 = vector.broadcast %max3A_575 : f32 to vector<16xf32>
        %max3A_577 = arith.maximumf %get3A_574, %max3A_576 : vector<16xf32>
        %swap3A_578 = arith.index_cast %scan3A_487 : i32 to index
        %swap3A_579 = arith.constant 112 : index
        %swap3A_580 = tpu.vector_load %arg28[%swap3A_578, %swap3A_579] {strides = array<i32>} : memref<64x128xf32, #tpu.memory_space<vmem>>, vector<1x16xf32>,
        %swap3A_581 = vector.shape_cast %swap3A_580 : vector<1x16xf32> to vector<16xf32>
        %swap3A_582 = vector.shape_cast %max3A_577 : vector<16xf32> to vector<1x16xf32>
        tpu.vector_store %arg28[%swap3A_578, %swap3A_579], %swap3A_582 {strides = array<i32>} : memref<64x128xf32, #tpu.memory_space<vmem>>, vector<1x16xf32>,
        %scan3A_583 = arith.constant 1 : i32
        %scan3A_584 = arith.addi %scan3A_487, %scan3A_583 : i32
        %get3A_585 = arith.index_cast %scan3A_584 : i32 to index
        %get3A_586 = arith.constant 0 : index
        %get3A_587 = tpu.vector_load %arg20[%get3A_585, %get3A_586] {strides = array<i32>} : memref<64x128xf32, #tpu.memory_space<vmem>>, vector<1x16xf32>,
        %get3A_588 = vector.shape_cast %get3A_587 : vector<1x16xf32> to vector<16xf32>
        %max3A_589 = arith.constant 0.000000e+00 : f32
        %max3A_590 = vector.broadcast %max3A_589 : f32 to vector<16xf32>
        %max3A_591 = arith.maximumf %get3A_588, %max3A_590 : vector<16xf32>
        %swap3A_592 = arith.index_cast %scan3A_584 : i32 to index
        %swap3A_593 = arith.constant 0 : index
        %swap3A_594 = tpu.vector_load %arg28[%swap3A_592, %swap3A_593] {strides = array<i32>} : memref<64x128xf32, #tpu.memory_space<vmem>>, vector<1x16xf32>,
        %swap3A_595 = vector.shape_cast %swap3A_594 : vector<1x16xf32> to vector<16xf32>
        %swap3A_596 = vector.shape_cast %max3A_591 : vector<16xf32> to vector<1x16xf32>
        tpu.vector_store %arg28[%swap3A_592, %swap3A_593], %swap3A_596 {strides = array<i32>} : memref<64x128xf32, #tpu.memory_space<vmem>>, vector<1x16xf32>,
        %get3A_597 = arith.index_cast %scan3A_584 : i32 to index
        %get3A_598 = arith.constant 16 : index
        %get3A_599 = tpu.vector_load %arg20[%get3A_597, %get3A_598] {strides = array<i32>} : memref<64x128xf32, #tpu.memory_space<vmem>>, vector<1x16xf32>,
        %get3A_600 = vector.shape_cast %get3A_599 : vector<1x16xf32> to vector<16xf32>
        %max3A_601 = arith.constant 0.000000e+00 : f32
        %max3A_602 = vector.broadcast %max3A_601 : f32 to vector<16xf32>
        %max3A_603 = arith.maximumf %get3A_600, %max3A_602 : vector<16xf32>
        %swap3A_604 = arith.index_cast %scan3A_584 : i32 to index
        %swap3A_605 = arith.constant 16 : index
        %swap3A_606 = tpu.vector_load %arg28[%swap3A_604, %swap3A_605] {strides = array<i32>} : memref<64x128xf32, #tpu.memory_space<vmem>>, vector<1x16xf32>,
        %swap3A_607 = vector.shape_cast %swap3A_606 : vector<1x16xf32> to vector<16xf32>
        %swap3A_608 = vector.shape_cast %max3A_603 : vector<16xf32> to vector<1x16xf32>
        tpu.vector_store %arg28[%swap3A_604, %swap3A_605], %swap3A_608 {strides = array<i32>} : memref<64x128xf32, #tpu.memory_space<vmem>>, vector<1x16xf32>,
        %get3A_609 = arith.index_cast %scan3A_584 : i32 to index
        %get3A_610 = arith.constant 32 : index
        %get3A_611 = tpu.vector_load %arg20[%get3A_609, %get3A_610] {strides = array<i32>} : memref<64x128xf32, #tpu.memory_space<vmem>>, vector<1x16xf32>,
        %get3A_612 = vector.shape_cast %get3A_611 : vector<1x16xf32> to vector<16xf32>
        %max3A_613 = arith.constant 0.000000e+00 : f32
        %max3A_614 = vector.broadcast %max3A_613 : f32 to vector<16xf32>
        %max3A_615 = arith.maximumf %get3A_612, %max3A_614 : vector<16xf32>
        %swap3A_616 = arith.index_cast %scan3A_584 : i32 to index
        %swap3A_617 = arith.constant 32 : index
        %swap3A_618 = tpu.vector_load %arg28[%swap3A_616, %swap3A_617] {strides = array<i32>} : memref<64x128xf32, #tpu.memory_space<vmem>>, vector<1x16xf32>,
        %swap3A_619 = vector.shape_cast %swap3A_618 : vector<1x16xf32> to vector<16xf32>
        %swap3A_620 = vector.shape_cast %max3A_615 : vector<16xf32> to vector<1x16xf32>
        tpu.vector_store %arg28[%swap3A_616, %swap3A_617], %swap3A_620 {strides = array<i32>} : memref<64x128xf32, #tpu.memory_space<vmem>>, vector<1x16xf32>,
        %get3A_621 = arith.index_cast %scan3A_584 : i32 to index
        %get3A_622 = arith.constant 48 : index
        %get3A_623 = tpu.vector_load %arg20[%get3A_621, %get3A_622] {strides = array<i32>} : memref<64x128xf32, #tpu.memory_space<vmem>>, vector<1x16xf32>,
        %get3A_624 = vector.shape_cast %get3A_623 : vector<1x16xf32> to vector<16xf32>
        %max3A_625 = arith.constant 0.000000e+00 : f32
        %max3A_626 = vector.broadcast %max3A_625 : f32 to vector<16xf32>
        %max3A_627 = arith.maximumf %get3A_624, %max3A_626 : vector<16xf32>
        %swap3A_628 = arith.index_cast %scan3A_584 : i32 to index
        %swap3A_629 = arith.constant 48 : index
        %swap3A_630 = tpu.vector_load %arg28[%swap3A_628, %swap3A_629] {strides = array<i32>} : memref<64x128xf32, #tpu.memory_space<vmem>>, vector<1x16xf32>,
        %swap3A_631 = vector.shape_cast %swap3A_630 : vector<1x16xf32> to vector<16xf32>
        %swap3A_632 = vector.shape_cast %max3A_627 : vector<16xf32> to vector<1x16xf32>
        tpu.vector_store %arg28[%swap3A_628, %swap3A_629], %swap3A_632 {strides = array<i32>} : memref<64x128xf32, #tpu.memory_space<vmem>>, vector<1x16xf32>,
        %get3A_633 = arith.index_cast %scan3A_584 : i32 to index
        %get3A_634 = arith.constant 64 : index
        %get3A_635 = tpu.vector_load %arg20[%get3A_633, %get3A_634] {strides = array<i32>} : memref<64x128xf32, #tpu.memory_space<vmem>>, vector<1x16xf32>,
        %get3A_636 = vector.shape_cast %get3A_635 : vector<1x16xf32> to vector<16xf32>
        %max3A_637 = arith.constant 0.000000e+00 : f32
        %max3A_638 = vector.broadcast %max3A_637 : f32 to vector<16xf32>
        %max3A_639 = arith.maximumf %get3A_636, %max3A_638 : vector<16xf32>
        %swap3A_640 = arith.index_cast %scan3A_584 : i32 to index
        %swap3A_641 = arith.constant 64 : index
        %swap3A_642 = tpu.vector_load %arg28[%swap3A_640, %swap3A_641] {strides = array<i32>} : memref<64x128xf32, #tpu.memory_space<vmem>>, vector<1x16xf32>,
        %swap3A_643 = vector.shape_cast %swap3A_642 : vector<1x16xf32> to vector<16xf32>
        %swap3A_644 = vector.shape_cast %max3A_639 : vector<16xf32> to vector<1x16xf32>
        tpu.vector_store %arg28[%swap3A_640, %swap3A_641], %swap3A_644 {strides = array<i32>} : memref<64x128xf32, #tpu.memory_space<vmem>>, vector<1x16xf32>,
        %get3A_645 = arith.index_cast %scan3A_584 : i32 to index
        %get3A_646 = arith.constant 80 : index
        %get3A_647 = tpu.vector_load %arg20[%get3A_645, %get3A_646] {strides = array<i32>} : memref<64x128xf32, #tpu.memory_space<vmem>>, vector<1x16xf32>,
        %get3A_648 = vector.shape_cast %get3A_647 : vector<1x16xf32> to vector<16xf32>
        %max3A_649 = arith.constant 0.000000e+00 : f32
        %max3A_650 = vector.broadcast %max3A_649 : f32 to vector<16xf32>
        %max3A_651 = arith.maximumf %get3A_648, %max3A_650 : vector<16xf32>
        %swap3A_652 = arith.index_cast %scan3A_584 : i32 to index
        %swap3A_653 = arith.constant 80 : index
        %swap3A_654 = tpu.vector_load %arg28[%swap3A_652, %swap3A_653] {strides = array<i32>} : memref<64x128xf32, #tpu.memory_space<vmem>>, vector<1x16xf32>,
        %swap3A_655 = vector.shape_cast %swap3A_654 : vector<1x16xf32> to vector<16xf32>
        %swap3A_656 = vector.shape_cast %max3A_651 : vector<16xf32> to vector<1x16xf32>
        tpu.vector_store %arg28[%swap3A_652, %swap3A_653], %swap3A_656 {strides = array<i32>} : memref<64x128xf32, #tpu.memory_space<vmem>>, vector<1x16xf32>,
        %get3A_657 = arith.index_cast %scan3A_584 : i32 to index
        %get3A_658 = arith.constant 96 : index
        %get3A_659 = tpu.vector_load %arg20[%get3A_657, %get3A_658] {strides = array<i32>} : memref<64x128xf32, #tpu.memory_space<vmem>>, vector<1x16xf32>,
        %get3A_660 = vector.shape_cast %get3A_659 : vector<1x16xf32> to vector<16xf32>
        %max3A_661 = arith.constant 0.000000e+00 : f32
        %max3A_662 = vector.broadcast %max3A_661 : f32 to vector<16xf32>
        %max3A_663 = arith.maximumf %get3A_660, %max3A_662 : vector<16xf32>
        %swap3A_664 = arith.index_cast %scan3A_584 : i32 to index
        %swap3A_665 = arith.constant 96 : index
        %swap3A_666 = tpu.vector_load %arg28[%swap3A_664, %swap3A_665] {strides = array<i32>} : memref<64x128xf32, #tpu.memory_space<vmem>>, vector<1x16xf32>,
        %swap3A_667 = vector.shape_cast %swap3A_666 : vector<1x16xf32> to vector<16xf32>
        %swap3A_668 = vector.shape_cast %max3A_663 : vector<16xf32> to vector<1x16xf32>
        tpu.vector_store %arg28[%swap3A_664, %swap3A_665], %swap3A_668 {strides = array<i32>} : memref<64x128xf32, #tpu.memory_space<vmem>>, vector<1x16xf32>,
        %get3A_669 = arith.index_cast %scan3A_584 : i32 to index
        %get3A_670 = arith.constant 112 : index
        %get3A_671 = tpu.vector_load %arg20[%get3A_669, %get3A_670] {strides = array<i32>} : memref<64x128xf32, #tpu.memory_space<vmem>>, vector<1x16xf32>,
        %get3A_672 = vector.shape_cast %get3A_671 : vector<1x16xf32> to vector<16xf32>
        %max3A_673 = arith.constant 0.000000e+00 : f32
        %max3A_674 = vector.broadcast %max3A_673 : f32 to vector<16xf32>
        %max3A_675 = arith.maximumf %get3A_672, %max3A_674 : vector<16xf32>
        %swap3A_676 = arith.index_cast %scan3A_584 : i32 to index
        %swap3A_677 = arith.constant 112 : index
        %swap3A_678 = tpu.vector_load %arg28[%swap3A_676, %swap3A_677] {strides = array<i32>} : memref<64x128xf32, #tpu.memory_space<vmem>>, vector<1x16xf32>,
        %swap3A_679 = vector.shape_cast %swap3A_678 : vector<1x16xf32> to vector<16xf32>
        %swap3A_680 = vector.shape_cast %max3A_675 : vector<16xf32> to vector<1x16xf32>
        tpu.vector_store %arg28[%swap3A_676, %swap3A_677], %swap3A_680 {strides = array<i32>} : memref<64x128xf32, #tpu.memory_space<vmem>>, vector<1x16xf32>,
        %scan3A_681 = arith.constant 2 : i32
        %scan3A_682 = arith.addi %scan3A_487, %scan3A_681 : i32
        %get3A_683 = arith.index_cast %scan3A_682 : i32 to index
        %get3A_684 = arith.constant 0 : index
        %get3A_685 = tpu.vector_load %arg20[%get3A_683, %get3A_684] {strides = array<i32>} : memref<64x128xf32, #tpu.memory_space<vmem>>, vector<1x16xf32>,
        %get3A_686 = vector.shape_cast %get3A_685 : vector<1x16xf32> to vector<16xf32>
        %max3A_687 = arith.constant 0.000000e+00 : f32
        %max3A_688 = vector.broadcast %max3A_687 : f32 to vector<16xf32>
        %max3A_689 = arith.maximumf %get3A_686, %max3A_688 : vector<16xf32>
        %swap3A_690 = arith.index_cast %scan3A_682 : i32 to index
        %swap3A_691 = arith.constant 0 : index
        %swap3A_692 = tpu.vector_load %arg28[%swap3A_690, %swap3A_691] {strides = array<i32>} : memref<64x128xf32, #tpu.memory_space<vmem>>, vector<1x16xf32>,
        %swap3A_693 = vector.shape_cast %swap3A_692 : vector<1x16xf32> to vector<16xf32>
        %swap3A_694 = vector.shape_cast %max3A_689 : vector<16xf32> to vector<1x16xf32>
        tpu.vector_store %arg28[%swap3A_690, %swap3A_691], %swap3A_694 {strides = array<i32>} : memref<64x128xf32, #tpu.memory_space<vmem>>, vector<1x16xf32>,
        %get3A_695 = arith.index_cast %scan3A_682 : i32 to index
        %get3A_696 = arith.constant 16 : index
        %get3A_697 = tpu.vector_load %arg20[%get3A_695, %get3A_696] {strides = array<i32>} : memref<64x128xf32, #tpu.memory_space<vmem>>, vector<1x16xf32>,
        %get3A_698 = vector.shape_cast %get3A_697 : vector<1x16xf32> to vector<16xf32>
        %max3A_699 = arith.constant 0.000000e+00 : f32
        %max3A_700 = vector.broadcast %max3A_699 : f32 to vector<16xf32>
        %max3A_701 = arith.maximumf %get3A_698, %max3A_700 : vector<16xf32>
        %swap3A_702 = arith.index_cast %scan3A_682 : i32 to index
        %swap3A_703 = arith.constant 16 : index
        %swap3A_704 = tpu.vector_load %arg28[%swap3A_702, %swap3A_703] {strides = array<i32>} : memref<64x128xf32, #tpu.memory_space<vmem>>, vector<1x16xf32>,
        %swap3A_705 = vector.shape_cast %swap3A_704 : vector<1x16xf32> to vector<16xf32>
        %swap3A_706 = vector.shape_cast %max3A_701 : vector<16xf32> to vector<1x16xf32>
        tpu.vector_store %arg28[%swap3A_702, %swap3A_703], %swap3A_706 {strides = array<i32>} : memref<64x128xf32, #tpu.memory_space<vmem>>, vector<1x16xf32>,
        %get3A_707 = arith.index_cast %scan3A_682 : i32 to index
        %get3A_708 = arith.constant 32 : index
        %get3A_709 = tpu.vector_load %arg20[%get3A_707, %get3A_708] {strides = array<i32>} : memref<64x128xf32, #tpu.memory_space<vmem>>, vector<1x16xf32>,
        %get3A_710 = vector.shape_cast %get3A_709 : vector<1x16xf32> to vector<16xf32>
        %max3A_711 = arith.constant 0.000000e+00 : f32
        %max3A_712 = vector.broadcast %max3A_711 : f32 to vector<16xf32>
        %max3A_713 = arith.maximumf %get3A_710, %max3A_712 : vector<16xf32>
        %swap3A_714 = arith.index_cast %scan3A_682 : i32 to index
        %swap3A_715 = arith.constant 32 : index
        %swap3A_716 = tpu.vector_load %arg28[%swap3A_714, %swap3A_715] {strides = array<i32>} : memref<64x128xf32, #tpu.memory_space<vmem>>, vector<1x16xf32>,
        %swap3A_717 = vector.shape_cast %swap3A_716 : vector<1x16xf32> to vector<16xf32>
        %swap3A_718 = vector.shape_cast %max3A_713 : vector<16xf32> to vector<1x16xf32>
        tpu.vector_store %arg28[%swap3A_714, %swap3A_715], %swap3A_718 {strides = array<i32>} : memref<64x128xf32, #tpu.memory_space<vmem>>, vector<1x16xf32>,
        %get3A_719 = arith.index_cast %scan3A_682 : i32 to index
        %get3A_720 = arith.constant 48 : index
        %get3A_721 = tpu.vector_load %arg20[%get3A_719, %get3A_720] {strides = array<i32>} : memref<64x128xf32, #tpu.memory_space<vmem>>, vector<1x16xf32>,
        %get3A_722 = vector.shape_cast %get3A_721 : vector<1x16xf32> to vector<16xf32>
        %max3A_723 = arith.constant 0.000000e+00 : f32
        %max3A_724 = vector.broadcast %max3A_723 : f32 to vector<16xf32>
        %max3A_725 = arith.maximumf %get3A_722, %max3A_724 : vector<16xf32>
        %swap3A_726 = arith.index_cast %scan3A_682 : i32 to index
        %swap3A_727 = arith.constant 48 : index
        %swap3A_728 = tpu.vector_load %arg28[%swap3A_726, %swap3A_727] {strides = array<i32>} : memref<64x128xf32, #tpu.memory_space<vmem>>, vector<1x16xf32>,
        %swap3A_729 = vector.shape_cast %swap3A_728 : vector<1x16xf32> to vector<16xf32>
        %swap3A_730 = vector.shape_cast %max3A_725 : vector<16xf32> to vector<1x16xf32>
        tpu.vector_store %arg28[%swap3A_726, %swap3A_727], %swap3A_730 {strides = array<i32>} : memref<64x128xf32, #tpu.memory_space<vmem>>, vector<1x16xf32>,
        %get3A_731 = arith.index_cast %scan3A_682 : i32 to index
        %get3A_732 = arith.constant 64 : index
        %get3A_733 = tpu.vector_load %arg20[%get3A_731, %get3A_732] {strides = array<i32>} : memref<64x128xf32, #tpu.memory_space<vmem>>, vector<1x16xf32>,
        %get3A_734 = vector.shape_cast %get3A_733 : vector<1x16xf32> to vector<16xf32>
        %max3A_735 = arith.constant 0.000000e+00 : f32
        %max3A_736 = vector.broadcast %max3A_735 : f32 to vector<16xf32>
        %max3A_737 = arith.maximumf %get3A_734, %max3A_736 : vector<16xf32>
        %swap3A_738 = arith.index_cast %scan3A_682 : i32 to index
        %swap3A_739 = arith.constant 64 : index
        %swap3A_740 = tpu.vector_load %arg28[%swap3A_738, %swap3A_739] {strides = array<i32>} : memref<64x128xf32, #tpu.memory_space<vmem>>, vector<1x16xf32>,
        %swap3A_741 = vector.shape_cast %swap3A_740 : vector<1x16xf32> to vector<16xf32>
        %swap3A_742 = vector.shape_cast %max3A_737 : vector<16xf32> to vector<1x16xf32>
        tpu.vector_store %arg28[%swap3A_738, %swap3A_739], %swap3A_742 {strides = array<i32>} : memref<64x128xf32, #tpu.memory_space<vmem>>, vector<1x16xf32>,
        %get3A_743 = arith.index_cast %scan3A_682 : i32 to index
        %get3A_744 = arith.constant 80 : index
        %get3A_745 = tpu.vector_load %arg20[%get3A_743, %get3A_744] {strides = array<i32>} : memref<64x128xf32, #tpu.memory_space<vmem>>, vector<1x16xf32>,
        %get3A_746 = vector.shape_cast %get3A_745 : vector<1x16xf32> to vector<16xf32>
        %max3A_747 = arith.constant 0.000000e+00 : f32
        %max3A_748 = vector.broadcast %max3A_747 : f32 to vector<16xf32>
        %max3A_749 = arith.maximumf %get3A_746, %max3A_748 : vector<16xf32>
        %swap3A_750 = arith.index_cast %scan3A_682 : i32 to index
        %swap3A_751 = arith.constant 80 : index
        %swap3A_752 = tpu.vector_load %arg28[%swap3A_750, %swap3A_751] {strides = array<i32>} : memref<64x128xf32, #tpu.memory_space<vmem>>, vector<1x16xf32>,
        %swap3A_753 = vector.shape_cast %swap3A_752 : vector<1x16xf32> to vector<16xf32>
        %swap3A_754 = vector.shape_cast %max3A_749 : vector<16xf32> to vector<1x16xf32>
        tpu.vector_store %arg28[%swap3A_750, %swap3A_751], %swap3A_754 {strides = array<i32>} : memref<64x128xf32, #tpu.memory_space<vmem>>, vector<1x16xf32>,
        %get3A_755 = arith.index_cast %scan3A_682 : i32 to index
        %get3A_756 = arith.constant 96 : index
        %get3A_757 = tpu.vector_load %arg20[%get3A_755, %get3A_756] {strides = array<i32>} : memref<64x128xf32, #tpu.memory_space<vmem>>, vector<1x16xf32>,
        %get3A_758 = vector.shape_cast %get3A_757 : vector<1x16xf32> to vector<16xf32>
        %max3A_759 = arith.constant 0.000000e+00 : f32
        %max3A_760 = vector.broadcast %max3A_759 : f32 to vector<16xf32>
        %max3A_761 = arith.maximumf %get3A_758, %max3A_760 : vector<16xf32>
        %swap3A_762 = arith.index_cast %scan3A_682 : i32 to index
        %swap3A_763 = arith.constant 96 : index
        %swap3A_764 = tpu.vector_load %arg28[%swap3A_762, %swap3A_763] {strides = array<i32>} : memref<64x128xf32, #tpu.memory_space<vmem>>, vector<1x16xf32>,
        %swap3A_765 = vector.shape_cast %swap3A_764 : vector<1x16xf32> to vector<16xf32>
        %swap3A_766 = vector.shape_cast %max3A_761 : vector<16xf32> to vector<1x16xf32>
        tpu.vector_store %arg28[%swap3A_762, %swap3A_763], %swap3A_766 {strides = array<i32>} : memref<64x128xf32, #tpu.memory_space<vmem>>, vector<1x16xf32>,
        %get3A_767 = arith.index_cast %scan3A_682 : i32 to index
        %get3A_768 = arith.constant 112 : index
        %get3A_769 = tpu.vector_load %arg20[%get3A_767, %get3A_768] {strides = array<i32>} : memref<64x128xf32, #tpu.memory_space<vmem>>, vector<1x16xf32>,
        %get3A_770 = vector.shape_cast %get3A_769 : vector<1x16xf32> to vector<16xf32>
        %max3A_771 = arith.constant 0.000000e+00 : f32
        %max3A_772 = vector.broadcast %max3A_771 : f32 to vector<16xf32>
        %max3A_773 = arith.maximumf %get3A_770, %max3A_772 : vector<16xf32>
        %swap3A_774 = arith.index_cast %scan3A_682 : i32 to index
        %swap3A_775 = arith.constant 112 : index
        %swap3A_776 = tpu.vector_load %arg28[%swap3A_774, %swap3A_775] {strides = array<i32>} : memref<64x128xf32, #tpu.memory_space<vmem>>, vector<1x16xf32>,
        %swap3A_777 = vector.shape_cast %swap3A_776 : vector<1x16xf32> to vector<16xf32>
        %swap3A_778 = vector.shape_cast %max3A_773 : vector<16xf32> to vector<1x16xf32>
        tpu.vector_store %arg28[%swap3A_774, %swap3A_775], %swap3A_778 {strides = array<i32>} : memref<64x128xf32, #tpu.memory_space<vmem>>, vector<1x16xf32>,
        %scan3A_779 = arith.constant 3 : i32
        %scan3A_780 = arith.addi %scan3A_487, %scan3A_779 : i32
        %get3A_781 = arith.index_cast %scan3A_780 : i32 to index
        %get3A_782 = arith.constant 0 : index
        %get3A_783 = tpu.vector_load %arg20[%get3A_781, %get3A_782] {strides = array<i32>} : memref<64x128xf32, #tpu.memory_space<vmem>>, vector<1x16xf32>,
        %get3A_784 = vector.shape_cast %get3A_783 : vector<1x16xf32> to vector<16xf32>
        %max3A_785 = arith.constant 0.000000e+00 : f32
        %max3A_786 = vector.broadcast %max3A_785 : f32 to vector<16xf32>
        %max3A_787 = arith.maximumf %get3A_784, %max3A_786 : vector<16xf32>
        %swap3A_788 = arith.index_cast %scan3A_780 : i32 to index
        %swap3A_789 = arith.constant 0 : index
        %swap3A_790 = tpu.vector_load %arg28[%swap3A_788, %swap3A_789] {strides = array<i32>} : memref<64x128xf32, #tpu.memory_space<vmem>>, vector<1x16xf32>,
        %swap3A_791 = vector.shape_cast %swap3A_790 : vector<1x16xf32> to vector<16xf32>
        %swap3A_792 = vector.shape_cast %max3A_787 : vector<16xf32> to vector<1x16xf32>
        tpu.vector_store %arg28[%swap3A_788, %swap3A_789], %swap3A_792 {strides = array<i32>} : memref<64x128xf32, #tpu.memory_space<vmem>>, vector<1x16xf32>,
        %get3A_793 = arith.index_cast %scan3A_780 : i32 to index
        %get3A_794 = arith.constant 16 : index
        %get3A_795 = tpu.vector_load %arg20[%get3A_793, %get3A_794] {strides = array<i32>} : memref<64x128xf32, #tpu.memory_space<vmem>>, vector<1x16xf32>,
        %get3A_796 = vector.shape_cast %get3A_795 : vector<1x16xf32> to vector<16xf32>
        %max3A_797 = arith.constant 0.000000e+00 : f32
        %max3A_798 = vector.broadcast %max3A_797 : f32 to vector<16xf32>
        %max3A_799 = arith.maximumf %get3A_796, %max3A_798 : vector<16xf32>
        %swap3A_800 = arith.index_cast %scan3A_780 : i32 to index
        %swap3A_801 = arith.constant 16 : index
        %swap3A_802 = tpu.vector_load %arg28[%swap3A_800, %swap3A_801] {strides = array<i32>} : memref<64x128xf32, #tpu.memory_space<vmem>>, vector<1x16xf32>,
        %swap3A_803 = vector.shape_cast %swap3A_802 : vector<1x16xf32> to vector<16xf32>
        %swap3A_804 = vector.shape_cast %max3A_799 : vector<16xf32> to vector<1x16xf32>
        tpu.vector_store %arg28[%swap3A_800, %swap3A_801], %swap3A_804 {strides = array<i32>} : memref<64x128xf32, #tpu.memory_space<vmem>>, vector<1x16xf32>,
        %get3A_805 = arith.index_cast %scan3A_780 : i32 to index
        %get3A_806 = arith.constant 32 : index
        %get3A_807 = tpu.vector_load %arg20[%get3A_805, %get3A_806] {strides = array<i32>} : memref<64x128xf32, #tpu.memory_space<vmem>>, vector<1x16xf32>,
        %get3A_808 = vector.shape_cast %get3A_807 : vector<1x16xf32> to vector<16xf32>
        %max3A_809 = arith.constant 0.000000e+00 : f32
        %max3A_810 = vector.broadcast %max3A_809 : f32 to vector<16xf32>
        %max3A_811 = arith.maximumf %get3A_808, %max3A_810 : vector<16xf32>
        %swap3A_812 = arith.index_cast %scan3A_780 : i32 to index
        %swap3A_813 = arith.constant 32 : index
        %swap3A_814 = tpu.vector_load %arg28[%swap3A_812, %swap3A_813] {strides = array<i32>} : memref<64x128xf32, #tpu.memory_space<vmem>>, vector<1x16xf32>,
        %swap3A_815 = vector.shape_cast %swap3A_814 : vector<1x16xf32> to vector<16xf32>
        %swap3A_816 = vector.shape_cast %max3A_811 : vector<16xf32> to vector<1x16xf32>
        tpu.vector_store %arg28[%swap3A_812, %swap3A_813], %swap3A_816 {strides = array<i32>} : memref<64x128xf32, #tpu.memory_space<vmem>>, vector<1x16xf32>,
        %get3A_817 = arith.index_cast %scan3A_780 : i32 to index
        %get3A_818 = arith.constant 48 : index
        %get3A_819 = tpu.vector_load %arg20[%get3A_817, %get3A_818] {strides = array<i32>} : memref<64x128xf32, #tpu.memory_space<vmem>>, vector<1x16xf32>,
        %get3A_820 = vector.shape_cast %get3A_819 : vector<1x16xf32> to vector<16xf32>
        %max3A_821 = arith.constant 0.000000e+00 : f32
        %max3A_822 = vector.broadcast %max3A_821 : f32 to vector<16xf32>
        %max3A_823 = arith.maximumf %get3A_820, %max3A_822 : vector<16xf32>
        %swap3A_824 = arith.index_cast %scan3A_780 : i32 to index
        %swap3A_825 = arith.constant 48 : index
        %swap3A_826 = tpu.vector_load %arg28[%swap3A_824, %swap3A_825] {strides = array<i32>} : memref<64x128xf32, #tpu.memory_space<vmem>>, vector<1x16xf32>,
        %swap3A_827 = vector.shape_cast %swap3A_826 : vector<1x16xf32> to vector<16xf32>
        %swap3A_828 = vector.shape_cast %max3A_823 : vector<16xf32> to vector<1x16xf32>
        tpu.vector_store %arg28[%swap3A_824, %swap3A_825], %swap3A_828 {strides = array<i32>} : memref<64x128xf32, #tpu.memory_space<vmem>>, vector<1x16xf32>,
        %get3A_829 = arith.index_cast %scan3A_780 : i32 to index
        %get3A_830 = arith.constant 64 : index
        %get3A_831 = tpu.vector_load %arg20[%get3A_829, %get3A_830] {strides = array<i32>} : memref<64x128xf32, #tpu.memory_space<vmem>>, vector<1x16xf32>,
        %get3A_832 = vector.shape_cast %get3A_831 : vector<1x16xf32> to vector<16xf32>
        %max3A_833 = arith.constant 0.000000e+00 : f32
        %max3A_834 = vector.broadcast %max3A_833 : f32 to vector<16xf32>
        %max3A_835 = arith.maximumf %get3A_832, %max3A_834 : vector<16xf32>
        %swap3A_836 = arith.index_cast %scan3A_780 : i32 to index
        %swap3A_837 = arith.constant 64 : index
        %swap3A_838 = tpu.vector_load %arg28[%swap3A_836, %swap3A_837] {strides = array<i32>} : memref<64x128xf32, #tpu.memory_space<vmem>>, vector<1x16xf32>,
        %swap3A_839 = vector.shape_cast %swap3A_838 : vector<1x16xf32> to vector<16xf32>
        %swap3A_840 = vector.shape_cast %max3A_835 : vector<16xf32> to vector<1x16xf32>
        tpu.vector_store %arg28[%swap3A_836, %swap3A_837], %swap3A_840 {strides = array<i32>} : memref<64x128xf32, #tpu.memory_space<vmem>>, vector<1x16xf32>,
        %get3A_841 = arith.index_cast %scan3A_780 : i32 to index
        %get3A_842 = arith.constant 80 : index
        %get3A_843 = tpu.vector_load %arg20[%get3A_841, %get3A_842] {strides = array<i32>} : memref<64x128xf32, #tpu.memory_space<vmem>>, vector<1x16xf32>,
        %get3A_844 = vector.shape_cast %get3A_843 : vector<1x16xf32> to vector<16xf32>
        %max3A_845 = arith.constant 0.000000e+00 : f32
        %max3A_846 = vector.broadcast %max3A_845 : f32 to vector<16xf32>
        %max3A_847 = arith.maximumf %get3A_844, %max3A_846 : vector<16xf32>
        %swap3A_848 = arith.index_cast %scan3A_780 : i32 to index
        %swap3A_849 = arith.constant 80 : index
        %swap3A_850 = tpu.vector_load %arg28[%swap3A_848, %swap3A_849] {strides = array<i32>} : memref<64x128xf32, #tpu.memory_space<vmem>>, vector<1x16xf32>,
        %swap3A_851 = vector.shape_cast %swap3A_850 : vector<1x16xf32> to vector<16xf32>
        %swap3A_852 = vector.shape_cast %max3A_847 : vector<16xf32> to vector<1x16xf32>
        tpu.vector_store %arg28[%swap3A_848, %swap3A_849], %swap3A_852 {strides = array<i32>} : memref<64x128xf32, #tpu.memory_space<vmem>>, vector<1x16xf32>,
        %get3A_853 = arith.index_cast %scan3A_780 : i32 to index
        %get3A_854 = arith.constant 96 : index
        %get3A_855 = tpu.vector_load %arg20[%get3A_853, %get3A_854] {strides = array<i32>} : memref<64x128xf32, #tpu.memory_space<vmem>>, vector<1x16xf32>,
        %get3A_856 = vector.shape_cast %get3A_855 : vector<1x16xf32> to vector<16xf32>
        %max3A_857 = arith.constant 0.000000e+00 : f32
        %max3A_858 = vector.broadcast %max3A_857 : f32 to vector<16xf32>
        %max3A_859 = arith.maximumf %get3A_856, %max3A_858 : vector<16xf32>
        %swap3A_860 = arith.index_cast %scan3A_780 : i32 to index
        %swap3A_861 = arith.constant 96 : index
        %swap3A_862 = tpu.vector_load %arg28[%swap3A_860, %swap3A_861] {strides = array<i32>} : memref<64x128xf32, #tpu.memory_space<vmem>>, vector<1x16xf32>,
        %swap3A_863 = vector.shape_cast %swap3A_862 : vector<1x16xf32> to vector<16xf32>
        %swap3A_864 = vector.shape_cast %max3A_859 : vector<16xf32> to vector<1x16xf32>
        tpu.vector_store %arg28[%swap3A_860, %swap3A_861], %swap3A_864 {strides = array<i32>} : memref<64x128xf32, #tpu.memory_space<vmem>>, vector<1x16xf32>,
        %get3A_865 = arith.index_cast %scan3A_780 : i32 to index
        %get3A_866 = arith.constant 112 : index
        %get3A_867 = tpu.vector_load %arg20[%get3A_865, %get3A_866] {strides = array<i32>} : memref<64x128xf32, #tpu.memory_space<vmem>>, vector<1x16xf32>,
        %get3A_868 = vector.shape_cast %get3A_867 : vector<1x16xf32> to vector<16xf32>
        %max3A_869 = arith.constant 0.000000e+00 : f32
        %max3A_870 = vector.broadcast %max3A_869 : f32 to vector<16xf32>
        %max3A_871 = arith.maximumf %get3A_868, %max3A_870 : vector<16xf32>
        %swap3A_872 = arith.index_cast %scan3A_780 : i32 to index
        %swap3A_873 = arith.constant 112 : index
        %swap3A_874 = tpu.vector_load %arg28[%swap3A_872, %swap3A_873] {strides = array<i32>} : memref<64x128xf32, #tpu.memory_space<vmem>>, vector<1x16xf32>,
        %swap3A_875 = vector.shape_cast %swap3A_874 : vector<1x16xf32> to vector<16xf32>
        %swap3A_876 = vector.shape_cast %max3A_871 : vector<16xf32> to vector<1x16xf32>
        tpu.vector_store %arg28[%swap3A_872, %swap3A_873], %swap3A_876 {strides = array<i32>} : memref<64x128xf32, #tpu.memory_space<vmem>>, vector<1x16xf32>,
      }
      %scan3A_338 = arith.constant 64 : i32
      %mul3A_339 = arith.constant 32 : i32
      %mul3A_340 = arith.muli %add3A, %mul3A_339 : i32
      %add3A_341 = arith.addi %mul3A_340, %scan3A_137 : i32
      %mul3A_342 = arith.constant 256 : i32
      %mul3A_343 = arith.muli %add3A_341, %mul3A_342 : i32
      %add3A_344 = arith.constant 64 : i32
      %add3A_345 = arith.addi %mul3A_343, %add3A_344 : i32
      %dma_start3A_346 = arith.constant 0 : i32
      %dma_start3A_347 = tpu.memref_slice %arg6[%add3A_345, %dma_start3A_346] : memref<262144x128xf32, #tpu.memory_space<hbm>> -> memref<64x128xf32, #tpu.memory_space<hbm>>
      %dma_start3A_348 = arith.constant 0 : i32
      %dma_start3A_349 = tpu.memref_slice %arg6[%add3A_345, %dma_start3A_348] : memref<262144x128xf32, #tpu.memory_space<hbm>> -> memref<64x128xf32, #tpu.memory_space<hbm>>
      tpu.enqueue_dma source(%arg28 : memref<64x128xf32, #tpu.memory_space<vmem>>) target(%dma_start3A_349 : memref<64x128xf32, #tpu.memory_space<hbm>>) target_semaphore(%arg36 : memref<!tpu.dma_semaphore, #tpu.memory_space<semaphore_mem>>)
      %gt3A_350 = arith.constant 0 : i32
      %gt3A_351 = arith.cmpi sgt, %scan3A_137, %gt3A_350 : i32
      %convert_element_type3A_352 = arith.extui %gt3A_351 : i1 to i32
      %cond3A_353 = arith.constant 0 : i32
      %cond3A_354 = arith.cmpi ne, %convert_element_type3A_352, %cond3A_353 : i32
      scf.if %cond3A_354 {
        %dma_wait3A_487 = arith.constant 0 : i32
        %dma_wait3A_488 = arith.constant 0 : i32
        %dma_wait3A_489 = tpu.memref_slice %arg6[%dma_wait3A_487, %dma_wait3A_488] : memref<262144x128xf32, #tpu.memory_space<hbm>> -> memref<64x128xf32, #tpu.memory_space<hbm>>
        %dma_wait3A_490 = arith.constant 0 : i32
        %dma_wait3A_491 = arith.constant 0 : i32
        %dma_wait3A_492 = tpu.memref_slice %arg6[%dma_wait3A_490, %dma_wait3A_491] : memref<262144x128xf32, #tpu.memory_space<hbm>> -> memref<64x128xf32, #tpu.memory_space<hbm>>
        tpu.wait_dma2 semaphore(%arg38 : memref<!tpu.dma_semaphore, #tpu.memory_space<semaphore_mem>>) src(%arg30 : memref<64x128xf32, #tpu.memory_space<vmem>>) dst(%dma_wait3A_492 : memref<64x128xf32, #tpu.memory_space<hbm>>)
      } else {
      }
      %get3A_355 = arith.constant 192 : index
      %get3A_356 = tpu.vector_load %arg9[%get3A_355] {strides = array<i32>} : memref<272xi32, #tpu.memory_space<vmem>>, vector<16xi32>,
      %get3A_357 = vector.shape_cast %get3A_356 : vector<16xi32> to vector<16xi32>
      %sub3A_358 = arith.subi %broadcast_in_dim3A_146, %get3A_357 : vector<16xi32>
      %swap3A_359 = arith.constant 0 : index
      %swap3A_360 = tpu.vector_load %arg14[%swap3A_359] {strides = array<i32>} : memref<64xi32, #tpu.memory_space<vmem>>, vector<16xi32>,
      %swap3A_361 = vector.shape_cast %swap3A_360 : vector<16xi32> to vector<16xi32>
      %swap3A_362 = vector.shape_cast %sub3A_358 : vector<16xi32> to vector<16xi32>
      tpu.vector_store %arg14[%swap3A_359], %swap3A_362 {strides = array<i32>} : memref<64xi32, #tpu.memory_space<vmem>>, vector<16xi32>,
      %get3A_363 = arith.constant 192 : index
      %get3A_364 = tpu.vector_load %arg10[%get3A_363] {strides = array<i32>} : memref<272xi32, #tpu.memory_space<vmem>>, vector<16xi32>,
      %get3A_365 = vector.shape_cast %get3A_364 : vector<16xi32> to vector<16xi32>
      %sub3A_366 = arith.subi %broadcast_in_dim3A_154, %get3A_365 : vector<16xi32>
      %swap3A_367 = arith.constant 0 : index
      %swap3A_368 = tpu.vector_load %arg18[%swap3A_367] {strides = array<i32>} : memref<64xi32, #tpu.memory_space<vmem>>, vector<16xi32>,
      %swap3A_369 = vector.shape_cast %swap3A_368 : vector<16xi32> to vector<16xi32>
      %swap3A_370 = vector.shape_cast %sub3A_366 : vector<16xi32> to vector<16xi32>
      tpu.vector_store %arg18[%swap3A_367], %swap3A_370 {strides = array<i32>} : memref<64xi32, #tpu.memory_space<vmem>>, vector<16xi32>,
      %get3A_371 = arith.constant 208 : index
      %get3A_372 = tpu.vector_load %arg9[%get3A_371] {strides = array<i32>} : memref<272xi32, #tpu.memory_space<vmem>>, vector<16xi32>,
      %get3A_373 = vector.shape_cast %get3A_372 : vector<16xi32> to vector<16xi32>
      %sub3A_374 = arith.subi %broadcast_in_dim3A_146, %get3A_373 : vector<16xi32>
      %swap3A_375 = arith.constant 16 : index
      %swap3A_376 = tpu.vector_load %arg14[%swap3A_375] {strides = array<i32>} : memref<64xi32, #tpu.memory_space<vmem>>, vector<16xi32>,
      %swap3A_377 = vector.shape_cast %swap3A_376 : vector<16xi32> to vector<16xi32>
      %swap3A_378 = vector.shape_cast %sub3A_374 : vector<16xi32> to vector<16xi32>
      tpu.vector_store %arg14[%swap3A_375], %swap3A_378 {strides = array<i32>} : memref<64xi32, #tpu.memory_space<vmem>>, vector<16xi32>,
      %get3A_379 = arith.constant 208 : index
      %get3A_380 = tpu.vector_load %arg10[%get3A_379] {strides = array<i32>} : memref<272xi32, #tpu.memory_space<vmem>>, vector<16xi32>,
      %get3A_381 = vector.shape_cast %get3A_380 : vector<16xi32> to vector<16xi32>
      %sub3A_382 = arith.subi %broadcast_in_dim3A_154, %get3A_381 : vector<16xi32>
      %swap3A_383 = arith.constant 16 : index
      %swap3A_384 = tpu.vector_load %arg18[%swap3A_383] {strides = array<i32>} : memref<64xi32, #tpu.memory_space<vmem>>, vector<16xi32>,
      %swap3A_385 = vector.shape_cast %swap3A_384 : vector<16xi32> to vector<16xi32>
      %swap3A_386 = vector.shape_cast %sub3A_382 : vector<16xi32> to vector<16xi32>
      tpu.vector_store %arg18[%swap3A_383], %swap3A_386 {strides = array<i32>} : memref<64xi32, #tpu.memory_space<vmem>>, vector<16xi32>,
      %get3A_387 = arith.constant 224 : index
      %get3A_388 = tpu.vector_load %arg9[%get3A_387] {strides = array<i32>} : memref<272xi32, #tpu.memory_space<vmem>>, vector<16xi32>,
      %get3A_389 = vector.shape_cast %get3A_388 : vector<16xi32> to vector<16xi32>
      %sub3A_390 = arith.subi %broadcast_in_dim3A_146, %get3A_389 : vector<16xi32>
      %swap3A_391 = arith.constant 32 : index
      %swap3A_392 = tpu.vector_load %arg14[%swap3A_391] {strides = array<i32>} : memref<64xi32, #tpu.memory_space<vmem>>, vector<16xi32>,
      %swap3A_393 = vector.shape_cast %swap3A_392 : vector<16xi32> to vector<16xi32>
      %swap3A_394 = vector.shape_cast %sub3A_390 : vector<16xi32> to vector<16xi32>
      tpu.vector_store %arg14[%swap3A_391], %swap3A_394 {strides = array<i32>} : memref<64xi32, #tpu.memory_space<vmem>>, vector<16xi32>,
      %get3A_395 = arith.constant 224 : index
      %get3A_396 = tpu.vector_load %arg10[%get3A_395] {strides = array<i32>} : memref<272xi32, #tpu.memory_space<vmem>>, vector<16xi32>,
      %get3A_397 = vector.shape_cast %get3A_396 : vector<16xi32> to vector<16xi32>
      %sub3A_398 = arith.subi %broadcast_in_dim3A_154, %get3A_397 : vector<16xi32>
      %swap3A_399 = arith.constant 32 : index
      %swap3A_400 = tpu.vector_load %arg18[%swap3A_399] {strides = array<i32>} : memref<64xi32, #tpu.memory_space<vmem>>, vector<16xi32>,
      %swap3A_401 = vector.shape_cast %swap3A_400 : vector<16xi32> to vector<16xi32>
      %swap3A_402 = vector.shape_cast %sub3A_398 : vector<16xi32> to vector<16xi32>
      tpu.vector_store %arg18[%swap3A_399], %swap3A_402 {strides = array<i32>} : memref<64xi32, #tpu.memory_space<vmem>>, vector<16xi32>,
      %get3A_403 = arith.constant 240 : index
      %get3A_404 = tpu.vector_load %arg9[%get3A_403] {strides = array<i32>} : memref<272xi32, #tpu.memory_space<vmem>>, vector<16xi32>,
      %get3A_405 = vector.shape_cast %get3A_404 : vector<16xi32> to vector<16xi32>
      %sub3A_406 = arith.subi %broadcast_in_dim3A_146, %get3A_405 : vector<16xi32>
      %swap3A_407 = arith.constant 48 : index
      %swap3A_408 = tpu.vector_load %arg14[%swap3A_407] {strides = array<i32>} : memref<64xi32, #tpu.memory_space<vmem>>, vector<16xi32>,
      %swap3A_409 = vector.shape_cast %swap3A_408 : vector<16xi32> to vector<16xi32>
      %swap3A_410 = vector.shape_cast %sub3A_406 : vector<16xi32> to vector<16xi32>
      tpu.vector_store %arg14[%swap3A_407], %swap3A_410 {strides = array<i32>} : memref<64xi32, #tpu.memory_space<vmem>>, vector<16xi32>,
      %get3A_411 = arith.constant 240 : index
      %get3A_412 = tpu.vector_load %arg10[%get3A_411] {strides = array<i32>} : memref<272xi32, #tpu.memory_space<vmem>>, vector<16xi32>,
      %get3A_413 = vector.shape_cast %get3A_412 : vector<16xi32> to vector<16xi32>
      %sub3A_414 = arith.subi %broadcast_in_dim3A_154, %get3A_413 : vector<16xi32>
      %swap3A_415 = arith.constant 48 : index
      %swap3A_416 = tpu.vector_load %arg18[%swap3A_415] {strides = array<i32>} : memref<64xi32, #tpu.memory_space<vmem>>, vector<16xi32>,
      %swap3A_417 = vector.shape_cast %swap3A_416 : vector<16xi32> to vector<16xi32>
      %swap3A_418 = vector.shape_cast %sub3A_414 : vector<16xi32> to vector<16xi32>
      tpu.vector_store %arg18[%swap3A_415], %swap3A_418 {strides = array<i32>} : memref<64xi32, #tpu.memory_space<vmem>>, vector<16xi32>,
      %dma_start3A_419 = arith.constant 0 : i32
      %dma_start3A_420 = arith.constant 0 : i32
      %dma_start3A_421 = tpu.memref_slice %arg7[%dma_start3A_419, %dma_start3A_420] : memref<1025x128xf32, #tpu.memory_space<vmem_shared>> -> memref<1025x128xf32, #tpu.memory_space<vmem_shared>>
      tpu.enqueue_indirect_dma source(%dma_start3A_421 : memref<1025x128xf32, #tpu.memory_space<vmem_shared>>) target(%arg22 : memref<64x128xf32, #tpu.memory_space<vmem>>) offsets(%arg14 : memref<64xi32, #tpu.memory_space<vmem>>) semaphore(%arg34 : memref<!tpu.dma_semaphore, #tpu.memory_space<semaphore_mem>>)
      %dma_wait3A_422 = arith.constant 0 : i32
      %dma_wait3A_423 = arith.constant 0 : i32
      %dma_wait3A_424 = tpu.memref_slice %arg7[%dma_wait3A_422, %dma_wait3A_423] : memref<1025x128xf32, #tpu.memory_space<vmem_shared>> -> memref<1025x128xf32, #tpu.memory_space<vmem_shared>>
      tpu.wait_indirect_dma semaphore(%arg33 : memref<!tpu.dma_semaphore, #tpu.memory_space<semaphore_mem>>) src(%dma_wait3A_424 : memref<1025x128xf32, #tpu.memory_space<vmem_shared>>) dst(%arg21 : memref<64x128xf32, #tpu.memory_space<vmem>>)
      %dma_start3A_425 = arith.constant 0 : i32
      %dma_start3A_426 = arith.constant 0 : i32
      %dma_start3A_427 = tpu.memref_slice %arg8[%dma_start3A_425, %dma_start3A_426] : memref<1025x128xf32, #tpu.memory_space<vmem_shared>> -> memref<1025x128xf32, #tpu.memory_space<vmem_shared>>
      tpu.enqueue_indirect_dma source(%dma_start3A_427 : memref<1025x128xf32, #tpu.memory_space<vmem_shared>>) target(%arg21 : memref<64x128xf32, #tpu.memory_space<vmem>>) offsets(%arg17 : memref<64xi32, #tpu.memory_space<vmem>>) semaphore(%arg33 : memref<!tpu.dma_semaphore, #tpu.memory_space<semaphore_mem>>) {add = true}
      %dma_wait3A_428 = arith.constant 0 : i32
      %dma_wait3A_429 = arith.constant 0 : i32
      %dma_wait3A_430 = tpu.memref_slice %arg8[%dma_wait3A_428, %dma_wait3A_429] : memref<1025x128xf32, #tpu.memory_space<vmem_shared>> -> memref<1025x128xf32, #tpu.memory_space<vmem_shared>>
      tpu.wait_indirect_dma semaphore(%arg33 : memref<!tpu.dma_semaphore, #tpu.memory_space<semaphore_mem>>) src(%dma_wait3A_430 : memref<1025x128xf32, #tpu.memory_space<vmem_shared>>) dst(%arg21 : memref<64x128xf32, #tpu.memory_space<vmem>>)
      %scan3A_431 = arith.constant 0 : i32
      %scan3A_432 = arith.constant 0 : i32
      %scan3A_433 = arith.constant 64 : i32
      %scan3A_434 = arith.addi %scan3A_432, %scan3A_433 : i32
      %scan3A_435 = arith.constant 4 : i32
      scf.for %scan3A_487 = %scan3A_432 to %scan3A_434 step %scan3A_435  : i32 {
        %get3A_488 = arith.index_cast %scan3A_487 : i32 to index
        %get3A_489 = arith.constant 0 : index
        %get3A_490 = tpu.vector_load %arg21[%get3A_488, %get3A_489] {strides = array<i32>} : memref<64x128xf32, #tpu.memory_space<vmem>>, vector<1x16xf32>,
        %get3A_491 = vector.shape_cast %get3A_490 : vector<1x16xf32> to vector<16xf32>
        %max3A = arith.constant 0.000000e+00 : f32
        %max3A_492 = vector.broadcast %max3A : f32 to vector<16xf32>
        %max3A_493 = arith.maximumf %get3A_491, %max3A_492 : vector<16xf32>
        %swap3A_494 = arith.index_cast %scan3A_487 : i32 to index
        %swap3A_495 = arith.constant 0 : index
        %swap3A_496 = tpu.vector_load %arg29[%swap3A_494, %swap3A_495] {strides = array<i32>} : memref<64x128xf32, #tpu.memory_space<vmem>>, vector<1x16xf32>,
        %swap3A_497 = vector.shape_cast %swap3A_496 : vector<1x16xf32> to vector<16xf32>
        %swap3A_498 = vector.shape_cast %max3A_493 : vector<16xf32> to vector<1x16xf32>
        tpu.vector_store %arg29[%swap3A_494, %swap3A_495], %swap3A_498 {strides = array<i32>} : memref<64x128xf32, #tpu.memory_space<vmem>>, vector<1x16xf32>,
        %get3A_499 = arith.index_cast %scan3A_487 : i32 to index
        %get3A_500 = arith.constant 16 : index
        %get3A_501 = tpu.vector_load %arg21[%get3A_499, %get3A_500] {strides = array<i32>} : memref<64x128xf32, #tpu.memory_space<vmem>>, vector<1x16xf32>,
        %get3A_502 = vector.shape_cast %get3A_501 : vector<1x16xf32> to vector<16xf32>
        %max3A_503 = arith.constant 0.000000e+00 : f32
        %max3A_504 = vector.broadcast %max3A_503 : f32 to vector<16xf32>
        %max3A_505 = arith.maximumf %get3A_502, %max3A_504 : vector<16xf32>
        %swap3A_506 = arith.index_cast %scan3A_487 : i32 to index
        %swap3A_507 = arith.constant 16 : index
        %swap3A_508 = tpu.vector_load %arg29[%swap3A_506, %swap3A_507] {strides = array<i32>} : memref<64x128xf32, #tpu.memory_space<vmem>>, vector<1x16xf32>,
        %swap3A_509 = vector.shape_cast %swap3A_508 : vector<1x16xf32> to vector<16xf32>
        %swap3A_510 = vector.shape_cast %max3A_505 : vector<16xf32> to vector<1x16xf32>
        tpu.vector_store %arg29[%swap3A_506, %swap3A_507], %swap3A_510 {strides = array<i32>} : memref<64x128xf32, #tpu.memory_space<vmem>>, vector<1x16xf32>,
        %get3A_511 = arith.index_cast %scan3A_487 : i32 to index
        %get3A_512 = arith.constant 32 : index
        %get3A_513 = tpu.vector_load %arg21[%get3A_511, %get3A_512] {strides = array<i32>} : memref<64x128xf32, #tpu.memory_space<vmem>>, vector<1x16xf32>,
        %get3A_514 = vector.shape_cast %get3A_513 : vector<1x16xf32> to vector<16xf32>
        %max3A_515 = arith.constant 0.000000e+00 : f32
        %max3A_516 = vector.broadcast %max3A_515 : f32 to vector<16xf32>
        %max3A_517 = arith.maximumf %get3A_514, %max3A_516 : vector<16xf32>
        %swap3A_518 = arith.index_cast %scan3A_487 : i32 to index
        %swap3A_519 = arith.constant 32 : index
        %swap3A_520 = tpu.vector_load %arg29[%swap3A_518, %swap3A_519] {strides = array<i32>} : memref<64x128xf32, #tpu.memory_space<vmem>>, vector<1x16xf32>,
        %swap3A_521 = vector.shape_cast %swap3A_520 : vector<1x16xf32> to vector<16xf32>
        %swap3A_522 = vector.shape_cast %max3A_517 : vector<16xf32> to vector<1x16xf32>
        tpu.vector_store %arg29[%swap3A_518, %swap3A_519], %swap3A_522 {strides = array<i32>} : memref<64x128xf32, #tpu.memory_space<vmem>>, vector<1x16xf32>,
        %get3A_523 = arith.index_cast %scan3A_487 : i32 to index
        %get3A_524 = arith.constant 48 : index
        %get3A_525 = tpu.vector_load %arg21[%get3A_523, %get3A_524] {strides = array<i32>} : memref<64x128xf32, #tpu.memory_space<vmem>>, vector<1x16xf32>,
        %get3A_526 = vector.shape_cast %get3A_525 : vector<1x16xf32> to vector<16xf32>
        %max3A_527 = arith.constant 0.000000e+00 : f32
        %max3A_528 = vector.broadcast %max3A_527 : f32 to vector<16xf32>
        %max3A_529 = arith.maximumf %get3A_526, %max3A_528 : vector<16xf32>
        %swap3A_530 = arith.index_cast %scan3A_487 : i32 to index
        %swap3A_531 = arith.constant 48 : index
        %swap3A_532 = tpu.vector_load %arg29[%swap3A_530, %swap3A_531] {strides = array<i32>} : memref<64x128xf32, #tpu.memory_space<vmem>>, vector<1x16xf32>,
        %swap3A_533 = vector.shape_cast %swap3A_532 : vector<1x16xf32> to vector<16xf32>
        %swap3A_534 = vector.shape_cast %max3A_529 : vector<16xf32> to vector<1x16xf32>
        tpu.vector_store %arg29[%swap3A_530, %swap3A_531], %swap3A_534 {strides = array<i32>} : memref<64x128xf32, #tpu.memory_space<vmem>>, vector<1x16xf32>,
        %get3A_535 = arith.index_cast %scan3A_487 : i32 to index
        %get3A_536 = arith.constant 64 : index
        %get3A_537 = tpu.vector_load %arg21[%get3A_535, %get3A_536] {strides = array<i32>} : memref<64x128xf32, #tpu.memory_space<vmem>>, vector<1x16xf32>,
        %get3A_538 = vector.shape_cast %get3A_537 : vector<1x16xf32> to vector<16xf32>
        %max3A_539 = arith.constant 0.000000e+00 : f32
        %max3A_540 = vector.broadcast %max3A_539 : f32 to vector<16xf32>
        %max3A_541 = arith.maximumf %get3A_538, %max3A_540 : vector<16xf32>
        %swap3A_542 = arith.index_cast %scan3A_487 : i32 to index
        %swap3A_543 = arith.constant 64 : index
        %swap3A_544 = tpu.vector_load %arg29[%swap3A_542, %swap3A_543] {strides = array<i32>} : memref<64x128xf32, #tpu.memory_space<vmem>>, vector<1x16xf32>,
        %swap3A_545 = vector.shape_cast %swap3A_544 : vector<1x16xf32> to vector<16xf32>
        %swap3A_546 = vector.shape_cast %max3A_541 : vector<16xf32> to vector<1x16xf32>
        tpu.vector_store %arg29[%swap3A_542, %swap3A_543], %swap3A_546 {strides = array<i32>} : memref<64x128xf32, #tpu.memory_space<vmem>>, vector<1x16xf32>,
        %get3A_547 = arith.index_cast %scan3A_487 : i32 to index
        %get3A_548 = arith.constant 80 : index
        %get3A_549 = tpu.vector_load %arg21[%get3A_547, %get3A_548] {strides = array<i32>} : memref<64x128xf32, #tpu.memory_space<vmem>>, vector<1x16xf32>,
        %get3A_550 = vector.shape_cast %get3A_549 : vector<1x16xf32> to vector<16xf32>
        %max3A_551 = arith.constant 0.000000e+00 : f32
        %max3A_552 = vector.broadcast %max3A_551 : f32 to vector<16xf32>
        %max3A_553 = arith.maximumf %get3A_550, %max3A_552 : vector<16xf32>
        %swap3A_554 = arith.index_cast %scan3A_487 : i32 to index
        %swap3A_555 = arith.constant 80 : index
        %swap3A_556 = tpu.vector_load %arg29[%swap3A_554, %swap3A_555] {strides = array<i32>} : memref<64x128xf32, #tpu.memory_space<vmem>>, vector<1x16xf32>,
        %swap3A_557 = vector.shape_cast %swap3A_556 : vector<1x16xf32> to vector<16xf32>
        %swap3A_558 = vector.shape_cast %max3A_553 : vector<16xf32> to vector<1x16xf32>
        tpu.vector_store %arg29[%swap3A_554, %swap3A_555], %swap3A_558 {strides = array<i32>} : memref<64x128xf32, #tpu.memory_space<vmem>>, vector<1x16xf32>,
        %get3A_559 = arith.index_cast %scan3A_487 : i32 to index
        %get3A_560 = arith.constant 96 : index
        %get3A_561 = tpu.vector_load %arg21[%get3A_559, %get3A_560] {strides = array<i32>} : memref<64x128xf32, #tpu.memory_space<vmem>>, vector<1x16xf32>,
        %get3A_562 = vector.shape_cast %get3A_561 : vector<1x16xf32> to vector<16xf32>
        %max3A_563 = arith.constant 0.000000e+00 : f32
        %max3A_564 = vector.broadcast %max3A_563 : f32 to vector<16xf32>
        %max3A_565 = arith.maximumf %get3A_562, %max3A_564 : vector<16xf32>
        %swap3A_566 = arith.index_cast %scan3A_487 : i32 to index
        %swap3A_567 = arith.constant 96 : index
        %swap3A_568 = tpu.vector_load %arg29[%swap3A_566, %swap3A_567] {strides = array<i32>} : memref<64x128xf32, #tpu.memory_space<vmem>>, vector<1x16xf32>,
        %swap3A_569 = vector.shape_cast %swap3A_568 : vector<1x16xf32> to vector<16xf32>
        %swap3A_570 = vector.shape_cast %max3A_565 : vector<16xf32> to vector<1x16xf32>
        tpu.vector_store %arg29[%swap3A_566, %swap3A_567], %swap3A_570 {strides = array<i32>} : memref<64x128xf32, #tpu.memory_space<vmem>>, vector<1x16xf32>,
        %get3A_571 = arith.index_cast %scan3A_487 : i32 to index
        %get3A_572 = arith.constant 112 : index
        %get3A_573 = tpu.vector_load %arg21[%get3A_571, %get3A_572] {strides = array<i32>} : memref<64x128xf32, #tpu.memory_space<vmem>>, vector<1x16xf32>,
        %get3A_574 = vector.shape_cast %get3A_573 : vector<1x16xf32> to vector<16xf32>
        %max3A_575 = arith.constant 0.000000e+00 : f32
        %max3A_576 = vector.broadcast %max3A_575 : f32 to vector<16xf32>
        %max3A_577 = arith.maximumf %get3A_574, %max3A_576 : vector<16xf32>
        %swap3A_578 = arith.index_cast %scan3A_487 : i32 to index
        %swap3A_579 = arith.constant 112 : index
        %swap3A_580 = tpu.vector_load %arg29[%swap3A_578, %swap3A_579] {strides = array<i32>} : memref<64x128xf32, #tpu.memory_space<vmem>>, vector<1x16xf32>,
        %swap3A_581 = vector.shape_cast %swap3A_580 : vector<1x16xf32> to vector<16xf32>
        %swap3A_582 = vector.shape_cast %max3A_577 : vector<16xf32> to vector<1x16xf32>
        tpu.vector_store %arg29[%swap3A_578, %swap3A_579], %swap3A_582 {strides = array<i32>} : memref<64x128xf32, #tpu.memory_space<vmem>>, vector<1x16xf32>,
        %scan3A_583 = arith.constant 1 : i32
        %scan3A_584 = arith.addi %scan3A_487, %scan3A_583 : i32
        %get3A_585 = arith.index_cast %scan3A_584 : i32 to index
        %get3A_586 = arith.constant 0 : index
        %get3A_587 = tpu.vector_load %arg21[%get3A_585, %get3A_586] {strides = array<i32>} : memref<64x128xf32, #tpu.memory_space<vmem>>, vector<1x16xf32>,
        %get3A_588 = vector.shape_cast %get3A_587 : vector<1x16xf32> to vector<16xf32>
        %max3A_589 = arith.constant 0.000000e+00 : f32
        %max3A_590 = vector.broadcast %max3A_589 : f32 to vector<16xf32>
        %max3A_591 = arith.maximumf %get3A_588, %max3A_590 : vector<16xf32>
        %swap3A_592 = arith.index_cast %scan3A_584 : i32 to index
        %swap3A_593 = arith.constant 0 : index
        %swap3A_594 = tpu.vector_load %arg29[%swap3A_592, %swap3A_593] {strides = array<i32>} : memref<64x128xf32, #tpu.memory_space<vmem>>, vector<1x16xf32>,
        %swap3A_595 = vector.shape_cast %swap3A_594 : vector<1x16xf32> to vector<16xf32>
        %swap3A_596 = vector.shape_cast %max3A_591 : vector<16xf32> to vector<1x16xf32>
        tpu.vector_store %arg29[%swap3A_592, %swap3A_593], %swap3A_596 {strides = array<i32>} : memref<64x128xf32, #tpu.memory_space<vmem>>, vector<1x16xf32>,
        %get3A_597 = arith.index_cast %scan3A_584 : i32 to index
        %get3A_598 = arith.constant 16 : index
        %get3A_599 = tpu.vector_load %arg21[%get3A_597, %get3A_598] {strides = array<i32>} : memref<64x128xf32, #tpu.memory_space<vmem>>, vector<1x16xf32>,
        %get3A_600 = vector.shape_cast %get3A_599 : vector<1x16xf32> to vector<16xf32>
        %max3A_601 = arith.constant 0.000000e+00 : f32
        %max3A_602 = vector.broadcast %max3A_601 : f32 to vector<16xf32>
        %max3A_603 = arith.maximumf %get3A_600, %max3A_602 : vector<16xf32>
        %swap3A_604 = arith.index_cast %scan3A_584 : i32 to index
        %swap3A_605 = arith.constant 16 : index
        %swap3A_606 = tpu.vector_load %arg29[%swap3A_604, %swap3A_605] {strides = array<i32>} : memref<64x128xf32, #tpu.memory_space<vmem>>, vector<1x16xf32>,
        %swap3A_607 = vector.shape_cast %swap3A_606 : vector<1x16xf32> to vector<16xf32>
        %swap3A_608 = vector.shape_cast %max3A_603 : vector<16xf32> to vector<1x16xf32>
        tpu.vector_store %arg29[%swap3A_604, %swap3A_605], %swap3A_608 {strides = array<i32>} : memref<64x128xf32, #tpu.memory_space<vmem>>, vector<1x16xf32>,
        %get3A_609 = arith.index_cast %scan3A_584 : i32 to index
        %get3A_610 = arith.constant 32 : index
        %get3A_611 = tpu.vector_load %arg21[%get3A_609, %get3A_610] {strides = array<i32>} : memref<64x128xf32, #tpu.memory_space<vmem>>, vector<1x16xf32>,
        %get3A_612 = vector.shape_cast %get3A_611 : vector<1x16xf32> to vector<16xf32>
        %max3A_613 = arith.constant 0.000000e+00 : f32
        %max3A_614 = vector.broadcast %max3A_613 : f32 to vector<16xf32>
        %max3A_615 = arith.maximumf %get3A_612, %max3A_614 : vector<16xf32>
        %swap3A_616 = arith.index_cast %scan3A_584 : i32 to index
        %swap3A_617 = arith.constant 32 : index
        %swap3A_618 = tpu.vector_load %arg29[%swap3A_616, %swap3A_617] {strides = array<i32>} : memref<64x128xf32, #tpu.memory_space<vmem>>, vector<1x16xf32>,
        %swap3A_619 = vector.shape_cast %swap3A_618 : vector<1x16xf32> to vector<16xf32>
        %swap3A_620 = vector.shape_cast %max3A_615 : vector<16xf32> to vector<1x16xf32>
        tpu.vector_store %arg29[%swap3A_616, %swap3A_617], %swap3A_620 {strides = array<i32>} : memref<64x128xf32, #tpu.memory_space<vmem>>, vector<1x16xf32>,
        %get3A_621 = arith.index_cast %scan3A_584 : i32 to index
        %get3A_622 = arith.constant 48 : index
        %get3A_623 = tpu.vector_load %arg21[%get3A_621, %get3A_622] {strides = array<i32>} : memref<64x128xf32, #tpu.memory_space<vmem>>, vector<1x16xf32>,
        %get3A_624 = vector.shape_cast %get3A_623 : vector<1x16xf32> to vector<16xf32>
        %max3A_625 = arith.constant 0.000000e+00 : f32
        %max3A_626 = vector.broadcast %max3A_625 : f32 to vector<16xf32>
        %max3A_627 = arith.maximumf %get3A_624, %max3A_626 : vector<16xf32>
        %swap3A_628 = arith.index_cast %scan3A_584 : i32 to index
        %swap3A_629 = arith.constant 48 : index
        %swap3A_630 = tpu.vector_load %arg29[%swap3A_628, %swap3A_629] {strides = array<i32>} : memref<64x128xf32, #tpu.memory_space<vmem>>, vector<1x16xf32>,
        %swap3A_631 = vector.shape_cast %swap3A_630 : vector<1x16xf32> to vector<16xf32>
        %swap3A_632 = vector.shape_cast %max3A_627 : vector<16xf32> to vector<1x16xf32>
        tpu.vector_store %arg29[%swap3A_628, %swap3A_629], %swap3A_632 {strides = array<i32>} : memref<64x128xf32, #tpu.memory_space<vmem>>, vector<1x16xf32>,
        %get3A_633 = arith.index_cast %scan3A_584 : i32 to index
        %get3A_634 = arith.constant 64 : index
        %get3A_635 = tpu.vector_load %arg21[%get3A_633, %get3A_634] {strides = array<i32>} : memref<64x128xf32, #tpu.memory_space<vmem>>, vector<1x16xf32>,
        %get3A_636 = vector.shape_cast %get3A_635 : vector<1x16xf32> to vector<16xf32>
        %max3A_637 = arith.constant 0.000000e+00 : f32
        %max3A_638 = vector.broadcast %max3A_637 : f32 to vector<16xf32>
        %max3A_639 = arith.maximumf %get3A_636, %max3A_638 : vector<16xf32>
        %swap3A_640 = arith.index_cast %scan3A_584 : i32 to index
        %swap3A_641 = arith.constant 64 : index
        %swap3A_642 = tpu.vector_load %arg29[%swap3A_640, %swap3A_641] {strides = array<i32>} : memref<64x128xf32, #tpu.memory_space<vmem>>, vector<1x16xf32>,
        %swap3A_643 = vector.shape_cast %swap3A_642 : vector<1x16xf32> to vector<16xf32>
        %swap3A_644 = vector.shape_cast %max3A_639 : vector<16xf32> to vector<1x16xf32>
        tpu.vector_store %arg29[%swap3A_640, %swap3A_641], %swap3A_644 {strides = array<i32>} : memref<64x128xf32, #tpu.memory_space<vmem>>, vector<1x16xf32>,
        %get3A_645 = arith.index_cast %scan3A_584 : i32 to index
        %get3A_646 = arith.constant 80 : index
        %get3A_647 = tpu.vector_load %arg21[%get3A_645, %get3A_646] {strides = array<i32>} : memref<64x128xf32, #tpu.memory_space<vmem>>, vector<1x16xf32>,
        %get3A_648 = vector.shape_cast %get3A_647 : vector<1x16xf32> to vector<16xf32>
        %max3A_649 = arith.constant 0.000000e+00 : f32
        %max3A_650 = vector.broadcast %max3A_649 : f32 to vector<16xf32>
        %max3A_651 = arith.maximumf %get3A_648, %max3A_650 : vector<16xf32>
        %swap3A_652 = arith.index_cast %scan3A_584 : i32 to index
        %swap3A_653 = arith.constant 80 : index
        %swap3A_654 = tpu.vector_load %arg29[%swap3A_652, %swap3A_653] {strides = array<i32>} : memref<64x128xf32, #tpu.memory_space<vmem>>, vector<1x16xf32>,
        %swap3A_655 = vector.shape_cast %swap3A_654 : vector<1x16xf32> to vector<16xf32>
        %swap3A_656 = vector.shape_cast %max3A_651 : vector<16xf32> to vector<1x16xf32>
        tpu.vector_store %arg29[%swap3A_652, %swap3A_653], %swap3A_656 {strides = array<i32>} : memref<64x128xf32, #tpu.memory_space<vmem>>, vector<1x16xf32>,
        %get3A_657 = arith.index_cast %scan3A_584 : i32 to index
        %get3A_658 = arith.constant 96 : index
        %get3A_659 = tpu.vector_load %arg21[%get3A_657, %get3A_658] {strides = array<i32>} : memref<64x128xf32, #tpu.memory_space<vmem>>, vector<1x16xf32>,
        %get3A_660 = vector.shape_cast %get3A_659 : vector<1x16xf32> to vector<16xf32>
        %max3A_661 = arith.constant 0.000000e+00 : f32
        %max3A_662 = vector.broadcast %max3A_661 : f32 to vector<16xf32>
        %max3A_663 = arith.maximumf %get3A_660, %max3A_662 : vector<16xf32>
        %swap3A_664 = arith.index_cast %scan3A_584 : i32 to index
        %swap3A_665 = arith.constant 96 : index
        %swap3A_666 = tpu.vector_load %arg29[%swap3A_664, %swap3A_665] {strides = array<i32>} : memref<64x128xf32, #tpu.memory_space<vmem>>, vector<1x16xf32>,
        %swap3A_667 = vector.shape_cast %swap3A_666 : vector<1x16xf32> to vector<16xf32>
        %swap3A_668 = vector.shape_cast %max3A_663 : vector<16xf32> to vector<1x16xf32>
        tpu.vector_store %arg29[%swap3A_664, %swap3A_665], %swap3A_668 {strides = array<i32>} : memref<64x128xf32, #tpu.memory_space<vmem>>, vector<1x16xf32>,
        %get3A_669 = arith.index_cast %scan3A_584 : i32 to index
        %get3A_670 = arith.constant 112 : index
        %get3A_671 = tpu.vector_load %arg21[%get3A_669, %get3A_670] {strides = array<i32>} : memref<64x128xf32, #tpu.memory_space<vmem>>, vector<1x16xf32>,
        %get3A_672 = vector.shape_cast %get3A_671 : vector<1x16xf32> to vector<16xf32>
        %max3A_673 = arith.constant 0.000000e+00 : f32
        %max3A_674 = vector.broadcast %max3A_673 : f32 to vector<16xf32>
        %max3A_675 = arith.maximumf %get3A_672, %max3A_674 : vector<16xf32>
        %swap3A_676 = arith.index_cast %scan3A_584 : i32 to index
        %swap3A_677 = arith.constant 112 : index
        %swap3A_678 = tpu.vector_load %arg29[%swap3A_676, %swap3A_677] {strides = array<i32>} : memref<64x128xf32, #tpu.memory_space<vmem>>, vector<1x16xf32>,
        %swap3A_679 = vector.shape_cast %swap3A_678 : vector<1x16xf32> to vector<16xf32>
        %swap3A_680 = vector.shape_cast %max3A_675 : vector<16xf32> to vector<1x16xf32>
        tpu.vector_store %arg29[%swap3A_676, %swap3A_677], %swap3A_680 {strides = array<i32>} : memref<64x128xf32, #tpu.memory_space<vmem>>, vector<1x16xf32>,
        %scan3A_681 = arith.constant 2 : i32
        %scan3A_682 = arith.addi %scan3A_487, %scan3A_681 : i32
        %get3A_683 = arith.index_cast %scan3A_682 : i32 to index
        %get3A_684 = arith.constant 0 : index
        %get3A_685 = tpu.vector_load %arg21[%get3A_683, %get3A_684] {strides = array<i32>} : memref<64x128xf32, #tpu.memory_space<vmem>>, vector<1x16xf32>,
        %get3A_686 = vector.shape_cast %get3A_685 : vector<1x16xf32> to vector<16xf32>
        %max3A_687 = arith.constant 0.000000e+00 : f32
        %max3A_688 = vector.broadcast %max3A_687 : f32 to vector<16xf32>
        %max3A_689 = arith.maximumf %get3A_686, %max3A_688 : vector<16xf32>
        %swap3A_690 = arith.index_cast %scan3A_682 : i32 to index
        %swap3A_691 = arith.constant 0 : index
        %swap3A_692 = tpu.vector_load %arg29[%swap3A_690, %swap3A_691] {strides = array<i32>} : memref<64x128xf32, #tpu.memory_space<vmem>>, vector<1x16xf32>,
        %swap3A_693 = vector.shape_cast %swap3A_692 : vector<1x16xf32> to vector<16xf32>
        %swap3A_694 = vector.shape_cast %max3A_689 : vector<16xf32> to vector<1x16xf32>
        tpu.vector_store %arg29[%swap3A_690, %swap3A_691], %swap3A_694 {strides = array<i32>} : memref<64x128xf32, #tpu.memory_space<vmem>>, vector<1x16xf32>,
        %get3A_695 = arith.index_cast %scan3A_682 : i32 to index
        %get3A_696 = arith.constant 16 : index
        %get3A_697 = tpu.vector_load %arg21[%get3A_695, %get3A_696] {strides = array<i32>} : memref<64x128xf32, #tpu.memory_space<vmem>>, vector<1x16xf32>,
        %get3A_698 = vector.shape_cast %get3A_697 : vector<1x16xf32> to vector<16xf32>
        %max3A_699 = arith.constant 0.000000e+00 : f32
        %max3A_700 = vector.broadcast %max3A_699 : f32 to vector<16xf32>
        %max3A_701 = arith.maximumf %get3A_698, %max3A_700 : vector<16xf32>
        %swap3A_702 = arith.index_cast %scan3A_682 : i32 to index
        %swap3A_703 = arith.constant 16 : index
        %swap3A_704 = tpu.vector_load %arg29[%swap3A_702, %swap3A_703] {strides = array<i32>} : memref<64x128xf32, #tpu.memory_space<vmem>>, vector<1x16xf32>,
        %swap3A_705 = vector.shape_cast %swap3A_704 : vector<1x16xf32> to vector<16xf32>
        %swap3A_706 = vector.shape_cast %max3A_701 : vector<16xf32> to vector<1x16xf32>
        tpu.vector_store %arg29[%swap3A_702, %swap3A_703], %swap3A_706 {strides = array<i32>} : memref<64x128xf32, #tpu.memory_space<vmem>>, vector<1x16xf32>,
        %get3A_707 = arith.index_cast %scan3A_682 : i32 to index
        %get3A_708 = arith.constant 32 : index
        %get3A_709 = tpu.vector_load %arg21[%get3A_707, %get3A_708] {strides = array<i32>} : memref<64x128xf32, #tpu.memory_space<vmem>>, vector<1x16xf32>,
        %get3A_710 = vector.shape_cast %get3A_709 : vector<1x16xf32> to vector<16xf32>
        %max3A_711 = arith.constant 0.000000e+00 : f32
        %max3A_712 = vector.broadcast %max3A_711 : f32 to vector<16xf32>
        %max3A_713 = arith.maximumf %get3A_710, %max3A_712 : vector<16xf32>
        %swap3A_714 = arith.index_cast %scan3A_682 : i32 to index
        %swap3A_715 = arith.constant 32 : index
        %swap3A_716 = tpu.vector_load %arg29[%swap3A_714, %swap3A_715] {strides = array<i32>} : memref<64x128xf32, #tpu.memory_space<vmem>>, vector<1x16xf32>,
        %swap3A_717 = vector.shape_cast %swap3A_716 : vector<1x16xf32> to vector<16xf32>
        %swap3A_718 = vector.shape_cast %max3A_713 : vector<16xf32> to vector<1x16xf32>
        tpu.vector_store %arg29[%swap3A_714, %swap3A_715], %swap3A_718 {strides = array<i32>} : memref<64x128xf32, #tpu.memory_space<vmem>>, vector<1x16xf32>,
        %get3A_719 = arith.index_cast %scan3A_682 : i32 to index
        %get3A_720 = arith.constant 48 : index
        %get3A_721 = tpu.vector_load %arg21[%get3A_719, %get3A_720] {strides = array<i32>} : memref<64x128xf32, #tpu.memory_space<vmem>>, vector<1x16xf32>,
        %get3A_722 = vector.shape_cast %get3A_721 : vector<1x16xf32> to vector<16xf32>
        %max3A_723 = arith.constant 0.000000e+00 : f32
        %max3A_724 = vector.broadcast %max3A_723 : f32 to vector<16xf32>
        %max3A_725 = arith.maximumf %get3A_722, %max3A_724 : vector<16xf32>
        %swap3A_726 = arith.index_cast %scan3A_682 : i32 to index
        %swap3A_727 = arith.constant 48 : index
        %swap3A_728 = tpu.vector_load %arg29[%swap3A_726, %swap3A_727] {strides = array<i32>} : memref<64x128xf32, #tpu.memory_space<vmem>>, vector<1x16xf32>,
        %swap3A_729 = vector.shape_cast %swap3A_728 : vector<1x16xf32> to vector<16xf32>
        %swap3A_730 = vector.shape_cast %max3A_725 : vector<16xf32> to vector<1x16xf32>
        tpu.vector_store %arg29[%swap3A_726, %swap3A_727], %swap3A_730 {strides = array<i32>} : memref<64x128xf32, #tpu.memory_space<vmem>>, vector<1x16xf32>,
        %get3A_731 = arith.index_cast %scan3A_682 : i32 to index
        %get3A_732 = arith.constant 64 : index
        %get3A_733 = tpu.vector_load %arg21[%get3A_731, %get3A_732] {strides = array<i32>} : memref<64x128xf32, #tpu.memory_space<vmem>>, vector<1x16xf32>,
        %get3A_734 = vector.shape_cast %get3A_733 : vector<1x16xf32> to vector<16xf32>
        %max3A_735 = arith.constant 0.000000e+00 : f32
        %max3A_736 = vector.broadcast %max3A_735 : f32 to vector<16xf32>
        %max3A_737 = arith.maximumf %get3A_734, %max3A_736 : vector<16xf32>
        %swap3A_738 = arith.index_cast %scan3A_682 : i32 to index
        %swap3A_739 = arith.constant 64 : index
        %swap3A_740 = tpu.vector_load %arg29[%swap3A_738, %swap3A_739] {strides = array<i32>} : memref<64x128xf32, #tpu.memory_space<vmem>>, vector<1x16xf32>,
        %swap3A_741 = vector.shape_cast %swap3A_740 : vector<1x16xf32> to vector<16xf32>
        %swap3A_742 = vector.shape_cast %max3A_737 : vector<16xf32> to vector<1x16xf32>
        tpu.vector_store %arg29[%swap3A_738, %swap3A_739], %swap3A_742 {strides = array<i32>} : memref<64x128xf32, #tpu.memory_space<vmem>>, vector<1x16xf32>,
        %get3A_743 = arith.index_cast %scan3A_682 : i32 to index
        %get3A_744 = arith.constant 80 : index
        %get3A_745 = tpu.vector_load %arg21[%get3A_743, %get3A_744] {strides = array<i32>} : memref<64x128xf32, #tpu.memory_space<vmem>>, vector<1x16xf32>,
        %get3A_746 = vector.shape_cast %get3A_745 : vector<1x16xf32> to vector<16xf32>
        %max3A_747 = arith.constant 0.000000e+00 : f32
        %max3A_748 = vector.broadcast %max3A_747 : f32 to vector<16xf32>
        %max3A_749 = arith.maximumf %get3A_746, %max3A_748 : vector<16xf32>
        %swap3A_750 = arith.index_cast %scan3A_682 : i32 to index
        %swap3A_751 = arith.constant 80 : index
        %swap3A_752 = tpu.vector_load %arg29[%swap3A_750, %swap3A_751] {strides = array<i32>} : memref<64x128xf32, #tpu.memory_space<vmem>>, vector<1x16xf32>,
        %swap3A_753 = vector.shape_cast %swap3A_752 : vector<1x16xf32> to vector<16xf32>
        %swap3A_754 = vector.shape_cast %max3A_749 : vector<16xf32> to vector<1x16xf32>
        tpu.vector_store %arg29[%swap3A_750, %swap3A_751], %swap3A_754 {strides = array<i32>} : memref<64x128xf32, #tpu.memory_space<vmem>>, vector<1x16xf32>,
        %get3A_755 = arith.index_cast %scan3A_682 : i32 to index
        %get3A_756 = arith.constant 96 : index
        %get3A_757 = tpu.vector_load %arg21[%get3A_755, %get3A_756] {strides = array<i32>} : memref<64x128xf32, #tpu.memory_space<vmem>>, vector<1x16xf32>,
        %get3A_758 = vector.shape_cast %get3A_757 : vector<1x16xf32> to vector<16xf32>
        %max3A_759 = arith.constant 0.000000e+00 : f32
        %max3A_760 = vector.broadcast %max3A_759 : f32 to vector<16xf32>
        %max3A_761 = arith.maximumf %get3A_758, %max3A_760 : vector<16xf32>
        %swap3A_762 = arith.index_cast %scan3A_682 : i32 to index
        %swap3A_763 = arith.constant 96 : index
        %swap3A_764 = tpu.vector_load %arg29[%swap3A_762, %swap3A_763] {strides = array<i32>} : memref<64x128xf32, #tpu.memory_space<vmem>>, vector<1x16xf32>,
        %swap3A_765 = vector.shape_cast %swap3A_764 : vector<1x16xf32> to vector<16xf32>
        %swap3A_766 = vector.shape_cast %max3A_761 : vector<16xf32> to vector<1x16xf32>
        tpu.vector_store %arg29[%swap3A_762, %swap3A_763], %swap3A_766 {strides = array<i32>} : memref<64x128xf32, #tpu.memory_space<vmem>>, vector<1x16xf32>,
        %get3A_767 = arith.index_cast %scan3A_682 : i32 to index
        %get3A_768 = arith.constant 112 : index
        %get3A_769 = tpu.vector_load %arg21[%get3A_767, %get3A_768] {strides = array<i32>} : memref<64x128xf32, #tpu.memory_space<vmem>>, vector<1x16xf32>,
        %get3A_770 = vector.shape_cast %get3A_769 : vector<1x16xf32> to vector<16xf32>
        %max3A_771 = arith.constant 0.000000e+00 : f32
        %max3A_772 = vector.broadcast %max3A_771 : f32 to vector<16xf32>
        %max3A_773 = arith.maximumf %get3A_770, %max3A_772 : vector<16xf32>
        %swap3A_774 = arith.index_cast %scan3A_682 : i32 to index
        %swap3A_775 = arith.constant 112 : index
        %swap3A_776 = tpu.vector_load %arg29[%swap3A_774, %swap3A_775] {strides = array<i32>} : memref<64x128xf32, #tpu.memory_space<vmem>>, vector<1x16xf32>,
        %swap3A_777 = vector.shape_cast %swap3A_776 : vector<1x16xf32> to vector<16xf32>
        %swap3A_778 = vector.shape_cast %max3A_773 : vector<16xf32> to vector<1x16xf32>
        tpu.vector_store %arg29[%swap3A_774, %swap3A_775], %swap3A_778 {strides = array<i32>} : memref<64x128xf32, #tpu.memory_space<vmem>>, vector<1x16xf32>,
        %scan3A_779 = arith.constant 3 : i32
        %scan3A_780 = arith.addi %scan3A_487, %scan3A_779 : i32
        %get3A_781 = arith.index_cast %scan3A_780 : i32 to index
        %get3A_782 = arith.constant 0 : index
        %get3A_783 = tpu.vector_load %arg21[%get3A_781, %get3A_782] {strides = array<i32>} : memref<64x128xf32, #tpu.memory_space<vmem>>, vector<1x16xf32>,
        %get3A_784 = vector.shape_cast %get3A_783 : vector<1x16xf32> to vector<16xf32>
        %max3A_785 = arith.constant 0.000000e+00 : f32
        %max3A_786 = vector.broadcast %max3A_785 : f32 to vector<16xf32>
        %max3A_787 = arith.maximumf %get3A_784, %max3A_786 : vector<16xf32>
        %swap3A_788 = arith.index_cast %scan3A_780 : i32 to index
        %swap3A_789 = arith.constant 0 : index
        %swap3A_790 = tpu.vector_load %arg29[%swap3A_788, %swap3A_789] {strides = array<i32>} : memref<64x128xf32, #tpu.memory_space<vmem>>, vector<1x16xf32>,
        %swap3A_791 = vector.shape_cast %swap3A_790 : vector<1x16xf32> to vector<16xf32>
        %swap3A_792 = vector.shape_cast %max3A_787 : vector<16xf32> to vector<1x16xf32>
        tpu.vector_store %arg29[%swap3A_788, %swap3A_789], %swap3A_792 {strides = array<i32>} : memref<64x128xf32, #tpu.memory_space<vmem>>, vector<1x16xf32>,
        %get3A_793 = arith.index_cast %scan3A_780 : i32 to index
        %get3A_794 = arith.constant 16 : index
        %get3A_795 = tpu.vector_load %arg21[%get3A_793, %get3A_794] {strides = array<i32>} : memref<64x128xf32, #tpu.memory_space<vmem>>, vector<1x16xf32>,
        %get3A_796 = vector.shape_cast %get3A_795 : vector<1x16xf32> to vector<16xf32>
        %max3A_797 = arith.constant 0.000000e+00 : f32
        %max3A_798 = vector.broadcast %max3A_797 : f32 to vector<16xf32>
        %max3A_799 = arith.maximumf %get3A_796, %max3A_798 : vector<16xf32>
        %swap3A_800 = arith.index_cast %scan3A_780 : i32 to index
        %swap3A_801 = arith.constant 16 : index
        %swap3A_802 = tpu.vector_load %arg29[%swap3A_800, %swap3A_801] {strides = array<i32>} : memref<64x128xf32, #tpu.memory_space<vmem>>, vector<1x16xf32>,
        %swap3A_803 = vector.shape_cast %swap3A_802 : vector<1x16xf32> to vector<16xf32>
        %swap3A_804 = vector.shape_cast %max3A_799 : vector<16xf32> to vector<1x16xf32>
        tpu.vector_store %arg29[%swap3A_800, %swap3A_801], %swap3A_804 {strides = array<i32>} : memref<64x128xf32, #tpu.memory_space<vmem>>, vector<1x16xf32>,
        %get3A_805 = arith.index_cast %scan3A_780 : i32 to index
        %get3A_806 = arith.constant 32 : index
        %get3A_807 = tpu.vector_load %arg21[%get3A_805, %get3A_806] {strides = array<i32>} : memref<64x128xf32, #tpu.memory_space<vmem>>, vector<1x16xf32>,
        %get3A_808 = vector.shape_cast %get3A_807 : vector<1x16xf32> to vector<16xf32>
        %max3A_809 = arith.constant 0.000000e+00 : f32
        %max3A_810 = vector.broadcast %max3A_809 : f32 to vector<16xf32>
        %max3A_811 = arith.maximumf %get3A_808, %max3A_810 : vector<16xf32>
        %swap3A_812 = arith.index_cast %scan3A_780 : i32 to index
        %swap3A_813 = arith.constant 32 : index
        %swap3A_814 = tpu.vector_load %arg29[%swap3A_812, %swap3A_813] {strides = array<i32>} : memref<64x128xf32, #tpu.memory_space<vmem>>, vector<1x16xf32>,
        %swap3A_815 = vector.shape_cast %swap3A_814 : vector<1x16xf32> to vector<16xf32>
        %swap3A_816 = vector.shape_cast %max3A_811 : vector<16xf32> to vector<1x16xf32>
        tpu.vector_store %arg29[%swap3A_812, %swap3A_813], %swap3A_816 {strides = array<i32>} : memref<64x128xf32, #tpu.memory_space<vmem>>, vector<1x16xf32>,
        %get3A_817 = arith.index_cast %scan3A_780 : i32 to index
        %get3A_818 = arith.constant 48 : index
        %get3A_819 = tpu.vector_load %arg21[%get3A_817, %get3A_818] {strides = array<i32>} : memref<64x128xf32, #tpu.memory_space<vmem>>, vector<1x16xf32>,
        %get3A_820 = vector.shape_cast %get3A_819 : vector<1x16xf32> to vector<16xf32>
        %max3A_821 = arith.constant 0.000000e+00 : f32
        %max3A_822 = vector.broadcast %max3A_821 : f32 to vector<16xf32>
        %max3A_823 = arith.maximumf %get3A_820, %max3A_822 : vector<16xf32>
        %swap3A_824 = arith.index_cast %scan3A_780 : i32 to index
        %swap3A_825 = arith.constant 48 : index
        %swap3A_826 = tpu.vector_load %arg29[%swap3A_824, %swap3A_825] {strides = array<i32>} : memref<64x128xf32, #tpu.memory_space<vmem>>, vector<1x16xf32>,
        %swap3A_827 = vector.shape_cast %swap3A_826 : vector<1x16xf32> to vector<16xf32>
        %swap3A_828 = vector.shape_cast %max3A_823 : vector<16xf32> to vector<1x16xf32>
        tpu.vector_store %arg29[%swap3A_824, %swap3A_825], %swap3A_828 {strides = array<i32>} : memref<64x128xf32, #tpu.memory_space<vmem>>, vector<1x16xf32>,
        %get3A_829 = arith.index_cast %scan3A_780 : i32 to index
        %get3A_830 = arith.constant 64 : index
        %get3A_831 = tpu.vector_load %arg21[%get3A_829, %get3A_830] {strides = array<i32>} : memref<64x128xf32, #tpu.memory_space<vmem>>, vector<1x16xf32>,
        %get3A_832 = vector.shape_cast %get3A_831 : vector<1x16xf32> to vector<16xf32>
        %max3A_833 = arith.constant 0.000000e+00 : f32
        %max3A_834 = vector.broadcast %max3A_833 : f32 to vector<16xf32>
        %max3A_835 = arith.maximumf %get3A_832, %max3A_834 : vector<16xf32>
        %swap3A_836 = arith.index_cast %scan3A_780 : i32 to index
        %swap3A_837 = arith.constant 64 : index
        %swap3A_838 = tpu.vector_load %arg29[%swap3A_836, %swap3A_837] {strides = array<i32>} : memref<64x128xf32, #tpu.memory_space<vmem>>, vector<1x16xf32>,
        %swap3A_839 = vector.shape_cast %swap3A_838 : vector<1x16xf32> to vector<16xf32>
        %swap3A_840 = vector.shape_cast %max3A_835 : vector<16xf32> to vector<1x16xf32>
        tpu.vector_store %arg29[%swap3A_836, %swap3A_837], %swap3A_840 {strides = array<i32>} : memref<64x128xf32, #tpu.memory_space<vmem>>, vector<1x16xf32>,
        %get3A_841 = arith.index_cast %scan3A_780 : i32 to index
        %get3A_842 = arith.constant 80 : index
        %get3A_843 = tpu.vector_load %arg21[%get3A_841, %get3A_842] {strides = array<i32>} : memref<64x128xf32, #tpu.memory_space<vmem>>, vector<1x16xf32>,
        %get3A_844 = vector.shape_cast %get3A_843 : vector<1x16xf32> to vector<16xf32>
        %max3A_845 = arith.constant 0.000000e+00 : f32
        %max3A_846 = vector.broadcast %max3A_845 : f32 to vector<16xf32>
        %max3A_847 = arith.maximumf %get3A_844, %max3A_846 : vector<16xf32>
        %swap3A_848 = arith.index_cast %scan3A_780 : i32 to index
        %swap3A_849 = arith.constant 80 : index
        %swap3A_850 = tpu.vector_load %arg29[%swap3A_848, %swap3A_849] {strides = array<i32>} : memref<64x128xf32, #tpu.memory_space<vmem>>, vector<1x16xf32>,
        %swap3A_851 = vector.shape_cast %swap3A_850 : vector<1x16xf32> to vector<16xf32>
        %swap3A_852 = vector.shape_cast %max3A_847 : vector<16xf32> to vector<1x16xf32>
        tpu.vector_store %arg29[%swap3A_848, %swap3A_849], %swap3A_852 {strides = array<i32>} : memref<64x128xf32, #tpu.memory_space<vmem>>, vector<1x16xf32>,
        %get3A_853 = arith.index_cast %scan3A_780 : i32 to index
        %get3A_854 = arith.constant 96 : index
        %get3A_855 = tpu.vector_load %arg21[%get3A_853, %get3A_854] {strides = array<i32>} : memref<64x128xf32, #tpu.memory_space<vmem>>, vector<1x16xf32>,
        %get3A_856 = vector.shape_cast %get3A_855 : vector<1x16xf32> to vector<16xf32>
        %max3A_857 = arith.constant 0.000000e+00 : f32
        %max3A_858 = vector.broadcast %max3A_857 : f32 to vector<16xf32>
        %max3A_859 = arith.maximumf %get3A_856, %max3A_858 : vector<16xf32>
        %swap3A_860 = arith.index_cast %scan3A_780 : i32 to index
        %swap3A_861 = arith.constant 96 : index
        %swap3A_862 = tpu.vector_load %arg29[%swap3A_860, %swap3A_861] {strides = array<i32>} : memref<64x128xf32, #tpu.memory_space<vmem>>, vector<1x16xf32>,
        %swap3A_863 = vector.shape_cast %swap3A_862 : vector<1x16xf32> to vector<16xf32>
        %swap3A_864 = vector.shape_cast %max3A_859 : vector<16xf32> to vector<1x16xf32>
        tpu.vector_store %arg29[%swap3A_860, %swap3A_861], %swap3A_864 {strides = array<i32>} : memref<64x128xf32, #tpu.memory_space<vmem>>, vector<1x16xf32>,
        %get3A_865 = arith.index_cast %scan3A_780 : i32 to index
        %get3A_866 = arith.constant 112 : index
        %get3A_867 = tpu.vector_load %arg21[%get3A_865, %get3A_866] {strides = array<i32>} : memref<64x128xf32, #tpu.memory_space<vmem>>, vector<1x16xf32>,
        %get3A_868 = vector.shape_cast %get3A_867 : vector<1x16xf32> to vector<16xf32>
        %max3A_869 = arith.constant 0.000000e+00 : f32
        %max3A_870 = vector.broadcast %max3A_869 : f32 to vector<16xf32>
        %max3A_871 = arith.maximumf %get3A_868, %max3A_870 : vector<16xf32>
        %swap3A_872 = arith.index_cast %scan3A_780 : i32 to index
        %swap3A_873 = arith.constant 112 : index
        %swap3A_874 = tpu.vector_load %arg29[%swap3A_872, %swap3A_873] {strides = array<i32>} : memref<64x128xf32, #tpu.memory_space<vmem>>, vector<1x16xf32>,
        %swap3A_875 = vector.shape_cast %swap3A_874 : vector<1x16xf32> to vector<16xf32>
        %swap3A_876 = vector.shape_cast %max3A_871 : vector<16xf32> to vector<1x16xf32>
        tpu.vector_store %arg29[%swap3A_872, %swap3A_873], %swap3A_876 {strides = array<i32>} : memref<64x128xf32, #tpu.memory_space<vmem>>, vector<1x16xf32>,
      }
      %scan3A_436 = arith.constant 64 : i32
      %mul3A_437 = arith.constant 32 : i32
      %mul3A_438 = arith.muli %add3A, %mul3A_437 : i32
      %add3A_439 = arith.addi %mul3A_438, %scan3A_137 : i32
      %mul3A_440 = arith.constant 256 : i32
      %mul3A_441 = arith.muli %add3A_439, %mul3A_440 : i32
      %add3A_442 = arith.constant 128 : i32
      %add3A_443 = arith.addi %mul3A_441, %add3A_442 : i32
      %dma_start3A_444 = arith.constant 0 : i32
      %dma_start3A_445 = tpu.memref_slice %arg6[%add3A_443, %dma_start3A_444] : memref<262144x128xf32, #tpu.memory_space<hbm>> -> memref<64x128xf32, #tpu.memory_space<hbm>>
      %dma_start3A_446 = arith.constant 0 : i32
      %dma_start3A_447 = tpu.memref_slice %arg6[%add3A_443, %dma_start3A_446] : memref<262144x128xf32, #tpu.memory_space<hbm>> -> memref<64x128xf32, #tpu.memory_space<hbm>>
      tpu.enqueue_dma source(%arg29 : memref<64x128xf32, #tpu.memory_space<vmem>>) target(%dma_start3A_447 : memref<64x128xf32, #tpu.memory_space<hbm>>) target_semaphore(%arg37 : memref<!tpu.dma_semaphore, #tpu.memory_space<semaphore_mem>>)
      %dma_wait3A_448 = arith.constant 0 : i32
      %dma_wait3A_449 = arith.constant 0 : i32
      %dma_wait3A_450 = tpu.memref_slice %arg6[%dma_wait3A_448, %dma_wait3A_449] : memref<262144x128xf32, #tpu.memory_space<hbm>> -> memref<64x128xf32, #tpu.memory_space<hbm>>
      %dma_wait3A_451 = arith.constant 0 : i32
      %dma_wait3A_452 = arith.constant 0 : i32
      %dma_wait3A_453 = tpu.memref_slice %arg6[%dma_wait3A_451, %dma_wait3A_452] : memref<262144x128xf32, #tpu.memory_space<hbm>> -> memref<64x128xf32, #tpu.memory_space<hbm>>
      tpu.wait_dma2 semaphore(%arg35 : memref<!tpu.dma_semaphore, #tpu.memory_space<semaphore_mem>>) src(%arg27 : memref<64x128xf32, #tpu.memory_space<vmem>>) dst(%dma_wait3A_453 : memref<64x128xf32, #tpu.memory_space<hbm>>)
      %add3A_454 = arith.constant 1 : i32
      %add3A_455 = arith.addi %scan3A_137, %add3A_454 : i32
      %lt3A_456 = arith.constant 32 : i32
      %lt3A_457 = arith.cmpi slt, %add3A_455, %lt3A_456 : i32
      %convert_element_type3A_458 = arith.extui %lt3A_457 : i1 to i32
      %cond3A_459 = arith.constant 0 : i32
      %cond3A_460 = arith.cmpi ne, %convert_element_type3A_458, %cond3A_459 : i32
      scf.if %cond3A_460 {
        %add3A_487 = arith.constant 1 : i32
        %add3A_488 = arith.addi %scan3A_137, %add3A_487 : i32
        %add3A_489 = arith.addi %mul3A_32, %add3A_488 : i32
        %get3A_490 = arith.index_cast %add3A_489 : i32 to index
        %get3A_491 = tpu.vector_load %arg9[%get3A_490] {strides = array<i32>} : memref<272xi32, #tpu.memory_space<vmem>>, vector<16xi32>,
        %get3A_492 = vector.shape_cast %get3A_491 : vector<16xi32> to vector<16xi32>
        %slice3A_493 = vector.extract_strided_slice %get3A_492 {offsets = [0], sizes = [1], strides = [1]} : vector<16xi32> to vector<1xi32>
        %squeeze3A_494 = vector.extract %slice3A_493[0] : i32 from vector<1xi32>
        %add3A_495 = arith.constant 512 : i32
        %add3A_496 = arith.addi %squeeze3A_494, %add3A_495 : i32
        %broadcast_in_dim3A_497 = vector.broadcast %add3A_496 : i32 to vector<16xi32>
        %get3A_498 = arith.index_cast %add3A_489 : i32 to index
        %get3A_499 = tpu.vector_load %arg10[%get3A_498] {strides = array<i32>} : memref<272xi32, #tpu.memory_space<vmem>>, vector<16xi32>,
        %get3A_500 = vector.shape_cast %get3A_499 : vector<16xi32> to vector<16xi32>
        %slice3A_501 = vector.extract_strided_slice %get3A_500 {offsets = [0], sizes = [1], strides = [1]} : vector<16xi32> to vector<1xi32>
        %squeeze3A_502 = vector.extract %slice3A_501[0] : i32 from vector<1xi32>
        %add3A_503 = arith.constant 512 : i32
        %add3A_504 = arith.addi %squeeze3A_502, %add3A_503 : i32
        %broadcast_in_dim3A_505 = vector.broadcast %add3A_504 : i32 to vector<16xi32>
        %get3A_506 = arith.constant 0 : index
        %get3A_507 = tpu.vector_load %arg9[%get3A_506] {strides = array<i32>} : memref<272xi32, #tpu.memory_space<vmem>>, vector<16xi32>,
        %get3A_508 = vector.shape_cast %get3A_507 : vector<16xi32> to vector<16xi32>
        %sub3A_509 = arith.subi %broadcast_in_dim3A_497, %get3A_508 : vector<16xi32>
        %swap3A_510 = arith.constant 0 : index
        %swap3A_511 = tpu.vector_load %arg11[%swap3A_510] {strides = array<i32>} : memref<64xi32, #tpu.memory_space<vmem>>, vector<16xi32>,
        %swap3A_512 = vector.shape_cast %swap3A_511 : vector<16xi32> to vector<16xi32>
        %swap3A_513 = vector.shape_cast %sub3A_509 : vector<16xi32> to vector<16xi32>
        tpu.vector_store %arg11[%swap3A_510], %swap3A_513 {strides = array<i32>} : memref<64xi32, #tpu.memory_space<vmem>>, vector<16xi32>,
        %get3A_514 = arith.constant 0 : index
        %get3A_515 = tpu.vector_load %arg10[%get3A_514] {strides = array<i32>} : memref<272xi32, #tpu.memory_space<vmem>>, vector<16xi32>,
        %get3A_516 = vector.shape_cast %get3A_515 : vector<16xi32> to vector<16xi32>
        %sub3A_517 = arith.subi %broadcast_in_dim3A_505, %get3A_516 : vector<16xi32>
        %swap3A_518 = arith.constant 0 : index
        %swap3A_519 = tpu.vector_load %arg15[%swap3A_518] {strides = array<i32>} : memref<64xi32, #tpu.memory_space<vmem>>, vector<16xi32>,
        %swap3A_520 = vector.shape_cast %swap3A_519 : vector<16xi32> to vector<16xi32>
        %swap3A_521 = vector.shape_cast %sub3A_517 : vector<16xi32> to vector<16xi32>
        tpu.vector_store %arg15[%swap3A_518], %swap3A_521 {strides = array<i32>} : memref<64xi32, #tpu.memory_space<vmem>>, vector<16xi32>,
        %get3A_522 = arith.constant 16 : index
        %get3A_523 = tpu.vector_load %arg9[%get3A_522] {strides = array<i32>} : memref<272xi32, #tpu.memory_space<vmem>>, vector<16xi32>,
        %get3A_524 = vector.shape_cast %get3A_523 : vector<16xi32> to vector<16xi32>
        %sub3A_525 = arith.subi %broadcast_in_dim3A_497, %get3A_524 : vector<16xi32>
        %swap3A_526 = arith.constant 16 : index
        %swap3A_527 = tpu.vector_load %arg11[%swap3A_526] {strides = array<i32>} : memref<64xi32, #tpu.memory_space<vmem>>, vector<16xi32>,
        %swap3A_528 = vector.shape_cast %swap3A_527 : vector<16xi32> to vector<16xi32>
        %swap3A_529 = vector.shape_cast %sub3A_525 : vector<16xi32> to vector<16xi32>
        tpu.vector_store %arg11[%swap3A_526], %swap3A_529 {strides = array<i32>} : memref<64xi32, #tpu.memory_space<vmem>>, vector<16xi32>,
        %get3A_530 = arith.constant 16 : index
        %get3A_531 = tpu.vector_load %arg10[%get3A_530] {strides = array<i32>} : memref<272xi32, #tpu.memory_space<vmem>>, vector<16xi32>,
        %get3A_532 = vector.shape_cast %get3A_531 : vector<16xi32> to vector<16xi32>
        %sub3A_533 = arith.subi %broadcast_in_dim3A_505, %get3A_532 : vector<16xi32>
        %swap3A_534 = arith.constant 16 : index
        %swap3A_535 = tpu.vector_load %arg15[%swap3A_534] {strides = array<i32>} : memref<64xi32, #tpu.memory_space<vmem>>, vector<16xi32>,
        %swap3A_536 = vector.shape_cast %swap3A_535 : vector<16xi32> to vector<16xi32>
        %swap3A_537 = vector.shape_cast %sub3A_533 : vector<16xi32> to vector<16xi32>
        tpu.vector_store %arg15[%swap3A_534], %swap3A_537 {strides = array<i32>} : memref<64xi32, #tpu.memory_space<vmem>>, vector<16xi32>,
        %get3A_538 = arith.constant 32 : index
        %get3A_539 = tpu.vector_load %arg9[%get3A_538] {strides = array<i32>} : memref<272xi32, #tpu.memory_space<vmem>>, vector<16xi32>,
        %get3A_540 = vector.shape_cast %get3A_539 : vector<16xi32> to vector<16xi32>
        %sub3A_541 = arith.subi %broadcast_in_dim3A_497, %get3A_540 : vector<16xi32>
        %swap3A_542 = arith.constant 32 : index
        %swap3A_543 = tpu.vector_load %arg11[%swap3A_542] {strides = array<i32>} : memref<64xi32, #tpu.memory_space<vmem>>, vector<16xi32>,
        %swap3A_544 = vector.shape_cast %swap3A_543 : vector<16xi32> to vector<16xi32>
        %swap3A_545 = vector.shape_cast %sub3A_541 : vector<16xi32> to vector<16xi32>
        tpu.vector_store %arg11[%swap3A_542], %swap3A_545 {strides = array<i32>} : memref<64xi32, #tpu.memory_space<vmem>>, vector<16xi32>,
        %get3A_546 = arith.constant 32 : index
        %get3A_547 = tpu.vector_load %arg10[%get3A_546] {strides = array<i32>} : memref<272xi32, #tpu.memory_space<vmem>>, vector<16xi32>,
        %get3A_548 = vector.shape_cast %get3A_547 : vector<16xi32> to vector<16xi32>
        %sub3A_549 = arith.subi %broadcast_in_dim3A_505, %get3A_548 : vector<16xi32>
        %swap3A_550 = arith.constant 32 : index
        %swap3A_551 = tpu.vector_load %arg15[%swap3A_550] {strides = array<i32>} : memref<64xi32, #tpu.memory_space<vmem>>, vector<16xi32>,
        %swap3A_552 = vector.shape_cast %swap3A_551 : vector<16xi32> to vector<16xi32>
        %swap3A_553 = vector.shape_cast %sub3A_549 : vector<16xi32> to vector<16xi32>
        tpu.vector_store %arg15[%swap3A_550], %swap3A_553 {strides = array<i32>} : memref<64xi32, #tpu.memory_space<vmem>>, vector<16xi32>,
        %get3A_554 = arith.constant 48 : index
        %get3A_555 = tpu.vector_load %arg9[%get3A_554] {strides = array<i32>} : memref<272xi32, #tpu.memory_space<vmem>>, vector<16xi32>,
        %get3A_556 = vector.shape_cast %get3A_555 : vector<16xi32> to vector<16xi32>
        %sub3A_557 = arith.subi %broadcast_in_dim3A_497, %get3A_556 : vector<16xi32>
        %swap3A_558 = arith.constant 48 : index
        %swap3A_559 = tpu.vector_load %arg11[%swap3A_558] {strides = array<i32>} : memref<64xi32, #tpu.memory_space<vmem>>, vector<16xi32>,
        %swap3A_560 = vector.shape_cast %swap3A_559 : vector<16xi32> to vector<16xi32>
        %swap3A_561 = vector.shape_cast %sub3A_557 : vector<16xi32> to vector<16xi32>
        tpu.vector_store %arg11[%swap3A_558], %swap3A_561 {strides = array<i32>} : memref<64xi32, #tpu.memory_space<vmem>>, vector<16xi32>,
        %get3A_562 = arith.constant 48 : index
        %get3A_563 = tpu.vector_load %arg10[%get3A_562] {strides = array<i32>} : memref<272xi32, #tpu.memory_space<vmem>>, vector<16xi32>,
        %get3A_564 = vector.shape_cast %get3A_563 : vector<16xi32> to vector<16xi32>
        %sub3A_565 = arith.subi %broadcast_in_dim3A_505, %get3A_564 : vector<16xi32>
        %swap3A_566 = arith.constant 48 : index
        %swap3A_567 = tpu.vector_load %arg15[%swap3A_566] {strides = array<i32>} : memref<64xi32, #tpu.memory_space<vmem>>, vector<16xi32>,
        %swap3A_568 = vector.shape_cast %swap3A_567 : vector<16xi32> to vector<16xi32>
        %swap3A_569 = vector.shape_cast %sub3A_565 : vector<16xi32> to vector<16xi32>
        tpu.vector_store %arg15[%swap3A_566], %swap3A_569 {strides = array<i32>} : memref<64xi32, #tpu.memory_space<vmem>>, vector<16xi32>,
        %dma_start3A_570 = arith.constant 0 : i32
        %dma_start3A_571 = arith.constant 0 : i32
        %dma_start3A_572 = tpu.memref_slice %arg7[%dma_start3A_570, %dma_start3A_571] : memref<1025x128xf32, #tpu.memory_space<vmem_shared>> -> memref<1025x128xf32, #tpu.memory_space<vmem_shared>>
        tpu.enqueue_indirect_dma source(%dma_start3A_572 : memref<1025x128xf32, #tpu.memory_space<vmem_shared>>) target(%arg19 : memref<64x128xf32, #tpu.memory_space<vmem>>) offsets(%arg11 : memref<64xi32, #tpu.memory_space<vmem>>) semaphore(%arg31 : memref<!tpu.dma_semaphore, #tpu.memory_space<semaphore_mem>>)
      } else {
      }
      %dma_wait3A_461 = arith.constant 0 : i32
      %dma_wait3A_462 = arith.constant 0 : i32
      %dma_wait3A_463 = tpu.memref_slice %arg7[%dma_wait3A_461, %dma_wait3A_462] : memref<1025x128xf32, #tpu.memory_space<vmem_shared>> -> memref<1025x128xf32, #tpu.memory_space<vmem_shared>>
      tpu.wait_indirect_dma semaphore(%arg34 : memref<!tpu.dma_semaphore, #tpu.memory_space<semaphore_mem>>) src(%dma_wait3A_463 : memref<1025x128xf32, #tpu.memory_space<vmem_shared>>) dst(%arg22 : memref<64x128xf32, #tpu.memory_space<vmem>>)
      %dma_start3A_464 = arith.constant 0 : i32
      %dma_start3A_465 = arith.constant 0 : i32
      %dma_start3A_466 = tpu.memref_slice %arg8[%dma_start3A_464, %dma_start3A_465] : memref<1025x128xf32, #tpu.memory_space<vmem_shared>> -> memref<1025x128xf32, #tpu.memory_space<vmem_shared>>
      tpu.enqueue_indirect_dma source(%dma_start3A_466 : memref<1025x128xf32, #tpu.memory_space<vmem_shared>>) target(%arg22 : memref<64x128xf32, #tpu.memory_space<vmem>>) offsets(%arg18 : memref<64xi32, #tpu.memory_space<vmem>>) semaphore(%arg34 : memref<!tpu.dma_semaphore, #tpu.memory_space<semaphore_mem>>) {add = true}
      %dma_wait3A_467 = arith.constant 0 : i32
      %dma_wait3A_468 = arith.constant 0 : i32
      %dma_wait3A_469 = tpu.memref_slice %arg8[%dma_wait3A_467, %dma_wait3A_468] : memref<1025x128xf32, #tpu.memory_space<vmem_shared>> -> memref<1025x128xf32, #tpu.memory_space<vmem_shared>>
      tpu.wait_indirect_dma semaphore(%arg34 : memref<!tpu.dma_semaphore, #tpu.memory_space<semaphore_mem>>) src(%dma_wait3A_469 : memref<1025x128xf32, #tpu.memory_space<vmem_shared>>) dst(%arg22 : memref<64x128xf32, #tpu.memory_space<vmem>>)
      %scan3A_470 = arith.constant 0 : i32
      %scan3A_471 = arith.constant 0 : i32
      %scan3A_472 = arith.constant 64 : i32
      %scan3A_473 = arith.addi %scan3A_471, %scan3A_472 : i32
      %scan3A_474 = arith.constant 4 : i32
      scf.for %scan3A_487 = %scan3A_471 to %scan3A_473 step %scan3A_474  : i32 {
        %get3A_488 = arith.index_cast %scan3A_487 : i32 to index
        %get3A_489 = arith.constant 0 : index
        %get3A_490 = tpu.vector_load %arg22[%get3A_488, %get3A_489] {strides = array<i32>} : memref<64x128xf32, #tpu.memory_space<vmem>>, vector<1x16xf32>,
        %get3A_491 = vector.shape_cast %get3A_490 : vector<1x16xf32> to vector<16xf32>
        %max3A = arith.constant 0.000000e+00 : f32
        %max3A_492 = vector.broadcast %max3A : f32 to vector<16xf32>
        %max3A_493 = arith.maximumf %get3A_491, %max3A_492 : vector<16xf32>
        %swap3A_494 = arith.index_cast %scan3A_487 : i32 to index
        %swap3A_495 = arith.constant 0 : index
        %swap3A_496 = tpu.vector_load %arg30[%swap3A_494, %swap3A_495] {strides = array<i32>} : memref<64x128xf32, #tpu.memory_space<vmem>>, vector<1x16xf32>,
        %swap3A_497 = vector.shape_cast %swap3A_496 : vector<1x16xf32> to vector<16xf32>
        %swap3A_498 = vector.shape_cast %max3A_493 : vector<16xf32> to vector<1x16xf32>
        tpu.vector_store %arg30[%swap3A_494, %swap3A_495], %swap3A_498 {strides = array<i32>} : memref<64x128xf32, #tpu.memory_space<vmem>>, vector<1x16xf32>,
        %get3A_499 = arith.index_cast %scan3A_487 : i32 to index
        %get3A_500 = arith.constant 16 : index
        %get3A_501 = tpu.vector_load %arg22[%get3A_499, %get3A_500] {strides = array<i32>} : memref<64x128xf32, #tpu.memory_space<vmem>>, vector<1x16xf32>,
        %get3A_502 = vector.shape_cast %get3A_501 : vector<1x16xf32> to vector<16xf32>
        %max3A_503 = arith.constant 0.000000e+00 : f32
        %max3A_504 = vector.broadcast %max3A_503 : f32 to vector<16xf32>
        %max3A_505 = arith.maximumf %get3A_502, %max3A_504 : vector<16xf32>
        %swap3A_506 = arith.index_cast %scan3A_487 : i32 to index
        %swap3A_507 = arith.constant 16 : index
        %swap3A_508 = tpu.vector_load %arg30[%swap3A_506, %swap3A_507] {strides = array<i32>} : memref<64x128xf32, #tpu.memory_space<vmem>>, vector<1x16xf32>,
        %swap3A_509 = vector.shape_cast %swap3A_508 : vector<1x16xf32> to vector<16xf32>
        %swap3A_510 = vector.shape_cast %max3A_505 : vector<16xf32> to vector<1x16xf32>
        tpu.vector_store %arg30[%swap3A_506, %swap3A_507], %swap3A_510 {strides = array<i32>} : memref<64x128xf32, #tpu.memory_space<vmem>>, vector<1x16xf32>,
        %get3A_511 = arith.index_cast %scan3A_487 : i32 to index
        %get3A_512 = arith.constant 32 : index
        %get3A_513 = tpu.vector_load %arg22[%get3A_511, %get3A_512] {strides = array<i32>} : memref<64x128xf32, #tpu.memory_space<vmem>>, vector<1x16xf32>,
        %get3A_514 = vector.shape_cast %get3A_513 : vector<1x16xf32> to vector<16xf32>
        %max3A_515 = arith.constant 0.000000e+00 : f32
        %max3A_516 = vector.broadcast %max3A_515 : f32 to vector<16xf32>
        %max3A_517 = arith.maximumf %get3A_514, %max3A_516 : vector<16xf32>
        %swap3A_518 = arith.index_cast %scan3A_487 : i32 to index
        %swap3A_519 = arith.constant 32 : index
        %swap3A_520 = tpu.vector_load %arg30[%swap3A_518, %swap3A_519] {strides = array<i32>} : memref<64x128xf32, #tpu.memory_space<vmem>>, vector<1x16xf32>,
        %swap3A_521 = vector.shape_cast %swap3A_520 : vector<1x16xf32> to vector<16xf32>
        %swap3A_522 = vector.shape_cast %max3A_517 : vector<16xf32> to vector<1x16xf32>
        tpu.vector_store %arg30[%swap3A_518, %swap3A_519], %swap3A_522 {strides = array<i32>} : memref<64x128xf32, #tpu.memory_space<vmem>>, vector<1x16xf32>,
        %get3A_523 = arith.index_cast %scan3A_487 : i32 to index
        %get3A_524 = arith.constant 48 : index
        %get3A_525 = tpu.vector_load %arg22[%get3A_523, %get3A_524] {strides = array<i32>} : memref<64x128xf32, #tpu.memory_space<vmem>>, vector<1x16xf32>,
        %get3A_526 = vector.shape_cast %get3A_525 : vector<1x16xf32> to vector<16xf32>
        %max3A_527 = arith.constant 0.000000e+00 : f32
        %max3A_528 = vector.broadcast %max3A_527 : f32 to vector<16xf32>
        %max3A_529 = arith.maximumf %get3A_526, %max3A_528 : vector<16xf32>
        %swap3A_530 = arith.index_cast %scan3A_487 : i32 to index
        %swap3A_531 = arith.constant 48 : index
        %swap3A_532 = tpu.vector_load %arg30[%swap3A_530, %swap3A_531] {strides = array<i32>} : memref<64x128xf32, #tpu.memory_space<vmem>>, vector<1x16xf32>,
        %swap3A_533 = vector.shape_cast %swap3A_532 : vector<1x16xf32> to vector<16xf32>
        %swap3A_534 = vector.shape_cast %max3A_529 : vector<16xf32> to vector<1x16xf32>
        tpu.vector_store %arg30[%swap3A_530, %swap3A_531], %swap3A_534 {strides = array<i32>} : memref<64x128xf32, #tpu.memory_space<vmem>>, vector<1x16xf32>,
        %get3A_535 = arith.index_cast %scan3A_487 : i32 to index
        %get3A_536 = arith.constant 64 : index
        %get3A_537 = tpu.vector_load %arg22[%get3A_535, %get3A_536] {strides = array<i32>} : memref<64x128xf32, #tpu.memory_space<vmem>>, vector<1x16xf32>,
        %get3A_538 = vector.shape_cast %get3A_537 : vector<1x16xf32> to vector<16xf32>
        %max3A_539 = arith.constant 0.000000e+00 : f32
        %max3A_540 = vector.broadcast %max3A_539 : f32 to vector<16xf32>
        %max3A_541 = arith.maximumf %get3A_538, %max3A_540 : vector<16xf32>
        %swap3A_542 = arith.index_cast %scan3A_487 : i32 to index
        %swap3A_543 = arith.constant 64 : index
        %swap3A_544 = tpu.vector_load %arg30[%swap3A_542, %swap3A_543] {strides = array<i32>} : memref<64x128xf32, #tpu.memory_space<vmem>>, vector<1x16xf32>,
        %swap3A_545 = vector.shape_cast %swap3A_544 : vector<1x16xf32> to vector<16xf32>
        %swap3A_546 = vector.shape_cast %max3A_541 : vector<16xf32> to vector<1x16xf32>
        tpu.vector_store %arg30[%swap3A_542, %swap3A_543], %swap3A_546 {strides = array<i32>} : memref<64x128xf32, #tpu.memory_space<vmem>>, vector<1x16xf32>,
        %get3A_547 = arith.index_cast %scan3A_487 : i32 to index
        %get3A_548 = arith.constant 80 : index
        %get3A_549 = tpu.vector_load %arg22[%get3A_547, %get3A_548] {strides = array<i32>} : memref<64x128xf32, #tpu.memory_space<vmem>>, vector<1x16xf32>,
        %get3A_550 = vector.shape_cast %get3A_549 : vector<1x16xf32> to vector<16xf32>
        %max3A_551 = arith.constant 0.000000e+00 : f32
        %max3A_552 = vector.broadcast %max3A_551 : f32 to vector<16xf32>
        %max3A_553 = arith.maximumf %get3A_550, %max3A_552 : vector<16xf32>
        %swap3A_554 = arith.index_cast %scan3A_487 : i32 to index
        %swap3A_555 = arith.constant 80 : index
        %swap3A_556 = tpu.vector_load %arg30[%swap3A_554, %swap3A_555] {strides = array<i32>} : memref<64x128xf32, #tpu.memory_space<vmem>>, vector<1x16xf32>,
        %swap3A_557 = vector.shape_cast %swap3A_556 : vector<1x16xf32> to vector<16xf32>
        %swap3A_558 = vector.shape_cast %max3A_553 : vector<16xf32> to vector<1x16xf32>
        tpu.vector_store %arg30[%swap3A_554, %swap3A_555], %swap3A_558 {strides = array<i32>} : memref<64x128xf32, #tpu.memory_space<vmem>>, vector<1x16xf32>,
        %get3A_559 = arith.index_cast %scan3A_487 : i32 to index
        %get3A_560 = arith.constant 96 : index
        %get3A_561 = tpu.vector_load %arg22[%get3A_559, %get3A_560] {strides = array<i32>} : memref<64x128xf32, #tpu.memory_space<vmem>>, vector<1x16xf32>,
        %get3A_562 = vector.shape_cast %get3A_561 : vector<1x16xf32> to vector<16xf32>
        %max3A_563 = arith.constant 0.000000e+00 : f32
        %max3A_564 = vector.broadcast %max3A_563 : f32 to vector<16xf32>
        %max3A_565 = arith.maximumf %get3A_562, %max3A_564 : vector<16xf32>
        %swap3A_566 = arith.index_cast %scan3A_487 : i32 to index
        %swap3A_567 = arith.constant 96 : index
        %swap3A_568 = tpu.vector_load %arg30[%swap3A_566, %swap3A_567] {strides = array<i32>} : memref<64x128xf32, #tpu.memory_space<vmem>>, vector<1x16xf32>,
        %swap3A_569 = vector.shape_cast %swap3A_568 : vector<1x16xf32> to vector<16xf32>
        %swap3A_570 = vector.shape_cast %max3A_565 : vector<16xf32> to vector<1x16xf32>
        tpu.vector_store %arg30[%swap3A_566, %swap3A_567], %swap3A_570 {strides = array<i32>} : memref<64x128xf32, #tpu.memory_space<vmem>>, vector<1x16xf32>,
        %get3A_571 = arith.index_cast %scan3A_487 : i32 to index
        %get3A_572 = arith.constant 112 : index
        %get3A_573 = tpu.vector_load %arg22[%get3A_571, %get3A_572] {strides = array<i32>} : memref<64x128xf32, #tpu.memory_space<vmem>>, vector<1x16xf32>,
        %get3A_574 = vector.shape_cast %get3A_573 : vector<1x16xf32> to vector<16xf32>
        %max3A_575 = arith.constant 0.000000e+00 : f32
        %max3A_576 = vector.broadcast %max3A_575 : f32 to vector<16xf32>
        %max3A_577 = arith.maximumf %get3A_574, %max3A_576 : vector<16xf32>
        %swap3A_578 = arith.index_cast %scan3A_487 : i32 to index
        %swap3A_579 = arith.constant 112 : index
        %swap3A_580 = tpu.vector_load %arg30[%swap3A_578, %swap3A_579] {strides = array<i32>} : memref<64x128xf32, #tpu.memory_space<vmem>>, vector<1x16xf32>,
        %swap3A_581 = vector.shape_cast %swap3A_580 : vector<1x16xf32> to vector<16xf32>
        %swap3A_582 = vector.shape_cast %max3A_577 : vector<16xf32> to vector<1x16xf32>
        tpu.vector_store %arg30[%swap3A_578, %swap3A_579], %swap3A_582 {strides = array<i32>} : memref<64x128xf32, #tpu.memory_space<vmem>>, vector<1x16xf32>,
        %scan3A_583 = arith.constant 1 : i32
        %scan3A_584 = arith.addi %scan3A_487, %scan3A_583 : i32
        %get3A_585 = arith.index_cast %scan3A_584 : i32 to index
        %get3A_586 = arith.constant 0 : index
        %get3A_587 = tpu.vector_load %arg22[%get3A_585, %get3A_586] {strides = array<i32>} : memref<64x128xf32, #tpu.memory_space<vmem>>, vector<1x16xf32>,
        %get3A_588 = vector.shape_cast %get3A_587 : vector<1x16xf32> to vector<16xf32>
        %max3A_589 = arith.constant 0.000000e+00 : f32
        %max3A_590 = vector.broadcast %max3A_589 : f32 to vector<16xf32>
        %max3A_591 = arith.maximumf %get3A_588, %max3A_590 : vector<16xf32>
        %swap3A_592 = arith.index_cast %scan3A_584 : i32 to index
        %swap3A_593 = arith.constant 0 : index
        %swap3A_594 = tpu.vector_load %arg30[%swap3A_592, %swap3A_593] {strides = array<i32>} : memref<64x128xf32, #tpu.memory_space<vmem>>, vector<1x16xf32>,
        %swap3A_595 = vector.shape_cast %swap3A_594 : vector<1x16xf32> to vector<16xf32>
        %swap3A_596 = vector.shape_cast %max3A_591 : vector<16xf32> to vector<1x16xf32>
        tpu.vector_store %arg30[%swap3A_592, %swap3A_593], %swap3A_596 {strides = array<i32>} : memref<64x128xf32, #tpu.memory_space<vmem>>, vector<1x16xf32>,
        %get3A_597 = arith.index_cast %scan3A_584 : i32 to index
        %get3A_598 = arith.constant 16 : index
        %get3A_599 = tpu.vector_load %arg22[%get3A_597, %get3A_598] {strides = array<i32>} : memref<64x128xf32, #tpu.memory_space<vmem>>, vector<1x16xf32>,
        %get3A_600 = vector.shape_cast %get3A_599 : vector<1x16xf32> to vector<16xf32>
        %max3A_601 = arith.constant 0.000000e+00 : f32
        %max3A_602 = vector.broadcast %max3A_601 : f32 to vector<16xf32>
        %max3A_603 = arith.maximumf %get3A_600, %max3A_602 : vector<16xf32>
        %swap3A_604 = arith.index_cast %scan3A_584 : i32 to index
        %swap3A_605 = arith.constant 16 : index
        %swap3A_606 = tpu.vector_load %arg30[%swap3A_604, %swap3A_605] {strides = array<i32>} : memref<64x128xf32, #tpu.memory_space<vmem>>, vector<1x16xf32>,
        %swap3A_607 = vector.shape_cast %swap3A_606 : vector<1x16xf32> to vector<16xf32>
        %swap3A_608 = vector.shape_cast %max3A_603 : vector<16xf32> to vector<1x16xf32>
        tpu.vector_store %arg30[%swap3A_604, %swap3A_605], %swap3A_608 {strides = array<i32>} : memref<64x128xf32, #tpu.memory_space<vmem>>, vector<1x16xf32>,
        %get3A_609 = arith.index_cast %scan3A_584 : i32 to index
        %get3A_610 = arith.constant 32 : index
        %get3A_611 = tpu.vector_load %arg22[%get3A_609, %get3A_610] {strides = array<i32>} : memref<64x128xf32, #tpu.memory_space<vmem>>, vector<1x16xf32>,
        %get3A_612 = vector.shape_cast %get3A_611 : vector<1x16xf32> to vector<16xf32>
        %max3A_613 = arith.constant 0.000000e+00 : f32
        %max3A_614 = vector.broadcast %max3A_613 : f32 to vector<16xf32>
        %max3A_615 = arith.maximumf %get3A_612, %max3A_614 : vector<16xf32>
        %swap3A_616 = arith.index_cast %scan3A_584 : i32 to index
        %swap3A_617 = arith.constant 32 : index
        %swap3A_618 = tpu.vector_load %arg30[%swap3A_616, %swap3A_617] {strides = array<i32>} : memref<64x128xf32, #tpu.memory_space<vmem>>, vector<1x16xf32>,
        %swap3A_619 = vector.shape_cast %swap3A_618 : vector<1x16xf32> to vector<16xf32>
        %swap3A_620 = vector.shape_cast %max3A_615 : vector<16xf32> to vector<1x16xf32>
        tpu.vector_store %arg30[%swap3A_616, %swap3A_617], %swap3A_620 {strides = array<i32>} : memref<64x128xf32, #tpu.memory_space<vmem>>, vector<1x16xf32>,
        %get3A_621 = arith.index_cast %scan3A_584 : i32 to index
        %get3A_622 = arith.constant 48 : index
        %get3A_623 = tpu.vector_load %arg22[%get3A_621, %get3A_622] {strides = array<i32>} : memref<64x128xf32, #tpu.memory_space<vmem>>, vector<1x16xf32>,
        %get3A_624 = vector.shape_cast %get3A_623 : vector<1x16xf32> to vector<16xf32>
        %max3A_625 = arith.constant 0.000000e+00 : f32
        %max3A_626 = vector.broadcast %max3A_625 : f32 to vector<16xf32>
        %max3A_627 = arith.maximumf %get3A_624, %max3A_626 : vector<16xf32>
        %swap3A_628 = arith.index_cast %scan3A_584 : i32 to index
        %swap3A_629 = arith.constant 48 : index
        %swap3A_630 = tpu.vector_load %arg30[%swap3A_628, %swap3A_629] {strides = array<i32>} : memref<64x128xf32, #tpu.memory_space<vmem>>, vector<1x16xf32>,
        %swap3A_631 = vector.shape_cast %swap3A_630 : vector<1x16xf32> to vector<16xf32>
        %swap3A_632 = vector.shape_cast %max3A_627 : vector<16xf32> to vector<1x16xf32>
        tpu.vector_store %arg30[%swap3A_628, %swap3A_629], %swap3A_632 {strides = array<i32>} : memref<64x128xf32, #tpu.memory_space<vmem>>, vector<1x16xf32>,
        %get3A_633 = arith.index_cast %scan3A_584 : i32 to index
        %get3A_634 = arith.constant 64 : index
        %get3A_635 = tpu.vector_load %arg22[%get3A_633, %get3A_634] {strides = array<i32>} : memref<64x128xf32, #tpu.memory_space<vmem>>, vector<1x16xf32>,
        %get3A_636 = vector.shape_cast %get3A_635 : vector<1x16xf32> to vector<16xf32>
        %max3A_637 = arith.constant 0.000000e+00 : f32
        %max3A_638 = vector.broadcast %max3A_637 : f32 to vector<16xf32>
        %max3A_639 = arith.maximumf %get3A_636, %max3A_638 : vector<16xf32>
        %swap3A_640 = arith.index_cast %scan3A_584 : i32 to index
        %swap3A_641 = arith.constant 64 : index
        %swap3A_642 = tpu.vector_load %arg30[%swap3A_640, %swap3A_641] {strides = array<i32>} : memref<64x128xf32, #tpu.memory_space<vmem>>, vector<1x16xf32>,
        %swap3A_643 = vector.shape_cast %swap3A_642 : vector<1x16xf32> to vector<16xf32>
        %swap3A_644 = vector.shape_cast %max3A_639 : vector<16xf32> to vector<1x16xf32>
        tpu.vector_store %arg30[%swap3A_640, %swap3A_641], %swap3A_644 {strides = array<i32>} : memref<64x128xf32, #tpu.memory_space<vmem>>, vector<1x16xf32>,
        %get3A_645 = arith.index_cast %scan3A_584 : i32 to index
        %get3A_646 = arith.constant 80 : index
        %get3A_647 = tpu.vector_load %arg22[%get3A_645, %get3A_646] {strides = array<i32>} : memref<64x128xf32, #tpu.memory_space<vmem>>, vector<1x16xf32>,
        %get3A_648 = vector.shape_cast %get3A_647 : vector<1x16xf32> to vector<16xf32>
        %max3A_649 = arith.constant 0.000000e+00 : f32
        %max3A_650 = vector.broadcast %max3A_649 : f32 to vector<16xf32>
        %max3A_651 = arith.maximumf %get3A_648, %max3A_650 : vector<16xf32>
        %swap3A_652 = arith.index_cast %scan3A_584 : i32 to index
        %swap3A_653 = arith.constant 80 : index
        %swap3A_654 = tpu.vector_load %arg30[%swap3A_652, %swap3A_653] {strides = array<i32>} : memref<64x128xf32, #tpu.memory_space<vmem>>, vector<1x16xf32>,
        %swap3A_655 = vector.shape_cast %swap3A_654 : vector<1x16xf32> to vector<16xf32>
        %swap3A_656 = vector.shape_cast %max3A_651 : vector<16xf32> to vector<1x16xf32>
        tpu.vector_store %arg30[%swap3A_652, %swap3A_653], %swap3A_656 {strides = array<i32>} : memref<64x128xf32, #tpu.memory_space<vmem>>, vector<1x16xf32>,
        %get3A_657 = arith.index_cast %scan3A_584 : i32 to index
        %get3A_658 = arith.constant 96 : index
        %get3A_659 = tpu.vector_load %arg22[%get3A_657, %get3A_658] {strides = array<i32>} : memref<64x128xf32, #tpu.memory_space<vmem>>, vector<1x16xf32>,
        %get3A_660 = vector.shape_cast %get3A_659 : vector<1x16xf32> to vector<16xf32>
        %max3A_661 = arith.constant 0.000000e+00 : f32
        %max3A_662 = vector.broadcast %max3A_661 : f32 to vector<16xf32>
        %max3A_663 = arith.maximumf %get3A_660, %max3A_662 : vector<16xf32>
        %swap3A_664 = arith.index_cast %scan3A_584 : i32 to index
        %swap3A_665 = arith.constant 96 : index
        %swap3A_666 = tpu.vector_load %arg30[%swap3A_664, %swap3A_665] {strides = array<i32>} : memref<64x128xf32, #tpu.memory_space<vmem>>, vector<1x16xf32>,
        %swap3A_667 = vector.shape_cast %swap3A_666 : vector<1x16xf32> to vector<16xf32>
        %swap3A_668 = vector.shape_cast %max3A_663 : vector<16xf32> to vector<1x16xf32>
        tpu.vector_store %arg30[%swap3A_664, %swap3A_665], %swap3A_668 {strides = array<i32>} : memref<64x128xf32, #tpu.memory_space<vmem>>, vector<1x16xf32>,
        %get3A_669 = arith.index_cast %scan3A_584 : i32 to index
        %get3A_670 = arith.constant 112 : index
        %get3A_671 = tpu.vector_load %arg22[%get3A_669, %get3A_670] {strides = array<i32>} : memref<64x128xf32, #tpu.memory_space<vmem>>, vector<1x16xf32>,
        %get3A_672 = vector.shape_cast %get3A_671 : vector<1x16xf32> to vector<16xf32>
        %max3A_673 = arith.constant 0.000000e+00 : f32
        %max3A_674 = vector.broadcast %max3A_673 : f32 to vector<16xf32>
        %max3A_675 = arith.maximumf %get3A_672, %max3A_674 : vector<16xf32>
        %swap3A_676 = arith.index_cast %scan3A_584 : i32 to index
        %swap3A_677 = arith.constant 112 : index
        %swap3A_678 = tpu.vector_load %arg30[%swap3A_676, %swap3A_677] {strides = array<i32>} : memref<64x128xf32, #tpu.memory_space<vmem>>, vector<1x16xf32>,
        %swap3A_679 = vector.shape_cast %swap3A_678 : vector<1x16xf32> to vector<16xf32>
        %swap3A_680 = vector.shape_cast %max3A_675 : vector<16xf32> to vector<1x16xf32>
        tpu.vector_store %arg30[%swap3A_676, %swap3A_677], %swap3A_680 {strides = array<i32>} : memref<64x128xf32, #tpu.memory_space<vmem>>, vector<1x16xf32>,
        %scan3A_681 = arith.constant 2 : i32
        %scan3A_682 = arith.addi %scan3A_487, %scan3A_681 : i32
        %get3A_683 = arith.index_cast %scan3A_682 : i32 to index
        %get3A_684 = arith.constant 0 : index
        %get3A_685 = tpu.vector_load %arg22[%get3A_683, %get3A_684] {strides = array<i32>} : memref<64x128xf32, #tpu.memory_space<vmem>>, vector<1x16xf32>,
        %get3A_686 = vector.shape_cast %get3A_685 : vector<1x16xf32> to vector<16xf32>
        %max3A_687 = arith.constant 0.000000e+00 : f32
        %max3A_688 = vector.broadcast %max3A_687 : f32 to vector<16xf32>
        %max3A_689 = arith.maximumf %get3A_686, %max3A_688 : vector<16xf32>
        %swap3A_690 = arith.index_cast %scan3A_682 : i32 to index
        %swap3A_691 = arith.constant 0 : index
        %swap3A_692 = tpu.vector_load %arg30[%swap3A_690, %swap3A_691] {strides = array<i32>} : memref<64x128xf32, #tpu.memory_space<vmem>>, vector<1x16xf32>,
        %swap3A_693 = vector.shape_cast %swap3A_692 : vector<1x16xf32> to vector<16xf32>
        %swap3A_694 = vector.shape_cast %max3A_689 : vector<16xf32> to vector<1x16xf32>
        tpu.vector_store %arg30[%swap3A_690, %swap3A_691], %swap3A_694 {strides = array<i32>} : memref<64x128xf32, #tpu.memory_space<vmem>>, vector<1x16xf32>,
        %get3A_695 = arith.index_cast %scan3A_682 : i32 to index
        %get3A_696 = arith.constant 16 : index
        %get3A_697 = tpu.vector_load %arg22[%get3A_695, %get3A_696] {strides = array<i32>} : memref<64x128xf32, #tpu.memory_space<vmem>>, vector<1x16xf32>,
        %get3A_698 = vector.shape_cast %get3A_697 : vector<1x16xf32> to vector<16xf32>
        %max3A_699 = arith.constant 0.000000e+00 : f32
        %max3A_700 = vector.broadcast %max3A_699 : f32 to vector<16xf32>
        %max3A_701 = arith.maximumf %get3A_698, %max3A_700 : vector<16xf32>
        %swap3A_702 = arith.index_cast %scan3A_682 : i32 to index
        %swap3A_703 = arith.constant 16 : index
        %swap3A_704 = tpu.vector_load %arg30[%swap3A_702, %swap3A_703] {strides = array<i32>} : memref<64x128xf32, #tpu.memory_space<vmem>>, vector<1x16xf32>,
        %swap3A_705 = vector.shape_cast %swap3A_704 : vector<1x16xf32> to vector<16xf32>
        %swap3A_706 = vector.shape_cast %max3A_701 : vector<16xf32> to vector<1x16xf32>
        tpu.vector_store %arg30[%swap3A_702, %swap3A_703], %swap3A_706 {strides = array<i32>} : memref<64x128xf32, #tpu.memory_space<vmem>>, vector<1x16xf32>,
        %get3A_707 = arith.index_cast %scan3A_682 : i32 to index
        %get3A_708 = arith.constant 32 : index
        %get3A_709 = tpu.vector_load %arg22[%get3A_707, %get3A_708] {strides = array<i32>} : memref<64x128xf32, #tpu.memory_space<vmem>>, vector<1x16xf32>,
        %get3A_710 = vector.shape_cast %get3A_709 : vector<1x16xf32> to vector<16xf32>
        %max3A_711 = arith.constant 0.000000e+00 : f32
        %max3A_712 = vector.broadcast %max3A_711 : f32 to vector<16xf32>
        %max3A_713 = arith.maximumf %get3A_710, %max3A_712 : vector<16xf32>
        %swap3A_714 = arith.index_cast %scan3A_682 : i32 to index
        %swap3A_715 = arith.constant 32 : index
        %swap3A_716 = tpu.vector_load %arg30[%swap3A_714, %swap3A_715] {strides = array<i32>} : memref<64x128xf32, #tpu.memory_space<vmem>>, vector<1x16xf32>,
        %swap3A_717 = vector.shape_cast %swap3A_716 : vector<1x16xf32> to vector<16xf32>
        %swap3A_718 = vector.shape_cast %max3A_713 : vector<16xf32> to vector<1x16xf32>
        tpu.vector_store %arg30[%swap3A_714, %swap3A_715], %swap3A_718 {strides = array<i32>} : memref<64x128xf32, #tpu.memory_space<vmem>>, vector<1x16xf32>,
        %get3A_719 = arith.index_cast %scan3A_682 : i32 to index
        %get3A_720 = arith.constant 48 : index
        %get3A_721 = tpu.vector_load %arg22[%get3A_719, %get3A_720] {strides = array<i32>} : memref<64x128xf32, #tpu.memory_space<vmem>>, vector<1x16xf32>,
        %get3A_722 = vector.shape_cast %get3A_721 : vector<1x16xf32> to vector<16xf32>
        %max3A_723 = arith.constant 0.000000e+00 : f32
        %max3A_724 = vector.broadcast %max3A_723 : f32 to vector<16xf32>
        %max3A_725 = arith.maximumf %get3A_722, %max3A_724 : vector<16xf32>
        %swap3A_726 = arith.index_cast %scan3A_682 : i32 to index
        %swap3A_727 = arith.constant 48 : index
        %swap3A_728 = tpu.vector_load %arg30[%swap3A_726, %swap3A_727] {strides = array<i32>} : memref<64x128xf32, #tpu.memory_space<vmem>>, vector<1x16xf32>,
        %swap3A_729 = vector.shape_cast %swap3A_728 : vector<1x16xf32> to vector<16xf32>
        %swap3A_730 = vector.shape_cast %max3A_725 : vector<16xf32> to vector<1x16xf32>
        tpu.vector_store %arg30[%swap3A_726, %swap3A_727], %swap3A_730 {strides = array<i32>} : memref<64x128xf32, #tpu.memory_space<vmem>>, vector<1x16xf32>,
        %get3A_731 = arith.index_cast %scan3A_682 : i32 to index
        %get3A_732 = arith.constant 64 : index
        %get3A_733 = tpu.vector_load %arg22[%get3A_731, %get3A_732] {strides = array<i32>} : memref<64x128xf32, #tpu.memory_space<vmem>>, vector<1x16xf32>,
        %get3A_734 = vector.shape_cast %get3A_733 : vector<1x16xf32> to vector<16xf32>
        %max3A_735 = arith.constant 0.000000e+00 : f32
        %max3A_736 = vector.broadcast %max3A_735 : f32 to vector<16xf32>
        %max3A_737 = arith.maximumf %get3A_734, %max3A_736 : vector<16xf32>
        %swap3A_738 = arith.index_cast %scan3A_682 : i32 to index
        %swap3A_739 = arith.constant 64 : index
        %swap3A_740 = tpu.vector_load %arg30[%swap3A_738, %swap3A_739] {strides = array<i32>} : memref<64x128xf32, #tpu.memory_space<vmem>>, vector<1x16xf32>,
        %swap3A_741 = vector.shape_cast %swap3A_740 : vector<1x16xf32> to vector<16xf32>
        %swap3A_742 = vector.shape_cast %max3A_737 : vector<16xf32> to vector<1x16xf32>
        tpu.vector_store %arg30[%swap3A_738, %swap3A_739], %swap3A_742 {strides = array<i32>} : memref<64x128xf32, #tpu.memory_space<vmem>>, vector<1x16xf32>,
        %get3A_743 = arith.index_cast %scan3A_682 : i32 to index
        %get3A_744 = arith.constant 80 : index
        %get3A_745 = tpu.vector_load %arg22[%get3A_743, %get3A_744] {strides = array<i32>} : memref<64x128xf32, #tpu.memory_space<vmem>>, vector<1x16xf32>,
        %get3A_746 = vector.shape_cast %get3A_745 : vector<1x16xf32> to vector<16xf32>
        %max3A_747 = arith.constant 0.000000e+00 : f32
        %max3A_748 = vector.broadcast %max3A_747 : f32 to vector<16xf32>
        %max3A_749 = arith.maximumf %get3A_746, %max3A_748 : vector<16xf32>
        %swap3A_750 = arith.index_cast %scan3A_682 : i32 to index
        %swap3A_751 = arith.constant 80 : index
        %swap3A_752 = tpu.vector_load %arg30[%swap3A_750, %swap3A_751] {strides = array<i32>} : memref<64x128xf32, #tpu.memory_space<vmem>>, vector<1x16xf32>,
        %swap3A_753 = vector.shape_cast %swap3A_752 : vector<1x16xf32> to vector<16xf32>
        %swap3A_754 = vector.shape_cast %max3A_749 : vector<16xf32> to vector<1x16xf32>
        tpu.vector_store %arg30[%swap3A_750, %swap3A_751], %swap3A_754 {strides = array<i32>} : memref<64x128xf32, #tpu.memory_space<vmem>>, vector<1x16xf32>,
        %get3A_755 = arith.index_cast %scan3A_682 : i32 to index
        %get3A_756 = arith.constant 96 : index
        %get3A_757 = tpu.vector_load %arg22[%get3A_755, %get3A_756] {strides = array<i32>} : memref<64x128xf32, #tpu.memory_space<vmem>>, vector<1x16xf32>,
        %get3A_758 = vector.shape_cast %get3A_757 : vector<1x16xf32> to vector<16xf32>
        %max3A_759 = arith.constant 0.000000e+00 : f32
        %max3A_760 = vector.broadcast %max3A_759 : f32 to vector<16xf32>
        %max3A_761 = arith.maximumf %get3A_758, %max3A_760 : vector<16xf32>
        %swap3A_762 = arith.index_cast %scan3A_682 : i32 to index
        %swap3A_763 = arith.constant 96 : index
        %swap3A_764 = tpu.vector_load %arg30[%swap3A_762, %swap3A_763] {strides = array<i32>} : memref<64x128xf32, #tpu.memory_space<vmem>>, vector<1x16xf32>,
        %swap3A_765 = vector.shape_cast %swap3A_764 : vector<1x16xf32> to vector<16xf32>
        %swap3A_766 = vector.shape_cast %max3A_761 : vector<16xf32> to vector<1x16xf32>
        tpu.vector_store %arg30[%swap3A_762, %swap3A_763], %swap3A_766 {strides = array<i32>} : memref<64x128xf32, #tpu.memory_space<vmem>>, vector<1x16xf32>,
        %get3A_767 = arith.index_cast %scan3A_682 : i32 to index
        %get3A_768 = arith.constant 112 : index
        %get3A_769 = tpu.vector_load %arg22[%get3A_767, %get3A_768] {strides = array<i32>} : memref<64x128xf32, #tpu.memory_space<vmem>>, vector<1x16xf32>,
        %get3A_770 = vector.shape_cast %get3A_769 : vector<1x16xf32> to vector<16xf32>
        %max3A_771 = arith.constant 0.000000e+00 : f32
        %max3A_772 = vector.broadcast %max3A_771 : f32 to vector<16xf32>
        %max3A_773 = arith.maximumf %get3A_770, %max3A_772 : vector<16xf32>
        %swap3A_774 = arith.index_cast %scan3A_682 : i32 to index
        %swap3A_775 = arith.constant 112 : index
        %swap3A_776 = tpu.vector_load %arg30[%swap3A_774, %swap3A_775] {strides = array<i32>} : memref<64x128xf32, #tpu.memory_space<vmem>>, vector<1x16xf32>,
        %swap3A_777 = vector.shape_cast %swap3A_776 : vector<1x16xf32> to vector<16xf32>
        %swap3A_778 = vector.shape_cast %max3A_773 : vector<16xf32> to vector<1x16xf32>
        tpu.vector_store %arg30[%swap3A_774, %swap3A_775], %swap3A_778 {strides = array<i32>} : memref<64x128xf32, #tpu.memory_space<vmem>>, vector<1x16xf32>,
        %scan3A_779 = arith.constant 3 : i32
        %scan3A_780 = arith.addi %scan3A_487, %scan3A_779 : i32
        %get3A_781 = arith.index_cast %scan3A_780 : i32 to index
        %get3A_782 = arith.constant 0 : index
        %get3A_783 = tpu.vector_load %arg22[%get3A_781, %get3A_782] {strides = array<i32>} : memref<64x128xf32, #tpu.memory_space<vmem>>, vector<1x16xf32>,
        %get3A_784 = vector.shape_cast %get3A_783 : vector<1x16xf32> to vector<16xf32>
        %max3A_785 = arith.constant 0.000000e+00 : f32
        %max3A_786 = vector.broadcast %max3A_785 : f32 to vector<16xf32>
        %max3A_787 = arith.maximumf %get3A_784, %max3A_786 : vector<16xf32>
        %swap3A_788 = arith.index_cast %scan3A_780 : i32 to index
        %swap3A_789 = arith.constant 0 : index
        %swap3A_790 = tpu.vector_load %arg30[%swap3A_788, %swap3A_789] {strides = array<i32>} : memref<64x128xf32, #tpu.memory_space<vmem>>, vector<1x16xf32>,
        %swap3A_791 = vector.shape_cast %swap3A_790 : vector<1x16xf32> to vector<16xf32>
        %swap3A_792 = vector.shape_cast %max3A_787 : vector<16xf32> to vector<1x16xf32>
        tpu.vector_store %arg30[%swap3A_788, %swap3A_789], %swap3A_792 {strides = array<i32>} : memref<64x128xf32, #tpu.memory_space<vmem>>, vector<1x16xf32>,
        %get3A_793 = arith.index_cast %scan3A_780 : i32 to index
        %get3A_794 = arith.constant 16 : index
        %get3A_795 = tpu.vector_load %arg22[%get3A_793, %get3A_794] {strides = array<i32>} : memref<64x128xf32, #tpu.memory_space<vmem>>, vector<1x16xf32>,
        %get3A_796 = vector.shape_cast %get3A_795 : vector<1x16xf32> to vector<16xf32>
        %max3A_797 = arith.constant 0.000000e+00 : f32
        %max3A_798 = vector.broadcast %max3A_797 : f32 to vector<16xf32>
        %max3A_799 = arith.maximumf %get3A_796, %max3A_798 : vector<16xf32>
        %swap3A_800 = arith.index_cast %scan3A_780 : i32 to index
        %swap3A_801 = arith.constant 16 : index
        %swap3A_802 = tpu.vector_load %arg30[%swap3A_800, %swap3A_801] {strides = array<i32>} : memref<64x128xf32, #tpu.memory_space<vmem>>, vector<1x16xf32>,
        %swap3A_803 = vector.shape_cast %swap3A_802 : vector<1x16xf32> to vector<16xf32>
        %swap3A_804 = vector.shape_cast %max3A_799 : vector<16xf32> to vector<1x16xf32>
        tpu.vector_store %arg30[%swap3A_800, %swap3A_801], %swap3A_804 {strides = array<i32>} : memref<64x128xf32, #tpu.memory_space<vmem>>, vector<1x16xf32>,
        %get3A_805 = arith.index_cast %scan3A_780 : i32 to index
        %get3A_806 = arith.constant 32 : index
        %get3A_807 = tpu.vector_load %arg22[%get3A_805, %get3A_806] {strides = array<i32>} : memref<64x128xf32, #tpu.memory_space<vmem>>, vector<1x16xf32>,
        %get3A_808 = vector.shape_cast %get3A_807 : vector<1x16xf32> to vector<16xf32>
        %max3A_809 = arith.constant 0.000000e+00 : f32
        %max3A_810 = vector.broadcast %max3A_809 : f32 to vector<16xf32>
        %max3A_811 = arith.maximumf %get3A_808, %max3A_810 : vector<16xf32>
        %swap3A_812 = arith.index_cast %scan3A_780 : i32 to index
        %swap3A_813 = arith.constant 32 : index
        %swap3A_814 = tpu.vector_load %arg30[%swap3A_812, %swap3A_813] {strides = array<i32>} : memref<64x128xf32, #tpu.memory_space<vmem>>, vector<1x16xf32>,
        %swap3A_815 = vector.shape_cast %swap3A_814 : vector<1x16xf32> to vector<16xf32>
        %swap3A_816 = vector.shape_cast %max3A_811 : vector<16xf32> to vector<1x16xf32>
        tpu.vector_store %arg30[%swap3A_812, %swap3A_813], %swap3A_816 {strides = array<i32>} : memref<64x128xf32, #tpu.memory_space<vmem>>, vector<1x16xf32>,
        %get3A_817 = arith.index_cast %scan3A_780 : i32 to index
        %get3A_818 = arith.constant 48 : index
        %get3A_819 = tpu.vector_load %arg22[%get3A_817, %get3A_818] {strides = array<i32>} : memref<64x128xf32, #tpu.memory_space<vmem>>, vector<1x16xf32>,
        %get3A_820 = vector.shape_cast %get3A_819 : vector<1x16xf32> to vector<16xf32>
        %max3A_821 = arith.constant 0.000000e+00 : f32
        %max3A_822 = vector.broadcast %max3A_821 : f32 to vector<16xf32>
        %max3A_823 = arith.maximumf %get3A_820, %max3A_822 : vector<16xf32>
        %swap3A_824 = arith.index_cast %scan3A_780 : i32 to index
        %swap3A_825 = arith.constant 48 : index
        %swap3A_826 = tpu.vector_load %arg30[%swap3A_824, %swap3A_825] {strides = array<i32>} : memref<64x128xf32, #tpu.memory_space<vmem>>, vector<1x16xf32>,
        %swap3A_827 = vector.shape_cast %swap3A_826 : vector<1x16xf32> to vector<16xf32>
        %swap3A_828 = vector.shape_cast %max3A_823 : vector<16xf32> to vector<1x16xf32>
        tpu.vector_store %arg30[%swap3A_824, %swap3A_825], %swap3A_828 {strides = array<i32>} : memref<64x128xf32, #tpu.memory_space<vmem>>, vector<1x16xf32>,
        %get3A_829 = arith.index_cast %scan3A_780 : i32 to index
        %get3A_830 = arith.constant 64 : index
        %get3A_831 = tpu.vector_load %arg22[%get3A_829, %get3A_830] {strides = array<i32>} : memref<64x128xf32, #tpu.memory_space<vmem>>, vector<1x16xf32>,
        %get3A_832 = vector.shape_cast %get3A_831 : vector<1x16xf32> to vector<16xf32>
        %max3A_833 = arith.constant 0.000000e+00 : f32
        %max3A_834 = vector.broadcast %max3A_833 : f32 to vector<16xf32>
        %max3A_835 = arith.maximumf %get3A_832, %max3A_834 : vector<16xf32>
        %swap3A_836 = arith.index_cast %scan3A_780 : i32 to index
        %swap3A_837 = arith.constant 64 : index
        %swap3A_838 = tpu.vector_load %arg30[%swap3A_836, %swap3A_837] {strides = array<i32>} : memref<64x128xf32, #tpu.memory_space<vmem>>, vector<1x16xf32>,
        %swap3A_839 = vector.shape_cast %swap3A_838 : vector<1x16xf32> to vector<16xf32>
        %swap3A_840 = vector.shape_cast %max3A_835 : vector<16xf32> to vector<1x16xf32>
        tpu.vector_store %arg30[%swap3A_836, %swap3A_837], %swap3A_840 {strides = array<i32>} : memref<64x128xf32, #tpu.memory_space<vmem>>, vector<1x16xf32>,
        %get3A_841 = arith.index_cast %scan3A_780 : i32 to index
        %get3A_842 = arith.constant 80 : index
        %get3A_843 = tpu.vector_load %arg22[%get3A_841, %get3A_842] {strides = array<i32>} : memref<64x128xf32, #tpu.memory_space<vmem>>, vector<1x16xf32>,
        %get3A_844 = vector.shape_cast %get3A_843 : vector<1x16xf32> to vector<16xf32>
        %max3A_845 = arith.constant 0.000000e+00 : f32
        %max3A_846 = vector.broadcast %max3A_845 : f32 to vector<16xf32>
        %max3A_847 = arith.maximumf %get3A_844, %max3A_846 : vector<16xf32>
        %swap3A_848 = arith.index_cast %scan3A_780 : i32 to index
        %swap3A_849 = arith.constant 80 : index
        %swap3A_850 = tpu.vector_load %arg30[%swap3A_848, %swap3A_849] {strides = array<i32>} : memref<64x128xf32, #tpu.memory_space<vmem>>, vector<1x16xf32>,
        %swap3A_851 = vector.shape_cast %swap3A_850 : vector<1x16xf32> to vector<16xf32>
        %swap3A_852 = vector.shape_cast %max3A_847 : vector<16xf32> to vector<1x16xf32>
        tpu.vector_store %arg30[%swap3A_848, %swap3A_849], %swap3A_852 {strides = array<i32>} : memref<64x128xf32, #tpu.memory_space<vmem>>, vector<1x16xf32>,
        %get3A_853 = arith.index_cast %scan3A_780 : i32 to index
        %get3A_854 = arith.constant 96 : index
        %get3A_855 = tpu.vector_load %arg22[%get3A_853, %get3A_854] {strides = array<i32>} : memref<64x128xf32, #tpu.memory_space<vmem>>, vector<1x16xf32>,
        %get3A_856 = vector.shape_cast %get3A_855 : vector<1x16xf32> to vector<16xf32>
        %max3A_857 = arith.constant 0.000000e+00 : f32
        %max3A_858 = vector.broadcast %max3A_857 : f32 to vector<16xf32>
        %max3A_859 = arith.maximumf %get3A_856, %max3A_858 : vector<16xf32>
        %swap3A_860 = arith.index_cast %scan3A_780 : i32 to index
        %swap3A_861 = arith.constant 96 : index
        %swap3A_862 = tpu.vector_load %arg30[%swap3A_860, %swap3A_861] {strides = array<i32>} : memref<64x128xf32, #tpu.memory_space<vmem>>, vector<1x16xf32>,
        %swap3A_863 = vector.shape_cast %swap3A_862 : vector<1x16xf32> to vector<16xf32>
        %swap3A_864 = vector.shape_cast %max3A_859 : vector<16xf32> to vector<1x16xf32>
        tpu.vector_store %arg30[%swap3A_860, %swap3A_861], %swap3A_864 {strides = array<i32>} : memref<64x128xf32, #tpu.memory_space<vmem>>, vector<1x16xf32>,
        %get3A_865 = arith.index_cast %scan3A_780 : i32 to index
        %get3A_866 = arith.constant 112 : index
        %get3A_867 = tpu.vector_load %arg22[%get3A_865, %get3A_866] {strides = array<i32>} : memref<64x128xf32, #tpu.memory_space<vmem>>, vector<1x16xf32>,
        %get3A_868 = vector.shape_cast %get3A_867 : vector<1x16xf32> to vector<16xf32>
        %max3A_869 = arith.constant 0.000000e+00 : f32
        %max3A_870 = vector.broadcast %max3A_869 : f32 to vector<16xf32>
        %max3A_871 = arith.maximumf %get3A_868, %max3A_870 : vector<16xf32>
        %swap3A_872 = arith.index_cast %scan3A_780 : i32 to index
        %swap3A_873 = arith.constant 112 : index
        %swap3A_874 = tpu.vector_load %arg30[%swap3A_872, %swap3A_873] {strides = array<i32>} : memref<64x128xf32, #tpu.memory_space<vmem>>, vector<1x16xf32>,
        %swap3A_875 = vector.shape_cast %swap3A_874 : vector<1x16xf32> to vector<16xf32>
        %swap3A_876 = vector.shape_cast %max3A_871 : vector<16xf32> to vector<1x16xf32>
        tpu.vector_store %arg30[%swap3A_872, %swap3A_873], %swap3A_876 {strides = array<i32>} : memref<64x128xf32, #tpu.memory_space<vmem>>, vector<1x16xf32>,
      }
      %scan3A_475 = arith.constant 64 : i32
      %mul3A_476 = arith.constant 32 : i32
      %mul3A_477 = arith.muli %add3A, %mul3A_476 : i32
      %add3A_478 = arith.addi %mul3A_477, %scan3A_137 : i32
      %mul3A_479 = arith.constant 256 : i32
      %mul3A_480 = arith.muli %add3A_478, %mul3A_479 : i32
      %add3A_481 = arith.constant 192 : i32
      %add3A_482 = arith.addi %mul3A_480, %add3A_481 : i32
      %dma_start3A_483 = arith.constant 0 : i32
      %dma_start3A_484 = tpu.memref_slice %arg6[%add3A_482, %dma_start3A_483] : memref<262144x128xf32, #tpu.memory_space<hbm>> -> memref<64x128xf32, #tpu.memory_space<hbm>>
      %dma_start3A_485 = arith.constant 0 : i32
      %dma_start3A_486 = tpu.memref_slice %arg6[%add3A_482, %dma_start3A_485] : memref<262144x128xf32, #tpu.memory_space<hbm>> -> memref<64x128xf32, #tpu.memory_space<hbm>>
      tpu.enqueue_dma source(%arg30 : memref<64x128xf32, #tpu.memory_space<vmem>>) target(%dma_start3A_486 : memref<64x128xf32, #tpu.memory_space<hbm>>) target_semaphore(%arg38 : memref<!tpu.dma_semaphore, #tpu.memory_space<semaphore_mem>>)
    }
    %scan3A_119 = arith.constant 32 : i32
    %dma_wait3A = arith.constant 0 : i32
    %dma_wait3A_120 = arith.constant 0 : i32
    %dma_wait3A_121 = tpu.memref_slice %arg6[%dma_wait3A, %dma_wait3A_120] : memref<262144x128xf32, #tpu.memory_space<hbm>> -> memref<64x128xf32, #tpu.memory_space<hbm>>
    %dma_wait3A_122 = arith.constant 0 : i32
    %dma_wait3A_123 = arith.constant 0 : i32
    %dma_wait3A_124 = tpu.memref_slice %arg6[%dma_wait3A_122, %dma_wait3A_123] : memref<262144x128xf32, #tpu.memory_space<hbm>> -> memref<64x128xf32, #tpu.memory_space<hbm>>
    tpu.wait_dma2 semaphore(%arg36 : memref<!tpu.dma_semaphore, #tpu.memory_space<semaphore_mem>>) src(%arg28 : memref<64x128xf32, #tpu.memory_space<vmem>>) dst(%dma_wait3A_124 : memref<64x128xf32, #tpu.memory_space<hbm>>)
    %dma_wait3A_125 = arith.constant 0 : i32
    %dma_wait3A_126 = arith.constant 0 : i32
    %dma_wait3A_127 = tpu.memref_slice %arg6[%dma_wait3A_125, %dma_wait3A_126] : memref<262144x128xf32, #tpu.memory_space<hbm>> -> memref<64x128xf32, #tpu.memory_space<hbm>>
    %dma_wait3A_128 = arith.constant 0 : i32
    %dma_wait3A_129 = arith.constant 0 : i32
    %dma_wait3A_130 = tpu.memref_slice %arg6[%dma_wait3A_128, %dma_wait3A_129] : memref<262144x128xf32, #tpu.memory_space<hbm>> -> memref<64x128xf32, #tpu.memory_space<hbm>>
    tpu.wait_dma2 semaphore(%arg37 : memref<!tpu.dma_semaphore, #tpu.memory_space<semaphore_mem>>) src(%arg29 : memref<64x128xf32, #tpu.memory_space<vmem>>) dst(%dma_wait3A_130 : memref<64x128xf32, #tpu.memory_space<hbm>>)
    %dma_wait3A_131 = arith.constant 0 : i32
    %dma_wait3A_132 = arith.constant 0 : i32
    %dma_wait3A_133 = tpu.memref_slice %arg6[%dma_wait3A_131, %dma_wait3A_132] : memref<262144x128xf32, #tpu.memory_space<hbm>> -> memref<64x128xf32, #tpu.memory_space<hbm>>
    %dma_wait3A_134 = arith.constant 0 : i32
    %dma_wait3A_135 = arith.constant 0 : i32
    %dma_wait3A_136 = tpu.memref_slice %arg6[%dma_wait3A_134, %dma_wait3A_135] : memref<262144x128xf32, #tpu.memory_space<hbm>> -> memref<64x128xf32, #tpu.memory_space<hbm>>
    tpu.wait_dma2 semaphore(%arg38 : memref<!tpu.dma_semaphore, #tpu.memory_space<semaphore_mem>>) src(%arg30 : memref<64x128xf32, #tpu.memory_space<vmem>>) dst(%dma_wait3A_136 : memref<64x128xf32, #tpu.memory_space<hbm>>)
    return
  }
}

module attributes {stable_mosaic.version = 14 : i64} {
  func.func @_proj_body(%arg0: memref<1025x128xf32, #tpu.memory_space<vmem>>, %arg1: memref<1025x128xf32, #tpu.memory_space<vmem>>, %arg2: memref<128x256xf32, #tpu.memory_space<vmem>>, %arg3: memref<1x128xf32, #tpu.memory_space<vmem>>, %arg4: memref<1025x128xf32, #tpu.memory_space<vmem>>, %arg5: memref<1025x128xf32, #tpu.memory_space<vmem>>) attributes {dimension_semantics = [], scalar_prefetch = 0 : i64, scratch_operands = 0 : i64, tpu.core_type = #tpu.core_type<tc>} {
    %get3A = arith.constant 0 : index
    %get3A_0 = arith.constant 0 : index
    %get3A_1 = vector.load %arg2[%get3A, %get3A_0] : memref<128x256xf32, #tpu.memory_space<vmem>>, vector<128x128xf32>
    %get3A_2 = arith.constant 0 : index
    %get3A_3 = arith.constant 128 : index
    %get3A_4 = vector.load %arg2[%get3A_2, %get3A_3] : memref<128x256xf32, #tpu.memory_space<vmem>>, vector<128x128xf32>
    %get3A_5 = arith.constant 0 : index
    %get3A_6 = arith.constant 0 : index
    %get3A_7 = vector.load %arg0[%get3A_5, %get3A_6] : memref<1025x128xf32, #tpu.memory_space<vmem>>, vector<1025x128xf32>
    %dot_general3A = arith.constant dense<0.000000e+00> : vector<1025x128xf32>
    %dot_general3A_8 = tpu.matmul %get3A_7, %get3A_1, %dot_general3A {dimension_numbers = #tpu.dot_dimension_numbers<[1], [1], [0], [0], [0, 0, 1, 0], [], []>, transpose_lhs_hint = false} : vector<1025x128xf32>, vector<128x128xf32>, vector<1025x128xf32> -> vector<1025x128xf32>
    %swap3A = arith.constant 0 : index
    %swap3A_9 = arith.constant 0 : index
    %swap3A_10 = vector.load %arg4[%swap3A, %swap3A_9] : memref<1025x128xf32, #tpu.memory_space<vmem>>, vector<1025x128xf32>
    tpu.vector_store %arg4[%swap3A, %swap3A_9], %dot_general3A_8 {strides = array<i32>} : memref<1025x128xf32, #tpu.memory_space<vmem>>, vector<1025x128xf32>,
    %get3A_11 = arith.constant 0 : index
    %get3A_12 = arith.constant 0 : index
    %get3A_13 = vector.load %arg1[%get3A_11, %get3A_12] : memref<1025x128xf32, #tpu.memory_space<vmem>>, vector<1025x128xf32>
    %dot_general3A_14 = arith.constant dense<0.000000e+00> : vector<1025x128xf32>
    %dot_general3A_15 = tpu.matmul %get3A_13, %get3A_4, %dot_general3A_14 {dimension_numbers = #tpu.dot_dimension_numbers<[1], [1], [0], [0], [0, 0, 1, 0], [], []>, transpose_lhs_hint = false} : vector<1025x128xf32>, vector<128x128xf32>, vector<1025x128xf32> -> vector<1025x128xf32>
    %get3A_16 = arith.constant 0 : index
    %get3A_17 = arith.constant 0 : index
    %get3A_18 = vector.load %arg3[%get3A_16, %get3A_17] : memref<1x128xf32, #tpu.memory_space<vmem>>, vector<1x128xf32>
    %add3A = vector.broadcast %get3A_18 : vector<1x128xf32> to vector<1025x128xf32>
    %add3A_19 = arith.addf %dot_general3A_15, %add3A : vector<1025x128xf32>
    %swap3A_20 = arith.constant 0 : index
    %swap3A_21 = arith.constant 0 : index
    %swap3A_22 = vector.load %arg5[%swap3A_20, %swap3A_21] : memref<1025x128xf32, #tpu.memory_space<vmem>>, vector<1025x128xf32>
    tpu.vector_store %arg5[%swap3A_20, %swap3A_21], %add3A_19 {strides = array<i32>} : memref<1025x128xf32, #tpu.memory_space<vmem>>, vector<1025x128xf32>,
    return
  }
}

</mosaic_0001>

<sc_bundles>
// kernel: kernel.4.cloned.1.call-start
scs
__scs_entry_jumppad:
0x0: {  	(pc) =	sbr.rel $0x88, $3  }
0x1: {  	(tag) =	ssettag $0x0;
	lr =	simm.s32 $0x1  }
0x2: {  	[smem:$0x3F9B] =	sst lr;
	_ =	strace $0xD0000000  }
0x3: {  	_ = 	snop  }
0x4: {  	_ = 	snop  }
0x5: {  	_ = 	snop  }
0x6: {  	_ = 	snop  }
0x7: {  	_ = 	snop  }
__scs_overlays_trampoline_lowered:
0x8: {  	[smem:$0x3FAA] =	sst s0  }
0x9: {  	[smem:$0x3FAB] =	sst s1  }
0xa: {  	[smem:$0x3FAC] =	sst s2  }
0xb: {  	[smem:$0x3FAD] =	sst s3  }
0xc: {  	[smem:$0x3FAE] =	sst s4  }
0xd: {  	[smem:$0x3FAF] =	sst s5  }
0xe: {  	[smem:$0x3FB0] =	sst s6  }
0xf: {  	[smem:$0x3FB1] =	sst s7  }
0x10: {  	[smem:$0x3FB2] =	sst s8  }
0x11: {  	[smem:$0x3FB3] =	sst s9;
	s0 =	simm.s32 @!p0 $0x0  }
0x12: {  	s1 =	sld [smem:$0x3F99];
	s0 =	simm.s32 @p0 $0x1  }
0x13: {  	[smem:$0x3FB4] =	sst s0;
	s0 =	simm.s32 @!p1 $0x0  }
0x14: {  	s2 =	sld [smem:$0x3F98];
	s0 =	simm.s32 @p1 $0x1  }
0x15: {  	[smem:$0x3FB5] =	sst s0;
	s0 =	simm.s32 @!p2 $0x0  }
0x16: {  	s3 =	sld [smem:$0x3FDB];
	s0 =	simm.s32 @p2 $0x1  }
0x17: {  	s4 =	simm.s32 $0x1BF5;
	[smem:$0x3FB7] =	sst s0  }
0x18: {  	s0 =	sld [smem:$0x3F9A];
	_ =	swait.ge [sflag:s4], $0x0  }
0x19: {  	s7 =	sld [smem:$0x3F9B]  }
0x1a: {  	s8 =	sadd.s32 $0xFFFFE003, lr  }
0x1b: {  	s9 =	sadd.s32 $0xFFFFFEF7, lr;
	s5 =	simm.s32 $0xFFFFFFFF;
	p2 =	slt.u32 s8, $0xFFFFF086  }
0x1c: {  	p1 =	slt.u32 s9, $0xF7A;
	s5 =	simm.s32 @!p2 $0x0  }
0x1d: {  	s5 =	simm.s32 @p1 $0x1;
	p0 =	seq.s32 s7, s2  }
0x1e: {  	s7 =	smul.u32 @!p0 $0xF7A, s2;
	p2 =	seq.s32 @!p0 s5, $0x0  }
0x1f: {  	s9 =	smul.u32 $0xF7A, s1;
	s8 =	simm.s32 @!p0 $0x1BF5;
	p2 =	por !p2, p0  }
0x20: {  	[sflag:s8] =	ssyncset.s32 @!p0 $0xFFFFF086;
	s6 =	sadd.s32 @!p0 s3, s7;
	s7 =	simm.s32 @!p0 $0x108  }
0x21: {  	s3 =	sadd.s32 s3, s9;
	s6 =	sadd.s32 @!p0 $0x88, s6;
	s7 =	simm.s32 @p2 $0x1082  }
0x22: {  	[simem:s7], [sflag:s8] =	dma.local @!p0 [hbm:s6], $0xF7A  }
0x23: {  	s9 =	sor.u32 $0xD0000000, s2;
	s6 =	simm.s32 $0x108;
	_ =	swait.ge @!p0 [sflag:s8], $0x0  }
0x24: {  	s3 =	sadd.s32 $0x88, s3;
	s6 =	simm.s32 @!p1 $0x1082;
	[sflag:s4] =	ssyncset.s32 $0xFFFFF086  }
0x25: {  	[simem:s6], [sflag:s4] =	dma.local [hbm:s3], $0xF7A  }
0x26: {  	[smem:$0x3F9B] =	sst s1;
	(tag) =	ssettag s2;
	_ =	strace s9  }
0x27: {  	s1 =	sld [smem:$0x3FAB]  }
0x28: {  	s2 =	sld [smem:$0x3FAC]  }
0x29: {  	s4 =	sld [smem:$0x3FAE]  }
0x2a: {  	p0 =	seq.s32 s5, $0x0;
	s5 =	sld [smem:$0x3FAF]  }
0x2b: {  	s6 =	sld [smem:$0x3FB0]  }
0x2c: {  	s7 =	sld [smem:$0x3FB1]  }
0x2d: {  	s3 =	simm.s32 $0x108;
	s8 =	sld [smem:$0x3FB2]  }
0x2e: {  	s3 =	simm.s32 @!p0 $0x1082;
	s9 =	sld [smem:$0x3FB3]  }
0x2f: {  	lr =	sadd.s32 s0, s3;
	s0 =	sld [smem:$0x3FAA]  }
0x30: {  	s3 =	sld [smem:$0x3FAD]  }
0x31: {  	[smem:$0x3FB6] =	sst s10  }
0x32: {  	s10 =	sld [smem:$0x3FB4];
	_ =	sdelay $0x3  }
0x33: {  	p0 =	seq.s32 s10, $0x1;
	s10 =	sld [smem:$0x3FB6];
	_ =	sdelay $0x3  }
0x34: {  	[smem:$0x3FB6] =	sst s10  }
0x35: {  	s10 =	sld [smem:$0x3FB5];
	_ =	sdelay $0x3  }
0x36: {  	p1 =	seq.s32 s10, $0x1;
	s10 =	sld [smem:$0x3FB6];
	_ =	sdelay $0x3  }
0x37: {  	[smem:$0x3FB6] =	sst s10  }
0x38: {  	s10 =	sld [smem:$0x3FB7]  }
0x39: {  	_ = 	snop;
	(pc) =	sbr.ind lr, $3  }
0x3a: {  	_ = 	snop  }
0x3b: {  	_ = 	snop  }
0x3c: {  	p2 =	seq.s32 s10, $0x1;
	s10 =	sld [smem:$0x3FB6]  }
0x3d: {  	_ =	shalt  }
0x3e: {  	_ =	shalt  }
0x3f: {  	_ =	shalt  }
0x40: {  	_ =	shalt  }
0x41: {  	_ =	shalt  }
0x42: {  	_ =	shalt  }
0x43: {  	_ =	shalt  }
0x44: {  	_ =	shalt  }
0x45: {  	_ =	shalt  }
0x46: {  	_ =	shalt  }
0x47: {  	_ =	shalt  }
0x48: {  	_ =	shalt  }
0x49: {  	_ =	shalt  }
0x4a: {  	_ =	shalt  }
0x4b: {  	_ =	shalt  }
0x4c: {  	_ =	shalt  }
0x4d: {  	_ =	shalt  }
0x4e: {  	_ =	shalt  }
0x4f: {  	_ =	shalt  }
0x50: {  	_ =	shalt  }
0x51: {  	_ =	shalt  }
0x52: {  	_ =	shalt  }
0x53: {  	_ =	shalt  }
0x54: {  	_ =	shalt  }
0x55: {  	_ =	shalt  }
0x56: {  	_ =	shalt  }
0x57: {  	_ =	shalt  }
0x58: {  	_ =	shalt  }
0x59: {  	_ =	shalt  }
0x5a: {  	_ =	shalt  }
0x5b: {  	_ =	shalt  }
0x5c: {  	_ =	shalt  }
0x5d: {  	_ =	shalt  }
0x5e: {  	_ =	shalt  }
0x5f: {  	_ =	shalt  }
0x60: {  	_ =	shalt  }
0x61: {  	_ =	shalt  }
0x62: {  	_ =	shalt  }
0x63: {  	_ =	shalt  }
0x64: {  	_ =	shalt  }
0x65: {  	_ =	shalt  }
0x66: {  	_ =	shalt  }
0x67: {  	_ =	shalt  }
0x68: {  	_ =	shalt  }
0x69: {  	_ =	shalt  }
0x6a: {  	_ =	shalt  }
0x6b: {  	_ =	shalt  }
0x6c: {  	_ =	shalt  }
0x6d: {  	_ =	shalt  }
0x6e: {  	_ =	shalt  }
0x6f: {  	_ =	shalt  }
0x70: {  	_ =	shalt  }
0x71: {  	_ =	shalt  }
0x72: {  	_ =	shalt  }
0x73: {  	_ =	shalt  }
0x74: {  	_ =	shalt  }
0x75: {  	_ =	shalt  }
0x76: {  	_ =	shalt  }
0x77: {  	_ =	shalt  }
0x78: {  	_ =	shalt  }
0x79: {  	_ =	shalt  }
0x7a: {  	_ =	shalt  }
0x7b: {  	_ =	shalt  }
0x7c: {  	_ =	shalt  }
0x7d: {  	_ =	shalt  }
0x7e: {  	_ =	shalt  }
0x7f: {  	_ =	shalt  }
0x80: {  	_ =	shalt  }
0x81: {  	_ =	shalt  }
0x82: {  	_ =	shalt  }
0x83: {  	_ =	shalt  }
0x84: {  	_ =	shalt  }
0x85: {  	_ =	shalt  }
0x86: {  	_ =	shalt  }
0x87: {  	_ =	shalt  }
.Lfunc_end0:
.L_simem_size_0:
called_computation_lowered:
.L_overlay_start_0:
0x88: {  	s2 =	sld [smem:$0x3FD9]  }
0x89: {  	s3 =	sld [smem:$0x3FFE];
	_ =	sdelay $0x1  }
0x8a: {  	s1 =	srdreg.scid  }
0x8b: {  	s0 =	sand.u32 $0x1, s1  }
0x8c: {  	s17 =	sshll.u32 s0, $0xA;
	s2 =	sadd.s32 s3, s2  }
0x8d: {  	s2 =	sadd.s32 s2, s17  }
0x8e: {  	[smem:$0x3FC2] =	sst s2  }
0x8f: {  	_ = 	snop  }
0x90: {  	s2 =	sld [smem:$0x3FC9]  }
0x91: {  	s18 =	sld [smem:$0x3FC8]  }
0x92: {  	s4 =	sld [smem:$0x3FD0];
	(tm) =	ssettm $0x1  }
0x93: {  	s5 =	sld [smem:$0x3FFB];
	_ =	sdelay $0x3  }
0x94: {  	_ =	strace s5  }
0x95: {  	s5 =	sld [smem:$0x3FFC];
	_ =	sdelay $0x3  }
0x96: {  	_ =	strace s5  }
0x97: {  	s5 =	sld [smem:$0x3FFD];
	_ =	sdelay $0x3  }
0x98: {  	_ =	strace s5  }
0x99: {  	_ =	strace $0x8FFFFFFF  }
0x9a: {  	s19 =	sld [smem:$0x3FDB];
	_ =	sdelay $0x1  }
0x9b: {  	s6 =	simm.s32 $_scs_section_size  }
0x9c: {  	s7 =	simm.s32 $_size__tile_overlayer_lowered;
	s8 =	simm.s32 $_tile_overlayer_lowered  }
0x9d: {  	s22 =	simm.s32 $0x1BFF;
	s21 =	sshll.u32 s8, $0x1;
	s5 =	sadd.s32 s6, s19  }
0x9e: {  	s9 =	simm.s32 $0x0;
	s20 =	sshll.u32 s7, $0x1;
	s7 =	sadd.s32 s21, s5  }
0x9f: {  	[timem:s9], [sflag:s22] =	dma.local [hbm:s7], s20  }
0xa0: {  	_ =	swait.ge [sflag:s22], s20  }
0xa1: {  	s6 =	ssub.s32 $0x0, s20;
	[sflag:s22] =	ssyncset.done $0x0  }
0xa2: {  	[sflag:s22] =	ssyncadd.s32 s6;
	_ =	sdelay $0x1  }
0xa3: {  	s23 =	simm.s32 $0x1B8B  }
0xa4: {  	_ =	swait.ge [sflag:s23], $0x1  }
0xa5: {  	[sflag:s23] =	ssyncset.done $0x0  }
0xa6: {  	s25 =	simm.s32 $0x1B8E;
	s24 =	sld [smem:$0x3FFE];
	[sflag:s23] =	ssyncadd.s32 $0xFFFFFFFF  }
0xa7: {  	s26 =	simm.s32 $execute0_lowered;
	[smem:$0x3FD2] =	sst s25  }
0xa8: {  	s7 =	sshll.u32 s26, $0x1;
	_ =	strace $0x80000046;
	[dreg:$0x1] =	wrdreg $0xFFFFFFFF  }
0xa9: {  	s28 =	simm.s32 $_size_execute0_lowered;
	s5 =	sadd.s32 s5, s7;
	[dreg:$0x0] =	wrdreg $0x0  }
0xaa: {  	s7 =	sshll.u32 s28, $0x1;
	[dreg:$0x2] =	wrdreg s5  }
0xab: {  	[dreg:$0x3] =	wrdreg s7  }
0xac: {  	[dreg:$0x4] =	wrdreg $0xC0  }
0xad: {  	_ =	task [dreg:s9], $0x5FFFF  }
0xae: {  	[dreg:$0x1] =	wrdreg $0xFFFFFFFF  }
0xaf: {  	[dreg:$0x0] =	wrdreg $0x60  }
0xb0: {  	[dreg:$0x2] =	wrdreg s2  }
0xb1: {  	[dreg:$0x3] =	wrdreg s18  }
0xb2: {  	[dreg:$0x4] =	wrdreg s24  }
0xb3: {  	[dreg:$0x5] =	wrdreg s4  }
0xb4: {  	[dreg:$0x6] =	wrdreg $0x0  }
0xb5: {  	[dreg:$0x7] =	wrdreg $0x20080  }
0xb6: {  	[dreg:$0x8] =	wrdreg $0x9  }
0xb7: {  	_ =	task.clear_ibuf [dreg:s9], $0x9FFFF;
	_ =	strace $0x90000046  }
0xb8: {  	s29 =	simm.s32 $0x9;
	_ =	strace $0x80000048  }
0xb9: {  	_ =	swait.ge [sflag:s29], $0x1  }
0xba: {  	[sflag:s29] =	ssyncadd.s32 $0xFFFFFFFF  }
0xbb: {  	_ =	strace $0x90000048  }
0xbc: {  	_ =	sfence  }
0xbd: {  	s30 =	sld [smem:$0x0];
	_ =	sdelay $0x2  }
0xbe: {  	s31 =	sshll.u32 s1, $0xD;
	s1 =	sshrl.u32 s1, $0x2  }
0xbf: {  	s3 =	sand.u32 $0x4000, s31;
	s1 =	sadd.s32 s1, s30  }
0xc0: {  	s0 =	sor.u32 s3, s0;
	s1 =	sshll.u32 s1, $0x11  }
0xc1: {  	s0 =	sor.u32 s1, s0  }
0xc2: {  	s0 =	sadd.s32 $0x8F2B, s0  }
0xc3: {  	[sflag:s0] =	ssyncadd.remote.s32 $0x1  }
0xc4: {  	_ =	sfence.sel $0xFFFF  }
0xc5: {  	[dreg:$0x0] =	wrdreg $0xFFFFFFFF;
	(pc) =	sbr.abs _section_cstart, $3  }
0xc6: {  	[dreg:$0x1] =	wrdreg $0xFFFFFFFF  }
0xc7: {  	_ =	task.clear_ibuf [dreg:s9], $0x2FFFF;
	_ =	strace $0x9FFFFFFF  }
0xc8: {  	(tm) =	ssettm $0x7FFFFFFF  }
0xc9: {  	_ =	shalt  }
tec
execute0_lowered:
.L_overlay_start_1:
0x0: {  	(tag) =	ssettag $0x1  }
0x1: {  	s0 =	rddreg [dreg:$0x0]  }
0x2: {  	s1 =	rddreg [dreg:$0x1]  }
0x3: {  	s5 =	rddreg [dreg:$0x2]  }
0x4: {  	s13 =	rddreg [dreg:$0x3]  }
0x5: {  	s2 =	rddreg [dreg:$0x4]  }
0x6: {  	s3 =	rddreg [dreg:$0x5];
	s4 =	simm.s32 $0x0;
	s6 =	srdreg.scid  }
0x7: {  	s8 =	stileid.u32;
	s22 =	simm.s32 $0x40;
	s28 =	simm.s32 $0x1  }
0x8: {  	s19 =	simm.s32 $0x2;
	s21 =	simm.s32 $0x4590;
	s17 =	simm.s32 $0x4490  }
0x9: {  	s18 =	simm.s32 $0xA710;
	s14 =	simm.s32 $0x4;
	s15 =	simm.s32 $0x4690  }
0xa: {  	s16 =	simm.s32 $0x12710;
	[smem:$0x7FF] =	sst s4;
	s7 =	sadd.s32 $0x1200, s5  }
0xb: {  	s6 =	sand.u32 $0x1, s6;
	s5 =	sadd.s32 $0x5400, s5;
	s24 =	sshll.u32 s8, $0x1  }
0xc: {  	s25 =	sshll.u32 s8, $0x2;
	s11 =	sadd.s32 $0x400, s13;
	s12 =	sadd.s32 $0x800, s13  }
0xd: {  	s31 =	smov.u32 s13;
	s13 =	sadd.s32 $0xC00, s13;
	p0 =	sne.s32 s8, $0x0  }
0xe: {  	s8 =	simm.s32 $0x10710;
	_ =	strace $0x80000047;
	[dreg:$0x7] =	wrdreg s7  }
0xf: {  	[dreg:$0x8] =	wrdreg s5;
	s23 =	ssub.s32 $0x2, s6;
	s6 =	sor.u32 s6, s24  }
0x10: {  	s10 =	sand.u32 $0x30, s25;
	s24 =	simm.s32 $0x4710;
	s25 =	simm.s32 $0x0  }
0x11: {  	s9 =	sshrl.u32 s23, $0x1;
	s26 =	sshll.u32 s6, $0x5;
	s0 =	sadd.s32 s0, s10  }
0x12: {  	s29 =	sadd.s32 s1, s10;
	s10 =	sshll.u32 s6, $0x11;
	s6 =	simm.s32 $0x4610  }
0x13: {  	s5 =	ssub.s32 s23, s9;
	s7 =	sand.u32 $0xE0, s26;
	[dreg:$0x9] =	wrdreg s0  }
0x14: {  	[dreg:$0xa] =	wrdreg s29;
	s0 =	sshrl.u32 @!p0 s2, $0x3;
	s26 =	simm.s32 $0x6710  }
0x15: {  	s23 =	simm.s32 $0xE710;
	s30 =	smax.u32 s5, $0x1;
	[dreg:$0xc] =	wrdreg s0  }
0x16: {  	s9 =	simm.s32 $0x5;
	s0 =	sshrl.u32 @!p0 s3, $0x3;
	[dreg:$0xb] =	wrdreg s30  }
0x17: {  	s5 =	simm.s32 $0x3;
	v0 =	vmov s7;
	[dreg:$0xd] =	wrdreg s0;
	s0 =	simm.s32 $0x8710  }
.LBB2_1:
0x18: {  	[dreg:$0xe] =	wrdreg s25  }
0x19: {  	s20 =	rddreg [dreg:$0x7]  }
0x1a: {  	s1 =	simm.s32 @!p0 $0x1C09;
	s25 =	rddreg [dreg:$0xc]  }
0x1b: {  	[spmem:s25], [sflag:s1] =	dma.local @!p0 [hbm:s20], $0x4010  }
0x1c: {  	s20 =	simm.s32 @!p0 $0x9  }
0x1d: {  	_ =	swait.ge @!p0 [sflag:s20], $0x4010  }
0x1e: {  	[sflag:s20] =	ssyncset.done @!p0 $0x0;
	s25 =	rddreg [dreg:$0x8]  }
0x1f: {  	s29 =	rddreg [dreg:$0xd];
	[sflag:s20] =	ssyncadd.s32 @!p0 $0xFFFFBFF0  }
0x20: {  	[spmem:s29], [sflag:s1] =	dma.local @!p0 [hbm:s25], $0x4010  }
0x21: {  	s30 =	simm.s32 $0x4010;
	_ =	swait.ge @!p0 [sflag:s20], $0x4010  }
0x22: {  	s25 =	simm.s32 $0x200;
	s29 =	simm.s32 $0x9;
	[sflag:s20] =	ssyncset.done @!p0 $0x0  }
0x23: {  	s1 =	rddreg [dreg:$0x9];
	[sflag:s20] =	ssyncadd.s32 @!p0 $0xFFFFBFF0;
	s20 =	simm.s32 $0x80  }
0x24: {  	[tilespmem:s30], [sflag:$0x9] =	stream.strided.gather [hbm4b:s1+s20], $0x100, s25, s20, $0x38;
	[tilespmem:$0x14710] =	vst v63  }
0x25: {  	_ =	swait.ge [sflag:s29], $0x100  }
0x26: {  	[sflag:s29] =	ssyncset.done $0x0  }
0x27: {  	s30 =	simm.s32 $0x4190;
	s1 =	rddreg [dreg:$0xa];
	[sflag:s29] =	ssyncadd.s32 $0xFFFFFF00  }
0x28: {  	[tilespmem:s30], [sflag:$0x9] =	stream.strided.gather [hbm4b:s1+s20], $0x100, s25, s20, $0x38;
	[tilespmem:$0x14710] =	vst v63  }
0x29: {  	_ =	swait.ge [sflag:s29], $0x100  }
0x2a: {  	[sflag:s29] =	ssyncset.done $0x0  }
0x2b: {  	[sflag:s29] =	ssyncadd.s32 $0xFFFFFF00  }
0x2c: {  	[bflag:$0x0] =	sbarrier.arrive $0xFFFF  }
0x2d: {  	v1 =	vld [tilespmem:s7+$0x4010]  }
0x2e: {  	v2 =	vld [tilespmem:s7+$0x4190];
	_ =	sdelay $0x3  }
0x2f: {  	(v2sf) =	vpush v1, $0x0  }
0x30: {  	(v2sf) =	vpush v2, $0x0;
	_ =	sdelay $0xa  }
0x31: {  	v1 =	vld [tilespmem:$0x4010]  }
0x32: {  	v2 =	vld [tilespmem:$0x4190]  }
0x33: {  	v3 =	vld [tilespmem:$0x4020]  }
0x34: {  	v4 =	vld [tilespmem:$0x41A0];
	s25 =	spop (v2sf)  }
0x35: {  	v5 =	vld [tilespmem:$0x4030];
	s1 =	sadd.s32 $0x200, s25;
	s29 =	spop (v2sf)  }
0x36: {  	v6 =	vld [tilespmem:$0x41B0];
	s20 =	sadd.s32 $0x200, s29;
	v1 =	vsub.s32 s1, v1  }
0x37: {  	[tilespmem:$0x4310] =	vst v1;
	v1 =	vsub.s32 s20, v2;
	v2 =	vld [tilespmem:$0x4040]  }
0x38: {  	[tilespmem:$0x4510] =	vst v1;
	v1 =	vsub.s32 s1, v3;
	v3 =	vld [tilespmem:$0x41C0]  }
0x39: {  	[tilespmem:$0x4320] =	vst v1;
	v1 =	vsub.s32 s20, v4  }
0x3a: {  	[tilespmem:$0x4520] =	vst v1;
	v1 =	vsub.s32 s1, v5  }
0x3b: {  	[tilespmem:$0x4330] =	vst v1;
	v1 =	vsub.s32 s20, v6  }
0x3c: {  	[tilespmem:$0x4530] =	vst v1;
	v1 =	vsub.s32 s1, v2  }
0x3d: {  	[tilespmem:$0x4340] =	vst v1;
	v1 =	vsub.s32 s20, v3  }
0x3e: {  	s30 =	simm.s32 $0x4310;
	s25 =	simm.s32 $0x0;
	[tilespmem:$0x4540] =	vst v1  }
0x3f: {  	[tilespmem:s24], [sflag:$0x1] =	stream.indirect.gather [spmem:s2], $0x80, s30, s22, $0xb8;
	[tilespmem:$0x14710] =	vst v63  }
.LBB2_2:
0x40: {  	s1 =	sor.u32 s7, s25  }
0x41: {  	v1 =	vld [tilespmem:s1+$0x4010]  }
0x42: {  	v2 =	vld [tilespmem:s1+$0x4190];
	_ =	sdelay $0x3  }
0x43: {  	(v2sf) =	vpush v1, $0x0  }
0x44: {  	(v2sf) =	vpush v2, $0x0;
	_ =	sdelay $0xd  }
0x45: {  	p1 =	seq.s32 s25, $0x0;
	s30 =	spop (v2sf)  }
0x46: {  	s29 =	simm.s32 @!p1 $0x6;
	s20 =	spop (v2sf)  }
0x47: {  	_ =	swait.ge @!p1 [sflag:s29], $0x2000  }
0x48: {  	[sflag:s29] =	ssyncset.done @!p1 $0x0  }
0x49: {  	[sflag:s29] =	ssyncadd.s32 @!p1 $0xFFFFE000  }
0x4a: {  	v3 =	vld [tilespmem:$0x4050]  }
0x4b: {  	v4 =	vld [tilespmem:$0x41D0]  }
0x4c: {  	v5 =	vld [tilespmem:$0x4060]  }
0x4d: {  	s1 =	sadd.s32 $0x200, s30;
	v6 =	vld [tilespmem:$0x41E0]  }
0x4e: {  	v1 =	vmov s1;
	s20 =	sadd.s32 $0x200, s20;
	v7 =	vld [tilespmem:$0x4070]  }
0x4f: {  	v2 =	vmov s20;
	v8 =	vld [tilespmem:$0x41F0];
	v3 =	vsub.s32 v1, v3  }
0x50: {  	v62 =	vld [tilespmem:$0x4080];
	[tilespmem:$0x4390] =	vst v3;
	v3 =	vsub.s32 v2, v4  }
0x51: {  	v63 =	vld [tilespmem:$0x4200];
	[tilespmem:$0x4590] =	vst v3;
	v3 =	vsub.s32 v1, v5  }
0x52: {  	[tilespmem:$0x43A0] =	vst v3;
	v3 =	vsub.s32 v2, v6  }
0x53: {  	[tilespmem:$0x45A0] =	vst v3;
	v3 =	vsub.s32 v1, v7  }
0x54: {  	[tilespmem:$0x43B0] =	vst v3;
	v3 =	vsub.s32 v2, v8  }
0x55: {  	[tilespmem:$0x45B0] =	vst v3;
	v3 =	vsub.s32 v1, v62  }
0x56: {  	[tilespmem:$0x43C0] =	vst v3;
	v3 =	vsub.s32 v2, v63  }
0x57: {  	s30 =	simm.s32 $0x4390;
	[tilespmem:$0x45C0] =	vst v3  }
0x58: {  	[tilespmem:s26], [sflag:$0x2] =	stream.indirect.gather [spmem:s2], $0x80, s30, s22, $0xb8;
	[tilespmem:$0x14710] =	vst v63  }
0x59: {  	_ =	swait.ge [sflag:s28], $0x2000  }
0x5a: {  	[sflag:s28] =	ssyncset.done $0x0  }
0x5b: {  	s20 =	simm.s32 $0x4510;
	[sflag:s28] =	ssyncadd.s32 $0xFFFFE000  }
0x5c: {  	[tilespmem:s24], [sflag:$0x1] =	stream.indirect.gather.add.f32 [spmem:s3], $0x80, s20, s22, $0xb8;
	[tilespmem:$0x14710] =	vst v63  }
0x5d: {  	_ =	swait.ge [sflag:s28], $0x2000  }
0x5e: {  	[sflag:s28] =	ssyncset.done $0x0  }
0x5f: {  	s30 =	simm.s32 $0x4810;
	[sflag:s28] =	ssyncadd.s32 $0xFFFFE000  }
0x60: {  	v3 =	vld [tilespmem:s30+$0xFFFFFF00];
	_ =	sdelay $0x4  }
0x61: {  	s1 =	simm.s32 $0xC810;
	v3 =	vmax.f32 v3, $0.0e+00  }
0x62: {  	[tilespmem:s1+$0xFFFFFF00] =	vst v3  }
0x63: {  	v3 =	vld [tilespmem:s30+$0xFFFFFF10];
	_ =	sdelay $0x4  }
0x64: {  	v3 =	vmax.f32 v3, $0.0e+00  }
0x65: {  	[tilespmem:s1+$0xFFFFFF10] =	vst v3  }
0x66: {  	v3 =	vld [tilespmem:s30+$0xFFFFFF20];
	_ =	sdelay $0x4  }
0x67: {  	v3 =	vmax.f32 v3, $0.0e+00  }
0x68: {  	[tilespmem:s1+$0xFFFFFF20] =	vst v3  }
0x69: {  	v3 =	vld [tilespmem:s30+$0xFFFFFF30];
	_ =	sdelay $0x4  }
0x6a: {  	v3 =	vmax.f32 v3, $0.0e+00  }
0x6b: {  	[tilespmem:s1+$0xFFFFFF30] =	vst v3  }
0x6c: {  	v3 =	vld [tilespmem:s30+$0xFFFFFF40];
	_ =	sdelay $0x4  }
0x6d: {  	v3 =	vmax.f32 v3, $0.0e+00  }
0x6e: {  	[tilespmem:s1+$0xFFFFFF40] =	vst v3  }
0x6f: {  	v3 =	vld [tilespmem:s30+$0xFFFFFF50];
	_ =	sdelay $0x4  }
0x70: {  	v3 =	vmax.f32 v3, $0.0e+00  }
0x71: {  	[tilespmem:s1+$0xFFFFFF50] =	vst v3  }
0x72: {  	v3 =	vld [tilespmem:s30+$0xFFFFFF60];
	_ =	sdelay $0x4  }
0x73: {  	v3 =	vmax.f32 v3, $0.0e+00  }
0x74: {  	[tilespmem:s1+$0xFFFFFF60] =	vst v3  }
0x75: {  	v3 =	vld [tilespmem:s30+$0xFFFFFF70];
	_ =	sdelay $0x4  }
0x76: {  	v3 =	vmax.f32 v3, $0.0e+00  }
0x77: {  	[tilespmem:s1+$0xFFFFFF70] =	vst v3  }
0x78: {  	v3 =	vld [tilespmem:s30+$0xFFFFFF80];
	_ =	sdelay $0x4  }
0x79: {  	v3 =	vmax.f32 v3, $0.0e+00  }
0x7a: {  	[tilespmem:s1+$0xFFFFFF80] =	vst v3  }
0x7b: {  	v3 =	vld [tilespmem:s30+$0xFFFFFF90];
	_ =	sdelay $0x4  }
0x7c: {  	v3 =	vmax.f32 v3, $0.0e+00  }
0x7d: {  	[tilespmem:s1+$0xFFFFFF90] =	vst v3  }
0x7e: {  	v3 =	vld [tilespmem:s30+$0xFFFFFFA0];
	_ =	sdelay $0x4  }
0x7f: {  	v3 =	vmax.f32 v3, $0.0e+00  }
0x80: {  	[tilespmem:s1+$0xFFFFFFA0] =	vst v3  }
0x81: {  	v3 =	vld [tilespmem:s30+$0xFFFFFFB0];
	_ =	sdelay $0x4  }
0x82: {  	v3 =	vmax.f32 v3, $0.0e+00  }
0x83: {  	[tilespmem:s1+$0xFFFFFFB0] =	vst v3  }
0x84: {  	v3 =	vld [tilespmem:s30+$0xFFFFFFC0];
	_ =	sdelay $0x4  }
0x85: {  	v3 =	vmax.f32 v3, $0.0e+00  }
0x86: {  	[tilespmem:s1+$0xFFFFFFC0] =	vst v3  }
0x87: {  	v3 =	vld [tilespmem:s30+$0xFFFFFFD0];
	_ =	sdelay $0x4  }
0x88: {  	v3 =	vmax.f32 v3, $0.0e+00  }
0x89: {  	[tilespmem:s1+$0xFFFFFFD0] =	vst v3  }
0x8a: {  	v3 =	vld [tilespmem:s30+$0xFFFFFFE0];
	_ =	sdelay $0x4  }
0x8b: {  	v3 =	vmax.f32 v3, $0.0e+00  }
0x8c: {  	[tilespmem:s1+$0xFFFFFFE0] =	vst v3  }
0x8d: {  	v3 =	vld [tilespmem:s30+$0xFFFFFFF0];
	_ =	sdelay $0x4  }
0x8e: {  	v3 =	vmax.f32 v3, $0.0e+00  }
0x8f: {  	[tilespmem:s1+$0xFFFFFFF0] =	vst v3  }
0x90: {  	v3 =	vld [tilespmem:s30+$0x0];
	_ =	sdelay $0x4  }
0x91: {  	v3 =	vmax.f32 v3, $0.0e+00  }
0x92: {  	[tilespmem:s1+$0x0] =	vst v3  }
0x93: {  	v3 =	vld [tilespmem:s30+$0x10];
	_ =	sdelay $0x4  }
0x94: {  	v3 =	vmax.f32 v3, $0.0e+00  }
0x95: {  	[tilespmem:s1+$0x10] =	vst v3  }
0x96: {  	v3 =	vld [tilespmem:s30+$0x20];
	_ =	sdelay $0x4  }
0x97: {  	v3 =	vmax.f32 v3, $0.0e+00  }
0x98: {  	[tilespmem:s1+$0x20] =	vst v3  }
0x99: {  	v3 =	vld [tilespmem:s30+$0x30];
	_ =	sdelay $0x4  }
0x9a: {  	v3 =	vmax.f32 v3, $0.0e+00  }
0x9b: {  	[tilespmem:s1+$0x30] =	vst v3  }
0x9c: {  	v3 =	vld [tilespmem:s30+$0x40];
	_ =	sdelay $0x4  }
0x9d: {  	v3 =	vmax.f32 v3, $0.0e+00  }
0x9e: {  	[tilespmem:s1+$0x40] =	vst v3  }
0x9f: {  	v3 =	vld [tilespmem:s30+$0x50];
	_ =	sdelay $0x4  }
0xa0: {  	v3 =	vmax.f32 v3, $0.0e+00  }
0xa1: {  	[tilespmem:s1+$0x50] =	vst v3  }
0xa2: {  	v3 =	vld [tilespmem:s30+$0x60];
	_ =	sdelay $0x4  }
0xa3: {  	v3 =	vmax.f32 v3, $0.0e+00  }
0xa4: {  	[tilespmem:s1+$0x60] =	vst v3  }
0xa5: {  	v3 =	vld [tilespmem:s30+$0x70];
	_ =	sdelay $0x4  }
0xa6: {  	v3 =	vmax.f32 v3, $0.0e+00  }
0xa7: {  	[tilespmem:s1+$0x70] =	vst v3  }
0xa8: {  	v3 =	vld [tilespmem:s30+$0x80];
	_ =	sdelay $0x4  }
0xa9: {  	v3 =	vmax.f32 v3, $0.0e+00  }
0xaa: {  	[tilespmem:s1+$0x80] =	vst v3  }
0xab: {  	v3 =	vld [tilespmem:s30+$0x90];
	_ =	sdelay $0x4  }
0xac: {  	v3 =	vmax.f32 v3, $0.0e+00  }
0xad: {  	[tilespmem:s1+$0x90] =	vst v3  }
0xae: {  	v3 =	vld [tilespmem:s30+$0xA0];
	_ =	sdelay $0x4  }
0xaf: {  	v3 =	vmax.f32 v3, $0.0e+00  }
0xb0: {  	[tilespmem:s1+$0xA0] =	vst v3  }
0xb1: {  	v3 =	vld [tilespmem:s30+$0xB0];
	_ =	sdelay $0x4  }
0xb2: {  	v3 =	vmax.f32 v3, $0.0e+00  }
0xb3: {  	[tilespmem:s1+$0xB0] =	vst v3  }
0xb4: {  	v3 =	vld [tilespmem:s30+$0xC0];
	_ =	sdelay $0x4  }
0xb5: {  	v3 =	vmax.f32 v3, $0.0e+00  }
0xb6: {  	[tilespmem:s1+$0xC0] =	vst v3  }
0xb7: {  	v3 =	vld [tilespmem:s30+$0xD0];
	_ =	sdelay $0x4  }
0xb8: {  	v3 =	vmax.f32 v3, $0.0e+00  }
0xb9: {  	[tilespmem:s1+$0xD0] =	vst v3  }
0xba: {  	v3 =	vld [tilespmem:s30+$0xE0];
	_ =	sdelay $0x4  }
0xbb: {  	v3 =	vmax.f32 v3, $0.0e+00  }
0xbc: {  	[tilespmem:s1+$0xE0] =	vst v3  }
0xbd: {  	v3 =	vld [tilespmem:s30+$0xF0];
	_ =	sdelay $0x4  }
0xbe: {  	v3 =	vmax.f32 v3, $0.0e+00  }
0xbf: {  	s29 =	simm.s32 $0x4A10;
	s20 =	simm.s32 $0x0;
	[tilespmem:s1+$0xF0] =	vst v3  }
.LBB2_3:
0xc0: {  	v3 =	vld [tilespmem:s29+$0xFFFFFF00];
	s20 =	sadd.s32 $0x4, s20  }
0xc1: {  	p2 =	slt.u32 s20, $0x3C;
	_ =	sdelay $0x3  }
0xc2: {  	s1 =	sadd.s32 $0x200, s1;
	v3 =	vmax.f32 v3, $0.0e+00  }
0xc3: {  	[tilespmem:s1+$0xFFFFFF00] =	vst v3  }
0xc4: {  	v3 =	vld [tilespmem:s29+$0xFFFFFF10];
	_ =	sdelay $0x4  }
0xc5: {  	v3 =	vmax.f32 v3, $0.0e+00  }
0xc6: {  	[tilespmem:s1+$0xFFFFFF10] =	vst v3  }
0xc7: {  	v3 =	vld [tilespmem:s29+$0xFFFFFF20];
	_ =	sdelay $0x4  }
0xc8: {  	v3 =	vmax.f32 v3, $0.0e+00  }
0xc9: {  	[tilespmem:s1+$0xFFFFFF20] =	vst v3  }
0xca: {  	v3 =	vld [tilespmem:s29+$0xFFFFFF30];
	_ =	sdelay $0x4  }
0xcb: {  	v3 =	vmax.f32 v3, $0.0e+00  }
0xcc: {  	[tilespmem:s1+$0xFFFFFF30] =	vst v3  }
0xcd: {  	v3 =	vld [tilespmem:s29+$0xFFFFFF40];
	_ =	sdelay $0x4  }
0xce: {  	v3 =	vmax.f32 v3, $0.0e+00  }
0xcf: {  	[tilespmem:s1+$0xFFFFFF40] =	vst v3  }
0xd0: {  	v3 =	vld [tilespmem:s29+$0xFFFFFF50];
	_ =	sdelay $0x4  }
0xd1: {  	v3 =	vmax.f32 v3, $0.0e+00  }
0xd2: {  	[tilespmem:s1+$0xFFFFFF50] =	vst v3  }
0xd3: {  	v3 =	vld [tilespmem:s29+$0xFFFFFF60];
	_ =	sdelay $0x4  }
0xd4: {  	v3 =	vmax.f32 v3, $0.0e+00  }
0xd5: {  	[tilespmem:s1+$0xFFFFFF60] =	vst v3  }
0xd6: {  	v3 =	vld [tilespmem:s29+$0xFFFFFF70];
	_ =	sdelay $0x4  }
0xd7: {  	v3 =	vmax.f32 v3, $0.0e+00  }
0xd8: {  	[tilespmem:s1+$0xFFFFFF70] =	vst v3  }
0xd9: {  	v3 =	vld [tilespmem:s29+$0xFFFFFF80];
	_ =	sdelay $0x4  }
0xda: {  	v3 =	vmax.f32 v3, $0.0e+00  }
0xdb: {  	[tilespmem:s1+$0xFFFFFF80] =	vst v3  }
0xdc: {  	v3 =	vld [tilespmem:s29+$0xFFFFFF90];
	_ =	sdelay $0x4  }
0xdd: {  	v3 =	vmax.f32 v3, $0.0e+00  }
0xde: {  	[tilespmem:s1+$0xFFFFFF90] =	vst v3  }
0xdf: {  	v3 =	vld [tilespmem:s29+$0xFFFFFFA0];
	_ =	sdelay $0x4  }
0xe0: {  	v3 =	vmax.f32 v3, $0.0e+00  }
0xe1: {  	[tilespmem:s1+$0xFFFFFFA0] =	vst v3  }
0xe2: {  	v3 =	vld [tilespmem:s29+$0xFFFFFFB0];
	_ =	sdelay $0x4  }
0xe3: {  	v3 =	vmax.f32 v3, $0.0e+00  }
0xe4: {  	[tilespmem:s1+$0xFFFFFFB0] =	vst v3  }
0xe5: {  	v3 =	vld [tilespmem:s29+$0xFFFFFFC0];
	_ =	sdelay $0x4  }
0xe6: {  	v3 =	vmax.f32 v3, $0.0e+00  }
0xe7: {  	[tilespmem:s1+$0xFFFFFFC0] =	vst v3  }
0xe8: {  	v3 =	vld [tilespmem:s29+$0xFFFFFFD0];
	_ =	sdelay $0x4  }
0xe9: {  	v3 =	vmax.f32 v3, $0.0e+00  }
0xea: {  	[tilespmem:s1+$0xFFFFFFD0] =	vst v3  }
0xeb: {  	v3 =	vld [tilespmem:s29+$0xFFFFFFE0];
	_ =	sdelay $0x4  }
0xec: {  	v3 =	vmax.f32 v3, $0.0e+00  }
0xed: {  	[tilespmem:s1+$0xFFFFFFE0] =	vst v3  }
0xee: {  	v3 =	vld [tilespmem:s29+$0xFFFFFFF0];
	_ =	sdelay $0x4  }
0xef: {  	v3 =	vmax.f32 v3, $0.0e+00  }
0xf0: {  	[tilespmem:s1+$0xFFFFFFF0] =	vst v3  }
0xf1: {  	v3 =	vld [tilespmem:s29+$0x0];
	_ =	sdelay $0x4  }
0xf2: {  	v3 =	vmax.f32 v3, $0.0e+00  }
0xf3: {  	[tilespmem:s1+$0x0] =	vst v3  }
0xf4: {  	v3 =	vld [tilespmem:s29+$0x10];
	_ =	sdelay $0x4  }
0xf5: {  	v3 =	vmax.f32 v3, $0.0e+00  }
0xf6: {  	[tilespmem:s1+$0x10] =	vst v3  }
0xf7: {  	v3 =	vld [tilespmem:s29+$0x20];
	_ =	sdelay $0x4  }
0xf8: {  	v3 =	vmax.f32 v3, $0.0e+00  }
0xf9: {  	[tilespmem:s1+$0x20] =	vst v3  }
0xfa: {  	v3 =	vld [tilespmem:s29+$0x30];
	_ =	sdelay $0x4  }
0xfb: {  	v3 =	vmax.f32 v3, $0.0e+00  }
0xfc: {  	[tilespmem:s1+$0x30] =	vst v3  }
0xfd: {  	v3 =	vld [tilespmem:s29+$0x40];
	_ =	sdelay $0x4  }
0xfe: {  	v3 =	vmax.f32 v3, $0.0e+00  }
0xff: {  	[tilespmem:s1+$0x40] =	vst v3  }
0x100: {  	v3 =	vld [tilespmem:s29+$0x50];
	_ =	sdelay $0x4  }
0x101: {  	v3 =	vmax.f32 v3, $0.0e+00  }
0x102: {  	[tilespmem:s1+$0x50] =	vst v3  }
0x103: {  	v3 =	vld [tilespmem:s29+$0x60];
	_ =	sdelay $0x4  }
0x104: {  	v3 =	vmax.f32 v3, $0.0e+00  }
0x105: {  	[tilespmem:s1+$0x60] =	vst v3  }
0x106: {  	v3 =	vld [tilespmem:s29+$0x70];
	_ =	sdelay $0x4  }
0x107: {  	v3 =	vmax.f32 v3, $0.0e+00  }
0x108: {  	[tilespmem:s1+$0x70] =	vst v3  }
0x109: {  	v3 =	vld [tilespmem:s29+$0x80];
	_ =	sdelay $0x4  }
0x10a: {  	v3 =	vmax.f32 v3, $0.0e+00  }
0x10b: {  	[tilespmem:s1+$0x80] =	vst v3  }
0x10c: {  	v3 =	vld [tilespmem:s29+$0x90];
	_ =	sdelay $0x4  }
0x10d: {  	v3 =	vmax.f32 v3, $0.0e+00  }
0x10e: {  	[tilespmem:s1+$0x90] =	vst v3  }
0x10f: {  	v3 =	vld [tilespmem:s29+$0xA0];
	_ =	sdelay $0x4  }
0x110: {  	v3 =	vmax.f32 v3, $0.0e+00  }
0x111: {  	[tilespmem:s1+$0xA0] =	vst v3  }
0x112: {  	v3 =	vld [tilespmem:s29+$0xB0];
	_ =	sdelay $0x4  }
0x113: {  	v3 =	vmax.f32 v3, $0.0e+00  }
0x114: {  	[tilespmem:s1+$0xB0] =	vst v3  }
0x115: {  	v3 =	vld [tilespmem:s29+$0xC0];
	_ =	sdelay $0x4  }
0x116: {  	v3 =	vmax.f32 v3, $0.0e+00  }
0x117: {  	[tilespmem:s1+$0xC0] =	vst v3  }
0x118: {  	v3 =	vld [tilespmem:s29+$0xD0];
	_ =	sdelay $0x4  }
0x119: {  	v3 =	vmax.f32 v3, $0.0e+00  }
0x11a: {  	[tilespmem:s1+$0xD0] =	vst v3  }
0x11b: {  	v3 =	vld [tilespmem:s29+$0xE0];
	_ =	sdelay $0x4  }
0x11c: {  	v3 =	vmax.f32 v3, $0.0e+00  }
0x11d: {  	[tilespmem:s1+$0xE0] =	vst v3  }
0x11e: {  	v3 =	vld [tilespmem:s29+$0xF0];
	_ =	sdelay $0x1  }
.Ltmp0:
0x11f: {  	(pc) =	sbr.rel @p2 .LBB2_3-.Ltmp0, $3  }
0x120: {  	_ =	sdelay $0x1  }
0x121: {  	v3 =	vmax.f32 v3, $0.0e+00  }
0x122: {  	s29 =	sadd.s32 $0x200, s29;
	[tilespmem:s1+$0xF0] =	vst v3  }
0x123: {  	s1 =	sshll.u32 s25, $0xC  }
0x124: {  	s1 =	sadd.s32 s10, s1  }
0x125: {  	s29 =	simm.s32 $0xC710;
	s20 =	sadd.s32 s31, s1  }
0x126: {  	[hbm4b:s20+s4] =	stream.linear.scatter [tilespmem:s29], [sflag:$0x5], $0x2000, $0x38;
	[tilespmem:$0x14710] =	vst v63  }
0x127: {  	s20 =	simm.s32 @!p1 $0x7  }
0x128: {  	_ =	swait.ge @!p1 [sflag:s20], $0x2000  }
0x129: {  	[sflag:s20] =	ssyncset.done @!p1 $0x0  }
0x12a: {  	[sflag:s20] =	ssyncadd.s32 @!p1 $0xFFFFE000  }
0x12b: {  	v3 =	vld [tilespmem:$0x4090]  }
0x12c: {  	v4 =	vld [tilespmem:$0x4210]  }
0x12d: {  	v5 =	vld [tilespmem:$0x40A0]  }
0x12e: {  	v6 =	vld [tilespmem:$0x4220]  }
0x12f: {  	v7 =	vld [tilespmem:$0x40B0]  }
0x130: {  	v8 =	vld [tilespmem:$0x4230];
	v3 =	vsub.s32 v1, v3  }
0x131: {  	v62 =	vld [tilespmem:$0x40C0];
	[tilespmem:$0x4410] =	vst v3;
	v3 =	vsub.s32 v2, v4  }
0x132: {  	v63 =	vld [tilespmem:$0x4240];
	[tilespmem:$0x4610] =	vst v3;
	v3 =	vsub.s32 v1, v5  }
0x133: {  	[tilespmem:$0x4420] =	vst v3;
	v3 =	vsub.s32 v2, v6  }
0x134: {  	[tilespmem:$0x4620] =	vst v3;
	v3 =	vsub.s32 v1, v7  }
0x135: {  	[tilespmem:$0x4430] =	vst v3;
	v3 =	vsub.s32 v2, v8  }
0x136: {  	[tilespmem:$0x4630] =	vst v3;
	v3 =	vsub.s32 v1, v62  }
0x137: {  	[tilespmem:$0x4440] =	vst v3;
	v3 =	vsub.s32 v2, v63  }
0x138: {  	s20 =	simm.s32 $0x4410;
	[tilespmem:$0x4640] =	vst v3  }
0x139: {  	[tilespmem:s0], [sflag:$0x3] =	stream.indirect.gather [spmem:s2], $0x80, s20, s22, $0xb8;
	[tilespmem:$0x14710] =	vst v63  }
0x13a: {  	_ =	swait.ge [sflag:s19], $0x2000  }
0x13b: {  	[sflag:s19] =	ssyncset.done $0x0  }
0x13c: {  	[sflag:s19] =	ssyncadd.s32 $0xFFFFE000  }
0x13d: {  	[tilespmem:s26], [sflag:$0x2] =	stream.indirect.gather.add.f32 [spmem:s3], $0x80, s21, s22, $0xb8;
	[tilespmem:$0x14710] =	vst v63  }
0x13e: {  	_ =	swait.ge [sflag:s19], $0x2000  }
0x13f: {  	[sflag:s19] =	ssyncset.done $0x0  }
0x140: {  	s29 =	simm.s32 $0x6810;
	[sflag:s19] =	ssyncadd.s32 $0xFFFFE000  }
0x141: {  	v3 =	vld [tilespmem:s29+$0xFFFFFF00];
	_ =	sdelay $0x4  }
0x142: {  	s20 =	simm.s32 $0xE810;
	v3 =	vmax.f32 v3, $0.0e+00  }
0x143: {  	[tilespmem:s20+$0xFFFFFF00] =	vst v3  }
0x144: {  	v3 =	vld [tilespmem:s29+$0xFFFFFF10];
	_ =	sdelay $0x4  }
0x145: {  	v3 =	vmax.f32 v3, $0.0e+00  }
0x146: {  	[tilespmem:s20+$0xFFFFFF10] =	vst v3  }
0x147: {  	v3 =	vld [tilespmem:s29+$0xFFFFFF20];
	_ =	sdelay $0x4  }
0x148: {  	v3 =	vmax.f32 v3, $0.0e+00  }
0x149: {  	[tilespmem:s20+$0xFFFFFF20] =	vst v3  }
0x14a: {  	v3 =	vld [tilespmem:s29+$0xFFFFFF30];
	_ =	sdelay $0x4  }
0x14b: {  	v3 =	vmax.f32 v3, $0.0e+00  }
0x14c: {  	[tilespmem:s20+$0xFFFFFF30] =	vst v3  }
0x14d: {  	v3 =	vld [tilespmem:s29+$0xFFFFFF40];
	_ =	sdelay $0x4  }
0x14e: {  	v3 =	vmax.f32 v3, $0.0e+00  }
0x14f: {  	[tilespmem:s20+$0xFFFFFF40] =	vst v3  }
0x150: {  	v3 =	vld [tilespmem:s29+$0xFFFFFF50];
	_ =	sdelay $0x4  }
0x151: {  	v3 =	vmax.f32 v3, $0.0e+00  }
0x152: {  	[tilespmem:s20+$0xFFFFFF50] =	vst v3  }
0x153: {  	v3 =	vld [tilespmem:s29+$0xFFFFFF60];
	_ =	sdelay $0x4  }
0x154: {  	v3 =	vmax.f32 v3, $0.0e+00  }
0x155: {  	[tilespmem:s20+$0xFFFFFF60] =	vst v3  }
0x156: {  	v3 =	vld [tilespmem:s29+$0xFFFFFF70];
	_ =	sdelay $0x4  }
0x157: {  	v3 =	vmax.f32 v3, $0.0e+00  }
0x158: {  	[tilespmem:s20+$0xFFFFFF70] =	vst v3  }
0x159: {  	v3 =	vld [tilespmem:s29+$0xFFFFFF80];
	_ =	sdelay $0x4  }
0x15a: {  	v3 =	vmax.f32 v3, $0.0e+00  }
0x15b: {  	[tilespmem:s20+$0xFFFFFF80] =	vst v3  }
0x15c: {  	v3 =	vld [tilespmem:s29+$0xFFFFFF90];
	_ =	sdelay $0x4  }
0x15d: {  	v3 =	vmax.f32 v3, $0.0e+00  }
0x15e: {  	[tilespmem:s20+$0xFFFFFF90] =	vst v3  }
0x15f: {  	v3 =	vld [tilespmem:s29+$0xFFFFFFA0];
	_ =	sdelay $0x4  }
0x160: {  	v3 =	vmax.f32 v3, $0.0e+00  }
0x161: {  	[tilespmem:s20+$0xFFFFFFA0] =	vst v3  }
0x162: {  	v3 =	vld [tilespmem:s29+$0xFFFFFFB0];
	_ =	sdelay $0x4  }
0x163: {  	v3 =	vmax.f32 v3, $0.0e+00  }
0x164: {  	[tilespmem:s20+$0xFFFFFFB0] =	vst v3  }
0x165: {  	v3 =	vld [tilespmem:s29+$0xFFFFFFC0];
	_ =	sdelay $0x4  }
0x166: {  	v3 =	vmax.f32 v3, $0.0e+00  }
0x167: {  	[tilespmem:s20+$0xFFFFFFC0] =	vst v3  }
0x168: {  	v3 =	vld [tilespmem:s29+$0xFFFFFFD0];
	_ =	sdelay $0x4  }
0x169: {  	v3 =	vmax.f32 v3, $0.0e+00  }
0x16a: {  	[tilespmem:s20+$0xFFFFFFD0] =	vst v3  }
0x16b: {  	v3 =	vld [tilespmem:s29+$0xFFFFFFE0];
	_ =	sdelay $0x4  }
0x16c: {  	v3 =	vmax.f32 v3, $0.0e+00  }
0x16d: {  	[tilespmem:s20+$0xFFFFFFE0] =	vst v3  }
0x16e: {  	v3 =	vld [tilespmem:s29+$0xFFFFFFF0];
	_ =	sdelay $0x4  }
0x16f: {  	v3 =	vmax.f32 v3, $0.0e+00  }
0x170: {  	[tilespmem:s20+$0xFFFFFFF0] =	vst v3  }
0x171: {  	v3 =	vld [tilespmem:s29+$0x0];
	_ =	sdelay $0x4  }
0x172: {  	v3 =	vmax.f32 v3, $0.0e+00  }
0x173: {  	[tilespmem:s20+$0x0] =	vst v3  }
0x174: {  	v3 =	vld [tilespmem:s29+$0x10];
	_ =	sdelay $0x4  }
0x175: {  	v3 =	vmax.f32 v3, $0.0e+00  }
0x176: {  	[tilespmem:s20+$0x10] =	vst v3  }
0x177: {  	v3 =	vld [tilespmem:s29+$0x20];
	_ =	sdelay $0x4  }
0x178: {  	v3 =	vmax.f32 v3, $0.0e+00  }
0x179: {  	[tilespmem:s20+$0x20] =	vst v3  }
0x17a: {  	v3 =	vld [tilespmem:s29+$0x30];
	_ =	sdelay $0x4  }
0x17b: {  	v3 =	vmax.f32 v3, $0.0e+00  }
0x17c: {  	[tilespmem:s20+$0x30] =	vst v3  }
0x17d: {  	v3 =	vld [tilespmem:s29+$0x40];
	_ =	sdelay $0x4  }
0x17e: {  	v3 =	vmax.f32 v3, $0.0e+00  }
0x17f: {  	[tilespmem:s20+$0x40] =	vst v3  }
0x180: {  	v3 =	vld [tilespmem:s29+$0x50];
	_ =	sdelay $0x4  }
0x181: {  	v3 =	vmax.f32 v3, $0.0e+00  }
0x182: {  	[tilespmem:s20+$0x50] =	vst v3  }
0x183: {  	v3 =	vld [tilespmem:s29+$0x60];
	_ =	sdelay $0x4  }
0x184: {  	v3 =	vmax.f32 v3, $0.0e+00  }
0x185: {  	[tilespmem:s20+$0x60] =	vst v3  }
0x186: {  	v3 =	vld [tilespmem:s29+$0x70];
	_ =	sdelay $0x4  }
0x187: {  	v3 =	vmax.f32 v3, $0.0e+00  }
0x188: {  	[tilespmem:s20+$0x70] =	vst v3  }
0x189: {  	v3 =	vld [tilespmem:s29+$0x80];
	_ =	sdelay $0x4  }
0x18a: {  	v3 =	vmax.f32 v3, $0.0e+00  }
0x18b: {  	[tilespmem:s20+$0x80] =	vst v3  }
0x18c: {  	v3 =	vld [tilespmem:s29+$0x90];
	_ =	sdelay $0x4  }
0x18d: {  	v3 =	vmax.f32 v3, $0.0e+00  }
0x18e: {  	[tilespmem:s20+$0x90] =	vst v3  }
0x18f: {  	v3 =	vld [tilespmem:s29+$0xA0];
	_ =	sdelay $0x4  }
0x190: {  	v3 =	vmax.f32 v3, $0.0e+00  }
0x191: {  	[tilespmem:s20+$0xA0] =	vst v3  }
0x192: {  	v3 =	vld [tilespmem:s29+$0xB0];
	_ =	sdelay $0x4  }
0x193: {  	v3 =	vmax.f32 v3, $0.0e+00  }
0x194: {  	[tilespmem:s20+$0xB0] =	vst v3  }
0x195: {  	v3 =	vld [tilespmem:s29+$0xC0];
	_ =	sdelay $0x4  }
0x196: {  	v3 =	vmax.f32 v3, $0.0e+00  }
0x197: {  	[tilespmem:s20+$0xC0] =	vst v3  }
0x198: {  	v3 =	vld [tilespmem:s29+$0xD0];
	_ =	sdelay $0x4  }
0x199: {  	v3 =	vmax.f32 v3, $0.0e+00  }
0x19a: {  	[tilespmem:s20+$0xD0] =	vst v3  }
0x19b: {  	v3 =	vld [tilespmem:s29+$0xE0];
	_ =	sdelay $0x4  }
0x19c: {  	v3 =	vmax.f32 v3, $0.0e+00  }
0x19d: {  	[tilespmem:s20+$0xE0] =	vst v3  }
0x19e: {  	v3 =	vld [tilespmem:s29+$0xF0];
	_ =	sdelay $0x4  }
0x19f: {  	v3 =	vmax.f32 v3, $0.0e+00  }
0x1a0: {  	s30 =	simm.s32 $0x6A10;
	s29 =	simm.s32 $0x0;
	[tilespmem:s20+$0xF0] =	vst v3  }
.LBB2_5:
0x1a1: {  	v3 =	vld [tilespmem:s30+$0xFFFFFF00];
	s29 =	sadd.s32 $0x4, s29  }
0x1a2: {  	p2 =	slt.u32 s29, $0x3C;
	_ =	sdelay $0x3  }
0x1a3: {  	s20 =	sadd.s32 $0x200, s20;
	v3 =	vmax.f32 v3, $0.0e+00  }
0x1a4: {  	[tilespmem:s20+$0xFFFFFF00] =	vst v3  }
0x1a5: {  	v3 =	vld [tilespmem:s30+$0xFFFFFF10];
	_ =	sdelay $0x4  }
0x1a6: {  	v3 =	vmax.f32 v3, $0.0e+00  }
0x1a7: {  	[tilespmem:s20+$0xFFFFFF10] =	vst v3  }
0x1a8: {  	v3 =	vld [tilespmem:s30+$0xFFFFFF20];
	_ =	sdelay $0x4  }
0x1a9: {  	v3 =	vmax.f32 v3, $0.0e+00  }
0x1aa: {  	[tilespmem:s20+$0xFFFFFF20] =	vst v3  }
0x1ab: {  	v3 =	vld [tilespmem:s30+$0xFFFFFF30];
	_ =	sdelay $0x4  }
0x1ac: {  	v3 =	vmax.f32 v3, $0.0e+00  }
0x1ad: {  	[tilespmem:s20+$0xFFFFFF30] =	vst v3  }
0x1ae: {  	v3 =	vld [tilespmem:s30+$0xFFFFFF40];
	_ =	sdelay $0x4  }
0x1af: {  	v3 =	vmax.f32 v3, $0.0e+00  }
0x1b0: {  	[tilespmem:s20+$0xFFFFFF40] =	vst v3  }
0x1b1: {  	v3 =	vld [tilespmem:s30+$0xFFFFFF50];
	_ =	sdelay $0x4  }
0x1b2: {  	v3 =	vmax.f32 v3, $0.0e+00  }
0x1b3: {  	[tilespmem:s20+$0xFFFFFF50] =	vst v3  }
0x1b4: {  	v3 =	vld [tilespmem:s30+$0xFFFFFF60];
	_ =	sdelay $0x4  }
0x1b5: {  	v3 =	vmax.f32 v3, $0.0e+00  }
0x1b6: {  	[tilespmem:s20+$0xFFFFFF60] =	vst v3  }
0x1b7: {  	v3 =	vld [tilespmem:s30+$0xFFFFFF70];
	_ =	sdelay $0x4  }
0x1b8: {  	v3 =	vmax.f32 v3, $0.0e+00  }
0x1b9: {  	[tilespmem:s20+$0xFFFFFF70] =	vst v3  }
0x1ba: {  	v3 =	vld [tilespmem:s30+$0xFFFFFF80];
	_ =	sdelay $0x4  }
0x1bb: {  	v3 =	vmax.f32 v3, $0.0e+00  }
0x1bc: {  	[tilespmem:s20+$0xFFFFFF80] =	vst v3  }
0x1bd: {  	v3 =	vld [tilespmem:s30+$0xFFFFFF90];
	_ =	sdelay $0x4  }
0x1be: {  	v3 =	vmax.f32 v3, $0.0e+00  }
0x1bf: {  	[tilespmem:s20+$0xFFFFFF90] =	vst v3  }
0x1c0: {  	v3 =	vld [tilespmem:s30+$0xFFFFFFA0];
	_ =	sdelay $0x4  }
0x1c1: {  	v3 =	vmax.f32 v3, $0.0e+00  }
0x1c2: {  	[tilespmem:s20+$0xFFFFFFA0] =	vst v3  }
0x1c3: {  	v3 =	vld [tilespmem:s30+$0xFFFFFFB0];
	_ =	sdelay $0x4  }
0x1c4: {  	v3 =	vmax.f32 v3, $0.0e+00  }
0x1c5: {  	[tilespmem:s20+$0xFFFFFFB0] =	vst v3  }
0x1c6: {  	v3 =	vld [tilespmem:s30+$0xFFFFFFC0];
	_ =	sdelay $0x4  }
0x1c7: {  	v3 =	vmax.f32 v3, $0.0e+00  }
0x1c8: {  	[tilespmem:s20+$0xFFFFFFC0] =	vst v3  }
0x1c9: {  	v3 =	vld [tilespmem:s30+$0xFFFFFFD0];
	_ =	sdelay $0x4  }
0x1ca: {  	v3 =	vmax.f32 v3, $0.0e+00  }
0x1cb: {  	[tilespmem:s20+$0xFFFFFFD0] =	vst v3  }
0x1cc: {  	v3 =	vld [tilespmem:s30+$0xFFFFFFE0];
	_ =	sdelay $0x4  }
0x1cd: {  	v3 =	vmax.f32 v3, $0.0e+00  }
0x1ce: {  	[tilespmem:s20+$0xFFFFFFE0] =	vst v3  }
0x1cf: {  	v3 =	vld [tilespmem:s30+$0xFFFFFFF0];
	_ =	sdelay $0x4  }
0x1d0: {  	v3 =	vmax.f32 v3, $0.0e+00  }
0x1d1: {  	[tilespmem:s20+$0xFFFFFFF0] =	vst v3  }
0x1d2: {  	v3 =	vld [tilespmem:s30+$0x0];
	_ =	sdelay $0x4  }
0x1d3: {  	v3 =	vmax.f32 v3, $0.0e+00  }
0x1d4: {  	[tilespmem:s20+$0x0] =	vst v3  }
0x1d5: {  	v3 =	vld [tilespmem:s30+$0x10];
	_ =	sdelay $0x4  }
0x1d6: {  	v3 =	vmax.f32 v3, $0.0e+00  }
0x1d7: {  	[tilespmem:s20+$0x10] =	vst v3  }
0x1d8: {  	v3 =	vld [tilespmem:s30+$0x20];
	_ =	sdelay $0x4  }
0x1d9: {  	v3 =	vmax.f32 v3, $0.0e+00  }
0x1da: {  	[tilespmem:s20+$0x20] =	vst v3  }
0x1db: {  	v3 =	vld [tilespmem:s30+$0x30];
	_ =	sdelay $0x4  }
0x1dc: {  	v3 =	vmax.f32 v3, $0.0e+00  }
0x1dd: {  	[tilespmem:s20+$0x30] =	vst v3  }
0x1de: {  	v3 =	vld [tilespmem:s30+$0x40];
	_ =	sdelay $0x4  }
0x1df: {  	v3 =	vmax.f32 v3, $0.0e+00  }
0x1e0: {  	[tilespmem:s20+$0x40] =	vst v3  }
0x1e1: {  	v3 =	vld [tilespmem:s30+$0x50];
	_ =	sdelay $0x4  }
0x1e2: {  	v3 =	vmax.f32 v3, $0.0e+00  }
0x1e3: {  	[tilespmem:s20+$0x50] =	vst v3  }
0x1e4: {  	v3 =	vld [tilespmem:s30+$0x60];
	_ =	sdelay $0x4  }
0x1e5: {  	v3 =	vmax.f32 v3, $0.0e+00  }
0x1e6: {  	[tilespmem:s20+$0x60] =	vst v3  }
0x1e7: {  	v3 =	vld [tilespmem:s30+$0x70];
	_ =	sdelay $0x4  }
0x1e8: {  	v3 =	vmax.f32 v3, $0.0e+00  }
0x1e9: {  	[tilespmem:s20+$0x70] =	vst v3  }
0x1ea: {  	v3 =	vld [tilespmem:s30+$0x80];
	_ =	sdelay $0x4  }
0x1eb: {  	v3 =	vmax.f32 v3, $0.0e+00  }
0x1ec: {  	[tilespmem:s20+$0x80] =	vst v3  }
0x1ed: {  	v3 =	vld [tilespmem:s30+$0x90];
	_ =	sdelay $0x4  }
0x1ee: {  	v3 =	vmax.f32 v3, $0.0e+00  }
0x1ef: {  	[tilespmem:s20+$0x90] =	vst v3  }
0x1f0: {  	v3 =	vld [tilespmem:s30+$0xA0];
	_ =	sdelay $0x4  }
0x1f1: {  	v3 =	vmax.f32 v3, $0.0e+00  }
0x1f2: {  	[tilespmem:s20+$0xA0] =	vst v3  }
0x1f3: {  	v3 =	vld [tilespmem:s30+$0xB0];
	_ =	sdelay $0x4  }
0x1f4: {  	v3 =	vmax.f32 v3, $0.0e+00  }
0x1f5: {  	[tilespmem:s20+$0xB0] =	vst v3  }
0x1f6: {  	v3 =	vld [tilespmem:s30+$0xC0];
	_ =	sdelay $0x4  }
0x1f7: {  	v3 =	vmax.f32 v3, $0.0e+00  }
0x1f8: {  	[tilespmem:s20+$0xC0] =	vst v3  }
0x1f9: {  	v3 =	vld [tilespmem:s30+$0xD0];
	_ =	sdelay $0x4  }
0x1fa: {  	v3 =	vmax.f32 v3, $0.0e+00  }
0x1fb: {  	[tilespmem:s20+$0xD0] =	vst v3  }
0x1fc: {  	v3 =	vld [tilespmem:s30+$0xE0];
	_ =	sdelay $0x4  }
0x1fd: {  	v3 =	vmax.f32 v3, $0.0e+00  }
0x1fe: {  	[tilespmem:s20+$0xE0] =	vst v3  }
0x1ff: {  	v3 =	vld [tilespmem:s30+$0xF0];
	_ =	sdelay $0x1  }
.Ltmp1:
0x200: {  	(pc) =	sbr.rel @p2 .LBB2_5-.Ltmp1, $3  }
0x201: {  	_ =	sdelay $0x1  }
0x202: {  	v3 =	vmax.f32 v3, $0.0e+00  }
0x203: {  	s30 =	sadd.s32 $0x200, s30;
	[tilespmem:s20+$0xF0] =	vst v3  }
0x204: {  	s20 =	sadd.s32 s1, s11  }
0x205: {  	[hbm4b:s20+s4] =	stream.linear.scatter [tilespmem:s23], [sflag:$0x6], $0x2000, $0x38;
	[tilespmem:$0x14710] =	vst v63  }
0x206: {  	s20 =	simm.s32 @!p1 $0x8  }
0x207: {  	_ =	swait.ge @!p1 [sflag:s20], $0x2000  }
0x208: {  	[sflag:s20] =	ssyncset.done @!p1 $0x0  }
0x209: {  	[sflag:s20] =	ssyncadd.s32 @!p1 $0xFFFFE000  }
0x20a: {  	v3 =	vld [tilespmem:$0x40D0]  }
0x20b: {  	v4 =	vld [tilespmem:$0x4250]  }
0x20c: {  	v5 =	vld [tilespmem:$0x40E0]  }
0x20d: {  	v6 =	vld [tilespmem:$0x4260]  }
0x20e: {  	v7 =	vld [tilespmem:$0x40F0]  }
0x20f: {  	v62 =	vld [tilespmem:$0x4100];
	v3 =	vsub.s32 v1, v3  }
0x210: {  	v8 =	vld [tilespmem:$0x4270];
	[tilespmem:$0x4490] =	vst v3;
	v3 =	vsub.s32 v2, v4  }
0x211: {  	v63 =	vld [tilespmem:$0x4280];
	[tilespmem:$0x4690] =	vst v3;
	v3 =	vsub.s32 v1, v5  }
0x212: {  	[tilespmem:$0x44A0] =	vst v3;
	v3 =	vsub.s32 v2, v6  }
0x213: {  	[tilespmem:$0x46A0] =	vst v3;
	v3 =	vsub.s32 v1, v7  }
0x214: {  	v1 =	vsub.s32 v1, v62;
	[tilespmem:$0x44B0] =	vst v3  }
0x215: {  	v3 =	vsub.s32 v2, v8;
	[tilespmem:$0x44C0] =	vst v1  }
0x216: {  	v1 =	vsub.s32 v2, v63;
	[tilespmem:$0x46B0] =	vst v3  }
0x217: {  	[tilespmem:$0x46C0] =	vst v1  }
0x218: {  	[tilespmem:s18], [sflag:$0x4] =	stream.indirect.gather [spmem:s2], $0x80, s17, s22, $0xb8;
	[tilespmem:$0x14710] =	vst v63  }
0x219: {  	_ =	swait.ge [sflag:s5], $0x2000  }
0x21a: {  	[sflag:s5] =	ssyncset.done $0x0  }
0x21b: {  	[sflag:s5] =	ssyncadd.s32 $0xFFFFE000  }
0x21c: {  	[tilespmem:s0], [sflag:$0x3] =	stream.indirect.gather.add.f32 [spmem:s3], $0x80, s6, s22, $0xb8;
	[tilespmem:$0x14710] =	vst v63  }
0x21d: {  	_ =	swait.ge [sflag:s5], $0x2000  }
0x21e: {  	[sflag:s5] =	ssyncset.done $0x0  }
0x21f: {  	s29 =	simm.s32 $0x8810;
	[sflag:s5] =	ssyncadd.s32 $0xFFFFE000  }
0x220: {  	v1 =	vld [tilespmem:s29+$0xFFFFFF00];
	_ =	sdelay $0x4  }
0x221: {  	s20 =	simm.s32 $0x10810;
	v1 =	vmax.f32 v1, $0.0e+00  }
0x222: {  	[tilespmem:s20+$0xFFFFFF00] =	vst v1  }
0x223: {  	v1 =	vld [tilespmem:s29+$0xFFFFFF10];
	_ =	sdelay $0x4  }
0x224: {  	v1 =	vmax.f32 v1, $0.0e+00  }
0x225: {  	[tilespmem:s20+$0xFFFFFF10] =	vst v1  }
0x226: {  	v1 =	vld [tilespmem:s29+$0xFFFFFF20];
	_ =	sdelay $0x4  }
0x227: {  	v1 =	vmax.f32 v1, $0.0e+00  }
0x228: {  	[tilespmem:s20+$0xFFFFFF20] =	vst v1  }
0x229: {  	v1 =	vld [tilespmem:s29+$0xFFFFFF30];
	_ =	sdelay $0x4  }
0x22a: {  	v1 =	vmax.f32 v1, $0.0e+00  }
0x22b: {  	[tilespmem:s20+$0xFFFFFF30] =	vst v1  }
0x22c: {  	v1 =	vld [tilespmem:s29+$0xFFFFFF40];
	_ =	sdelay $0x4  }
0x22d: {  	v1 =	vmax.f32 v1, $0.0e+00  }
0x22e: {  	[tilespmem:s20+$0xFFFFFF40] =	vst v1  }
0x22f: {  	v1 =	vld [tilespmem:s29+$0xFFFFFF50];
	_ =	sdelay $0x4  }
0x230: {  	v1 =	vmax.f32 v1, $0.0e+00  }
0x231: {  	[tilespmem:s20+$0xFFFFFF50] =	vst v1  }
0x232: {  	v1 =	vld [tilespmem:s29+$0xFFFFFF60];
	_ =	sdelay $0x4  }
0x233: {  	v1 =	vmax.f32 v1, $0.0e+00  }
0x234: {  	[tilespmem:s20+$0xFFFFFF60] =	vst v1  }
0x235: {  	v1 =	vld [tilespmem:s29+$0xFFFFFF70];
	_ =	sdelay $0x4  }
0x236: {  	v1 =	vmax.f32 v1, $0.0e+00  }
0x237: {  	[tilespmem:s20+$0xFFFFFF70] =	vst v1  }
0x238: {  	v1 =	vld [tilespmem:s29+$0xFFFFFF80];
	_ =	sdelay $0x4  }
0x239: {  	v1 =	vmax.f32 v1, $0.0e+00  }
0x23a: {  	[tilespmem:s20+$0xFFFFFF80] =	vst v1  }
0x23b: {  	v1 =	vld [tilespmem:s29+$0xFFFFFF90];
	_ =	sdelay $0x4  }
0x23c: {  	v1 =	vmax.f32 v1, $0.0e+00  }
0x23d: {  	[tilespmem:s20+$0xFFFFFF90] =	vst v1  }
0x23e: {  	v1 =	vld [tilespmem:s29+$0xFFFFFFA0];
	_ =	sdelay $0x4  }
0x23f: {  	v1 =	vmax.f32 v1, $0.0e+00  }
0x240: {  	[tilespmem:s20+$0xFFFFFFA0] =	vst v1  }
0x241: {  	v1 =	vld [tilespmem:s29+$0xFFFFFFB0];
	_ =	sdelay $0x4  }
0x242: {  	v1 =	vmax.f32 v1, $0.0e+00  }
0x243: {  	[tilespmem:s20+$0xFFFFFFB0] =	vst v1  }
0x244: {  	v1 =	vld [tilespmem:s29+$0xFFFFFFC0];
	_ =	sdelay $0x4  }
0x245: {  	v1 =	vmax.f32 v1, $0.0e+00  }
0x246: {  	[tilespmem:s20+$0xFFFFFFC0] =	vst v1  }
0x247: {  	v1 =	vld [tilespmem:s29+$0xFFFFFFD0];
	_ =	sdelay $0x4  }
0x248: {  	v1 =	vmax.f32 v1, $0.0e+00  }
0x249: {  	[tilespmem:s20+$0xFFFFFFD0] =	vst v1  }
0x24a: {  	v1 =	vld [tilespmem:s29+$0xFFFFFFE0];
	_ =	sdelay $0x4  }
0x24b: {  	v1 =	vmax.f32 v1, $0.0e+00  }
0x24c: {  	[tilespmem:s20+$0xFFFFFFE0] =	vst v1  }
0x24d: {  	v1 =	vld [tilespmem:s29+$0xFFFFFFF0];
	_ =	sdelay $0x4  }
0x24e: {  	v1 =	vmax.f32 v1, $0.0e+00  }
0x24f: {  	[tilespmem:s20+$0xFFFFFFF0] =	vst v1  }
0x250: {  	v1 =	vld [tilespmem:s29+$0x0];
	_ =	sdelay $0x4  }
0x251: {  	v1 =	vmax.f32 v1, $0.0e+00  }
0x252: {  	[tilespmem:s20+$0x0] =	vst v1  }
0x253: {  	v1 =	vld [tilespmem:s29+$0x10];
	_ =	sdelay $0x4  }
0x254: {  	v1 =	vmax.f32 v1, $0.0e+00  }
0x255: {  	[tilespmem:s20+$0x10] =	vst v1  }
0x256: {  	v1 =	vld [tilespmem:s29+$0x20];
	_ =	sdelay $0x4  }
0x257: {  	v1 =	vmax.f32 v1, $0.0e+00  }
0x258: {  	[tilespmem:s20+$0x20] =	vst v1  }
0x259: {  	v1 =	vld [tilespmem:s29+$0x30];
	_ =	sdelay $0x4  }
0x25a: {  	v1 =	vmax.f32 v1, $0.0e+00  }
0x25b: {  	[tilespmem:s20+$0x30] =	vst v1  }
0x25c: {  	v1 =	vld [tilespmem:s29+$0x40];
	_ =	sdelay $0x4  }
0x25d: {  	v1 =	vmax.f32 v1, $0.0e+00  }
0x25e: {  	[tilespmem:s20+$0x40] =	vst v1  }
0x25f: {  	v1 =	vld [tilespmem:s29+$0x50];
	_ =	sdelay $0x4  }
0x260: {  	v1 =	vmax.f32 v1, $0.0e+00  }
0x261: {  	[tilespmem:s20+$0x50] =	vst v1  }
0x262: {  	v1 =	vld [tilespmem:s29+$0x60];
	_ =	sdelay $0x4  }
0x263: {  	v1 =	vmax.f32 v1, $0.0e+00  }
0x264: {  	[tilespmem:s20+$0x60] =	vst v1  }
0x265: {  	v1 =	vld [tilespmem:s29+$0x70];
	_ =	sdelay $0x4  }
0x266: {  	v1 =	vmax.f32 v1, $0.0e+00  }
0x267: {  	[tilespmem:s20+$0x70] =	vst v1  }
0x268: {  	v1 =	vld [tilespmem:s29+$0x80];
	_ =	sdelay $0x4  }
0x269: {  	v1 =	vmax.f32 v1, $0.0e+00  }
0x26a: {  	[tilespmem:s20+$0x80] =	vst v1  }
0x26b: {  	v1 =	vld [tilespmem:s29+$0x90];
	_ =	sdelay $0x4  }
0x26c: {  	v1 =	vmax.f32 v1, $0.0e+00  }
0x26d: {  	[tilespmem:s20+$0x90] =	vst v1  }
0x26e: {  	v1 =	vld [tilespmem:s29+$0xA0];
	_ =	sdelay $0x4  }
0x26f: {  	v1 =	vmax.f32 v1, $0.0e+00  }
0x270: {  	[tilespmem:s20+$0xA0] =	vst v1  }
0x271: {  	v1 =	vld [tilespmem:s29+$0xB0];
	_ =	sdelay $0x4  }
0x272: {  	v1 =	vmax.f32 v1, $0.0e+00  }
0x273: {  	[tilespmem:s20+$0xB0] =	vst v1  }
0x274: {  	v1 =	vld [tilespmem:s29+$0xC0];
	_ =	sdelay $0x4  }
0x275: {  	v1 =	vmax.f32 v1, $0.0e+00  }
0x276: {  	[tilespmem:s20+$0xC0] =	vst v1  }
0x277: {  	v1 =	vld [tilespmem:s29+$0xD0];
	_ =	sdelay $0x4  }
0x278: {  	v1 =	vmax.f32 v1, $0.0e+00  }
0x279: {  	[tilespmem:s20+$0xD0] =	vst v1  }
0x27a: {  	v1 =	vld [tilespmem:s29+$0xE0];
	_ =	sdelay $0x4  }
0x27b: {  	v1 =	vmax.f32 v1, $0.0e+00  }
0x27c: {  	[tilespmem:s20+$0xE0] =	vst v1  }
0x27d: {  	v1 =	vld [tilespmem:s29+$0xF0];
	_ =	sdelay $0x4  }
0x27e: {  	v1 =	vmax.f32 v1, $0.0e+00  }
0x27f: {  	s30 =	simm.s32 $0x8A10;
	s29 =	simm.s32 $0x0;
	[tilespmem:s20+$0xF0] =	vst v1  }
.LBB2_7:
0x280: {  	v1 =	vld [tilespmem:s30+$0xFFFFFF00];
	s29 =	sadd.s32 $0x4, s29  }
0x281: {  	p1 =	slt.u32 s29, $0x3C;
	_ =	sdelay $0x3  }
0x282: {  	s20 =	sadd.s32 $0x200, s20;
	v1 =	vmax.f32 v1, $0.0e+00  }
0x283: {  	[tilespmem:s20+$0xFFFFFF00] =	vst v1  }
0x284: {  	v1 =	vld [tilespmem:s30+$0xFFFFFF10];
	_ =	sdelay $0x4  }
0x285: {  	v1 =	vmax.f32 v1, $0.0e+00  }
0x286: {  	[tilespmem:s20+$0xFFFFFF10] =	vst v1  }
0x287: {  	v1 =	vld [tilespmem:s30+$0xFFFFFF20];
	_ =	sdelay $0x4  }
0x288: {  	v1 =	vmax.f32 v1, $0.0e+00  }
0x289: {  	[tilespmem:s20+$0xFFFFFF20] =	vst v1  }
0x28a: {  	v1 =	vld [tilespmem:s30+$0xFFFFFF30];
	_ =	sdelay $0x4  }
0x28b: {  	v1 =	vmax.f32 v1, $0.0e+00  }
0x28c: {  	[tilespmem:s20+$0xFFFFFF30] =	vst v1  }
0x28d: {  	v1 =	vld [tilespmem:s30+$0xFFFFFF40];
	_ =	sdelay $0x4  }
0x28e: {  	v1 =	vmax.f32 v1, $0.0e+00  }
0x28f: {  	[tilespmem:s20+$0xFFFFFF40] =	vst v1  }
0x290: {  	v1 =	vld [tilespmem:s30+$0xFFFFFF50];
	_ =	sdelay $0x4  }
0x291: {  	v1 =	vmax.f32 v1, $0.0e+00  }
0x292: {  	[tilespmem:s20+$0xFFFFFF50] =	vst v1  }
0x293: {  	v1 =	vld [tilespmem:s30+$0xFFFFFF60];
	_ =	sdelay $0x4  }
0x294: {  	v1 =	vmax.f32 v1, $0.0e+00  }
0x295: {  	[tilespmem:s20+$0xFFFFFF60] =	vst v1  }
0x296: {  	v1 =	vld [tilespmem:s30+$0xFFFFFF70];
	_ =	sdelay $0x4  }
0x297: {  	v1 =	vmax.f32 v1, $0.0e+00  }
0x298: {  	[tilespmem:s20+$0xFFFFFF70] =	vst v1  }
0x299: {  	v1 =	vld [tilespmem:s30+$0xFFFFFF80];
	_ =	sdelay $0x4  }
0x29a: {  	v1 =	vmax.f32 v1, $0.0e+00  }
0x29b: {  	[tilespmem:s20+$0xFFFFFF80] =	vst v1  }
0x29c: {  	v1 =	vld [tilespmem:s30+$0xFFFFFF90];
	_ =	sdelay $0x4  }
0x29d: {  	v1 =	vmax.f32 v1, $0.0e+00  }
0x29e: {  	[tilespmem:s20+$0xFFFFFF90] =	vst v1  }
0x29f: {  	v1 =	vld [tilespmem:s30+$0xFFFFFFA0];
	_ =	sdelay $0x4  }
0x2a0: {  	v1 =	vmax.f32 v1, $0.0e+00  }
0x2a1: {  	[tilespmem:s20+$0xFFFFFFA0] =	vst v1  }
0x2a2: {  	v1 =	vld [tilespmem:s30+$0xFFFFFFB0];
	_ =	sdelay $0x4  }
0x2a3: {  	v1 =	vmax.f32 v1, $0.0e+00  }
0x2a4: {  	[tilespmem:s20+$0xFFFFFFB0] =	vst v1  }
0x2a5: {  	v1 =	vld [tilespmem:s30+$0xFFFFFFC0];
	_ =	sdelay $0x4  }
0x2a6: {  	v1 =	vmax.f32 v1, $0.0e+00  }
0x2a7: {  	[tilespmem:s20+$0xFFFFFFC0] =	vst v1  }
0x2a8: {  	v1 =	vld [tilespmem:s30+$0xFFFFFFD0];
	_ =	sdelay $0x4  }
0x2a9: {  	v1 =	vmax.f32 v1, $0.0e+00  }
0x2aa: {  	[tilespmem:s20+$0xFFFFFFD0] =	vst v1  }
0x2ab: {  	v1 =	vld [tilespmem:s30+$0xFFFFFFE0];
	_ =	sdelay $0x4  }
0x2ac: {  	v1 =	vmax.f32 v1, $0.0e+00  }
0x2ad: {  	[tilespmem:s20+$0xFFFFFFE0] =	vst v1  }
0x2ae: {  	v1 =	vld [tilespmem:s30+$0xFFFFFFF0];
	_ =	sdelay $0x4  }
0x2af: {  	v1 =	vmax.f32 v1, $0.0e+00  }
0x2b0: {  	[tilespmem:s20+$0xFFFFFFF0] =	vst v1  }
0x2b1: {  	v1 =	vld [tilespmem:s30+$0x0];
	_ =	sdelay $0x4  }
0x2b2: {  	v1 =	vmax.f32 v1, $0.0e+00  }
0x2b3: {  	[tilespmem:s20+$0x0] =	vst v1  }
0x2b4: {  	v1 =	vld [tilespmem:s30+$0x10];
	_ =	sdelay $0x4  }
0x2b5: {  	v1 =	vmax.f32 v1, $0.0e+00  }
0x2b6: {  	[tilespmem:s20+$0x10] =	vst v1  }
0x2b7: {  	v1 =	vld [tilespmem:s30+$0x20];
	_ =	sdelay $0x4  }
0x2b8: {  	v1 =	vmax.f32 v1, $0.0e+00  }
0x2b9: {  	[tilespmem:s20+$0x20] =	vst v1  }
0x2ba: {  	v1 =	vld [tilespmem:s30+$0x30];
	_ =	sdelay $0x4  }
0x2bb: {  	v1 =	vmax.f32 v1, $0.0e+00  }
0x2bc: {  	[tilespmem:s20+$0x30] =	vst v1  }
0x2bd: {  	v1 =	vld [tilespmem:s30+$0x40];
	_ =	sdelay $0x4  }
0x2be: {  	v1 =	vmax.f32 v1, $0.0e+00  }
0x2bf: {  	[tilespmem:s20+$0x40] =	vst v1  }
0x2c0: {  	v1 =	vld [tilespmem:s30+$0x50];
	_ =	sdelay $0x4  }
0x2c1: {  	v1 =	vmax.f32 v1, $0.0e+00  }
0x2c2: {  	[tilespmem:s20+$0x50] =	vst v1  }
0x2c3: {  	v1 =	vld [tilespmem:s30+$0x60];
	_ =	sdelay $0x4  }
0x2c4: {  	v1 =	vmax.f32 v1, $0.0e+00  }
0x2c5: {  	[tilespmem:s20+$0x60] =	vst v1  }
0x2c6: {  	v1 =	vld [tilespmem:s30+$0x70];
	_ =	sdelay $0x4  }
0x2c7: {  	v1 =	vmax.f32 v1, $0.0e+00  }
0x2c8: {  	[tilespmem:s20+$0x70] =	vst v1  }
0x2c9: {  	v1 =	vld [tilespmem:s30+$0x80];
	_ =	sdelay $0x4  }
0x2ca: {  	v1 =	vmax.f32 v1, $0.0e+00  }
0x2cb: {  	[tilespmem:s20+$0x80] =	vst v1  }
0x2cc: {  	v1 =	vld [tilespmem:s30+$0x90];
	_ =	sdelay $0x4  }
0x2cd: {  	v1 =	vmax.f32 v1, $0.0e+00  }
0x2ce: {  	[tilespmem:s20+$0x90] =	vst v1  }
0x2cf: {  	v1 =	vld [tilespmem:s30+$0xA0];
	_ =	sdelay $0x4  }
0x2d0: {  	v1 =	vmax.f32 v1, $0.0e+00  }
0x2d1: {  	[tilespmem:s20+$0xA0] =	vst v1  }
0x2d2: {  	v1 =	vld [tilespmem:s30+$0xB0];
	_ =	sdelay $0x4  }
0x2d3: {  	v1 =	vmax.f32 v1, $0.0e+00  }
0x2d4: {  	[tilespmem:s20+$0xB0] =	vst v1  }
0x2d5: {  	v1 =	vld [tilespmem:s30+$0xC0];
	_ =	sdelay $0x4  }
0x2d6: {  	v1 =	vmax.f32 v1, $0.0e+00  }
0x2d7: {  	[tilespmem:s20+$0xC0] =	vst v1  }
0x2d8: {  	v1 =	vld [tilespmem:s30+$0xD0];
	_ =	sdelay $0x4  }
0x2d9: {  	v1 =	vmax.f32 v1, $0.0e+00  }
0x2da: {  	[tilespmem:s20+$0xD0] =	vst v1  }
0x2db: {  	v1 =	vld [tilespmem:s30+$0xE0];
	_ =	sdelay $0x4  }
0x2dc: {  	v1 =	vmax.f32 v1, $0.0e+00  }
0x2dd: {  	[tilespmem:s20+$0xE0] =	vst v1  }
0x2de: {  	v1 =	vld [tilespmem:s30+$0xF0];
	_ =	sdelay $0x1  }
.Ltmp2:
0x2df: {  	(pc) =	sbr.rel @p1 .LBB2_7-.Ltmp2, $3  }
0x2e0: {  	_ =	sdelay $0x1  }
0x2e1: {  	v1 =	vmax.f32 v1, $0.0e+00  }
0x2e2: {  	s30 =	sadd.s32 $0x200, s30;
	[tilespmem:s20+$0xF0] =	vst v1  }
0x2e3: {  	s20 =	sadd.s32 s1, s12  }
0x2e4: {  	[hbm4b:s20+s4] =	stream.linear.scatter [tilespmem:s8], [sflag:$0x7], $0x2000, $0x38;
	[tilespmem:$0x14710] =	vst v63  }
0x2e5: {  	_ =	swait.ge [sflag:s9], $0x2000  }
0x2e6: {  	[sflag:s9] =	ssyncset.done $0x0  }
0x2e7: {  	p1 =	seq.s32 s25, $0x1F;
	s20 =	sadd.s32 $0x1, s25;
	[sflag:s9] =	ssyncadd.s32 $0xFFFFE000  }
0x2e8: {  	v1 =	vld.idx.msk @!p1 [tilespmem:v0+s20+$0x4010 ss:$0x1], $0xffff  }
0x2e9: {  	v2 =	vld.idx.msk @!p1 [tilespmem:v0+s20+$0x4190 ss:$0x1], $0xffff;
	_ =	sdelay $0x3  }
0x2ea: {  	(v2sf) =	vpush @!p1 v1, $0x0  }
0x2eb: {  	(v2sf) =	vpush @!p1 v2, $0x0;
	_ =	sdelay $0xa  }
0x2ec: {  	v1 =	vld @!p1 [tilespmem:$0x4010]  }
0x2ed: {  	v2 =	vld @!p1 [tilespmem:$0x4190]  }
0x2ee: {  	v3 =	vld @!p1 [tilespmem:$0x4020]  }
0x2ef: {  	v4 =	vld @!p1 [tilespmem:$0x41A0];
	s25 =	spop @!p1 (v2sf)  }
0x2f0: {  	v5 =	vld @!p1 [tilespmem:$0x4030];
	s25 =	sadd.s32 @!p1 $0x200, s25;
	s29 =	spop @!p1 (v2sf)  }
0x2f1: {  	v6 =	vld @!p1 [tilespmem:$0x41B0];
	s29 =	sadd.s32 @!p1 $0x200, s29;
	v1 =	vsub.s32 @!p1 s25, v1  }
0x2f2: {  	[tilespmem:$0x4310] =	vst @!p1 v1;
	v1 =	vsub.s32 @!p1 s29, v2;
	v2 =	vld @!p1 [tilespmem:$0x4040]  }
0x2f3: {  	[tilespmem:$0x4510] =	vst @!p1 v1;
	v1 =	vsub.s32 @!p1 s25, v3;
	v3 =	vld @!p1 [tilespmem:$0x41C0]  }
0x2f4: {  	[tilespmem:$0x4320] =	vst @!p1 v1;
	v1 =	vsub.s32 @!p1 s29, v4  }
0x2f5: {  	[tilespmem:$0x4520] =	vst @!p1 v1;
	v1 =	vsub.s32 @!p1 s25, v5  }
0x2f6: {  	[tilespmem:$0x4330] =	vst @!p1 v1;
	v1 =	vsub.s32 @!p1 s29, v6  }
0x2f7: {  	[tilespmem:$0x4530] =	vst @!p1 v1;
	v1 =	vsub.s32 @!p1 s25, v2  }
0x2f8: {  	[tilespmem:$0x4340] =	vst @!p1 v1;
	v1 =	vsub.s32 @!p1 s29, v3  }
0x2f9: {  	s30 =	simm.s32 @!p1 $0x4710;
	s25 =	simm.s32 @!p1 $0x40;
	s29 =	simm.s32 @!p1 $0x4310;
	[tilespmem:$0x4540] =	vst @!p1 v1  }
0x2fa: {  	[tilespmem:s30], [sflag:$0x1] =	stream.indirect.gather @!p1 [spmem:s2], $0x80, s29, s25, $0xb8;
	[tilespmem:$0x14710] =	vst v63  }
0x2fb: {  	_ =	swait.ge [sflag:s14], $0x2000  }
0x2fc: {  	[sflag:s14] =	ssyncset.done $0x0  }
0x2fd: {  	[sflag:s14] =	ssyncadd.s32 $0xFFFFE000  }
0x2fe: {  	[tilespmem:s18], [sflag:$0x4] =	stream.indirect.gather.add.f32 [spmem:s3], $0x80, s15, s22, $0xb8;
	[tilespmem:$0x14710] =	vst v63  }
0x2ff: {  	_ =	swait.ge [sflag:s14], $0x2000  }
0x300: {  	[sflag:s14] =	ssyncset.done $0x0  }
0x301: {  	s29 =	simm.s32 $0xA810;
	[sflag:s14] =	ssyncadd.s32 $0xFFFFE000  }
0x302: {  	v1 =	vld [tilespmem:s29+$0xFFFFFF00];
	_ =	sdelay $0x4  }
0x303: {  	s25 =	simm.s32 $0x12810;
	v1 =	vmax.f32 v1, $0.0e+00  }
0x304: {  	[tilespmem:s25+$0xFFFFFF00] =	vst v1  }
0x305: {  	v1 =	vld [tilespmem:s29+$0xFFFFFF10];
	_ =	sdelay $0x4  }
0x306: {  	v1 =	vmax.f32 v1, $0.0e+00  }
0x307: {  	[tilespmem:s25+$0xFFFFFF10] =	vst v1  }
0x308: {  	v1 =	vld [tilespmem:s29+$0xFFFFFF20];
	_ =	sdelay $0x4  }
0x309: {  	v1 =	vmax.f32 v1, $0.0e+00  }
0x30a: {  	[tilespmem:s25+$0xFFFFFF20] =	vst v1  }
0x30b: {  	v1 =	vld [tilespmem:s29+$0xFFFFFF30];
	_ =	sdelay $0x4  }
0x30c: {  	v1 =	vmax.f32 v1, $0.0e+00  }
0x30d: {  	[tilespmem:s25+$0xFFFFFF30] =	vst v1  }
0x30e: {  	v1 =	vld [tilespmem:s29+$0xFFFFFF40];
	_ =	sdelay $0x4  }
0x30f: {  	v1 =	vmax.f32 v1, $0.0e+00  }
0x310: {  	[tilespmem:s25+$0xFFFFFF40] =	vst v1  }
0x311: {  	v1 =	vld [tilespmem:s29+$0xFFFFFF50];
	_ =	sdelay $0x4  }
0x312: {  	v1 =	vmax.f32 v1, $0.0e+00  }
0x313: {  	[tilespmem:s25+$0xFFFFFF50] =	vst v1  }
0x314: {  	v1 =	vld [tilespmem:s29+$0xFFFFFF60];
	_ =	sdelay $0x4  }
0x315: {  	v1 =	vmax.f32 v1, $0.0e+00  }
0x316: {  	[tilespmem:s25+$0xFFFFFF60] =	vst v1  }
0x317: {  	v1 =	vld [tilespmem:s29+$0xFFFFFF70];
	_ =	sdelay $0x4  }
0x318: {  	v1 =	vmax.f32 v1, $0.0e+00  }
0x319: {  	[tilespmem:s25+$0xFFFFFF70] =	vst v1  }
0x31a: {  	v1 =	vld [tilespmem:s29+$0xFFFFFF80];
	_ =	sdelay $0x4  }
0x31b: {  	v1 =	vmax.f32 v1, $0.0e+00  }
0x31c: {  	[tilespmem:s25+$0xFFFFFF80] =	vst v1  }
0x31d: {  	v1 =	vld [tilespmem:s29+$0xFFFFFF90];
	_ =	sdelay $0x4  }
0x31e: {  	v1 =	vmax.f32 v1, $0.0e+00  }
0x31f: {  	[tilespmem:s25+$0xFFFFFF90] =	vst v1  }
0x320: {  	v1 =	vld [tilespmem:s29+$0xFFFFFFA0];
	_ =	sdelay $0x4  }
0x321: {  	v1 =	vmax.f32 v1, $0.0e+00  }
0x322: {  	[tilespmem:s25+$0xFFFFFFA0] =	vst v1  }
0x323: {  	v1 =	vld [tilespmem:s29+$0xFFFFFFB0];
	_ =	sdelay $0x4  }
0x324: {  	v1 =	vmax.f32 v1, $0.0e+00  }
0x325: {  	[tilespmem:s25+$0xFFFFFFB0] =	vst v1  }
0x326: {  	v1 =	vld [tilespmem:s29+$0xFFFFFFC0];
	_ =	sdelay $0x4  }
0x327: {  	v1 =	vmax.f32 v1, $0.0e+00  }
0x328: {  	[tilespmem:s25+$0xFFFFFFC0] =	vst v1  }
0x329: {  	v1 =	vld [tilespmem:s29+$0xFFFFFFD0];
	_ =	sdelay $0x4  }
0x32a: {  	v1 =	vmax.f32 v1, $0.0e+00  }
0x32b: {  	[tilespmem:s25+$0xFFFFFFD0] =	vst v1  }
0x32c: {  	v1 =	vld [tilespmem:s29+$0xFFFFFFE0];
	_ =	sdelay $0x4  }
0x32d: {  	v1 =	vmax.f32 v1, $0.0e+00  }
0x32e: {  	[tilespmem:s25+$0xFFFFFFE0] =	vst v1  }
0x32f: {  	v1 =	vld [tilespmem:s29+$0xFFFFFFF0];
	_ =	sdelay $0x4  }
0x330: {  	v1 =	vmax.f32 v1, $0.0e+00  }
0x331: {  	[tilespmem:s25+$0xFFFFFFF0] =	vst v1  }
0x332: {  	v1 =	vld [tilespmem:s29+$0x0];
	_ =	sdelay $0x4  }
0x333: {  	v1 =	vmax.f32 v1, $0.0e+00  }
0x334: {  	[tilespmem:s25+$0x0] =	vst v1  }
0x335: {  	v1 =	vld [tilespmem:s29+$0x10];
	_ =	sdelay $0x4  }
0x336: {  	v1 =	vmax.f32 v1, $0.0e+00  }
0x337: {  	[tilespmem:s25+$0x10] =	vst v1  }
0x338: {  	v1 =	vld [tilespmem:s29+$0x20];
	_ =	sdelay $0x4  }
0x339: {  	v1 =	vmax.f32 v1, $0.0e+00  }
0x33a: {  	[tilespmem:s25+$0x20] =	vst v1  }
0x33b: {  	v1 =	vld [tilespmem:s29+$0x30];
	_ =	sdelay $0x4  }
0x33c: {  	v1 =	vmax.f32 v1, $0.0e+00  }
0x33d: {  	[tilespmem:s25+$0x30] =	vst v1  }
0x33e: {  	v1 =	vld [tilespmem:s29+$0x40];
	_ =	sdelay $0x4  }
0x33f: {  	v1 =	vmax.f32 v1, $0.0e+00  }
0x340: {  	[tilespmem:s25+$0x40] =	vst v1  }
0x341: {  	v1 =	vld [tilespmem:s29+$0x50];
	_ =	sdelay $0x4  }
0x342: {  	v1 =	vmax.f32 v1, $0.0e+00  }
0x343: {  	[tilespmem:s25+$0x50] =	vst v1  }
0x344: {  	v1 =	vld [tilespmem:s29+$0x60];
	_ =	sdelay $0x4  }
0x345: {  	v1 =	vmax.f32 v1, $0.0e+00  }
0x346: {  	[tilespmem:s25+$0x60] =	vst v1  }
0x347: {  	v1 =	vld [tilespmem:s29+$0x70];
	_ =	sdelay $0x4  }
0x348: {  	v1 =	vmax.f32 v1, $0.0e+00  }
0x349: {  	[tilespmem:s25+$0x70] =	vst v1  }
0x34a: {  	v1 =	vld [tilespmem:s29+$0x80];
	_ =	sdelay $0x4  }
0x34b: {  	v1 =	vmax.f32 v1, $0.0e+00  }
0x34c: {  	[tilespmem:s25+$0x80] =	vst v1  }
0x34d: {  	v1 =	vld [tilespmem:s29+$0x90];
	_ =	sdelay $0x4  }
0x34e: {  	v1 =	vmax.f32 v1, $0.0e+00  }
0x34f: {  	[tilespmem:s25+$0x90] =	vst v1  }
0x350: {  	v1 =	vld [tilespmem:s29+$0xA0];
	_ =	sdelay $0x4  }
0x351: {  	v1 =	vmax.f32 v1, $0.0e+00  }
0x352: {  	[tilespmem:s25+$0xA0] =	vst v1  }
0x353: {  	v1 =	vld [tilespmem:s29+$0xB0];
	_ =	sdelay $0x4  }
0x354: {  	v1 =	vmax.f32 v1, $0.0e+00  }
0x355: {  	[tilespmem:s25+$0xB0] =	vst v1  }
0x356: {  	v1 =	vld [tilespmem:s29+$0xC0];
	_ =	sdelay $0x4  }
0x357: {  	v1 =	vmax.f32 v1, $0.0e+00  }
0x358: {  	[tilespmem:s25+$0xC0] =	vst v1  }
0x359: {  	v1 =	vld [tilespmem:s29+$0xD0];
	_ =	sdelay $0x4  }
0x35a: {  	v1 =	vmax.f32 v1, $0.0e+00  }
0x35b: {  	[tilespmem:s25+$0xD0] =	vst v1  }
0x35c: {  	v1 =	vld [tilespmem:s29+$0xE0];
	_ =	sdelay $0x4  }
0x35d: {  	v1 =	vmax.f32 v1, $0.0e+00  }
0x35e: {  	[tilespmem:s25+$0xE0] =	vst v1  }
0x35f: {  	v1 =	vld [tilespmem:s29+$0xF0];
	_ =	sdelay $0x4  }
0x360: {  	v1 =	vmax.f32 v1, $0.0e+00  }
0x361: {  	s30 =	simm.s32 $0xAA10;
	s29 =	simm.s32 $0x0;
	[tilespmem:s25+$0xF0] =	vst v1  }
.LBB2_9:
0x362: {  	v1 =	vld [tilespmem:s30+$0xFFFFFF00];
	s29 =	sadd.s32 $0x4, s29  }
0x363: {  	p1 =	slt.u32 s29, $0x3C;
	_ =	sdelay $0x3  }
0x364: {  	s25 =	sadd.s32 $0x200, s25;
	v1 =	vmax.f32 v1, $0.0e+00  }
0x365: {  	[tilespmem:s25+$0xFFFFFF00] =	vst v1  }
0x366: {  	v1 =	vld [tilespmem:s30+$0xFFFFFF10];
	_ =	sdelay $0x4  }
0x367: {  	v1 =	vmax.f32 v1, $0.0e+00  }
0x368: {  	[tilespmem:s25+$0xFFFFFF10] =	vst v1  }
0x369: {  	v1 =	vld [tilespmem:s30+$0xFFFFFF20];
	_ =	sdelay $0x4  }
0x36a: {  	v1 =	vmax.f32 v1, $0.0e+00  }
0x36b: {  	[tilespmem:s25+$0xFFFFFF20] =	vst v1  }
0x36c: {  	v1 =	vld [tilespmem:s30+$0xFFFFFF30];
	_ =	sdelay $0x4  }
0x36d: {  	v1 =	vmax.f32 v1, $0.0e+00  }
0x36e: {  	[tilespmem:s25+$0xFFFFFF30] =	vst v1  }
0x36f: {  	v1 =	vld [tilespmem:s30+$0xFFFFFF40];
	_ =	sdelay $0x4  }
0x370: {  	v1 =	vmax.f32 v1, $0.0e+00  }
0x371: {  	[tilespmem:s25+$0xFFFFFF40] =	vst v1  }
0x372: {  	v1 =	vld [tilespmem:s30+$0xFFFFFF50];
	_ =	sdelay $0x4  }
0x373: {  	v1 =	vmax.f32 v1, $0.0e+00  }
0x374: {  	[tilespmem:s25+$0xFFFFFF50] =	vst v1  }
0x375: {  	v1 =	vld [tilespmem:s30+$0xFFFFFF60];
	_ =	sdelay $0x4  }
0x376: {  	v1 =	vmax.f32 v1, $0.0e+00  }
0x377: {  	[tilespmem:s25+$0xFFFFFF60] =	vst v1  }
0x378: {  	v1 =	vld [tilespmem:s30+$0xFFFFFF70];
	_ =	sdelay $0x4  }
0x379: {  	v1 =	vmax.f32 v1, $0.0e+00  }
0x37a: {  	[tilespmem:s25+$0xFFFFFF70] =	vst v1  }
0x37b: {  	v1 =	vld [tilespmem:s30+$0xFFFFFF80];
	_ =	sdelay $0x4  }
0x37c: {  	v1 =	vmax.f32 v1, $0.0e+00  }
0x37d: {  	[tilespmem:s25+$0xFFFFFF80] =	vst v1  }
0x37e: {  	v1 =	vld [tilespmem:s30+$0xFFFFFF90];
	_ =	sdelay $0x4  }
0x37f: {  	v1 =	vmax.f32 v1, $0.0e+00  }
0x380: {  	[tilespmem:s25+$0xFFFFFF90] =	vst v1  }
0x381: {  	v1 =	vld [tilespmem:s30+$0xFFFFFFA0];
	_ =	sdelay $0x4  }
0x382: {  	v1 =	vmax.f32 v1, $0.0e+00  }
0x383: {  	[tilespmem:s25+$0xFFFFFFA0] =	vst v1  }
0x384: {  	v1 =	vld [tilespmem:s30+$0xFFFFFFB0];
	_ =	sdelay $0x4  }
0x385: {  	v1 =	vmax.f32 v1, $0.0e+00  }
0x386: {  	[tilespmem:s25+$0xFFFFFFB0] =	vst v1  }
0x387: {  	v1 =	vld [tilespmem:s30+$0xFFFFFFC0];
	_ =	sdelay $0x4  }
0x388: {  	v1 =	vmax.f32 v1, $0.0e+00  }
0x389: {  	[tilespmem:s25+$0xFFFFFFC0] =	vst v1  }
0x38a: {  	v1 =	vld [tilespmem:s30+$0xFFFFFFD0];
	_ =	sdelay $0x4  }
0x38b: {  	v1 =	vmax.f32 v1, $0.0e+00  }
0x38c: {  	[tilespmem:s25+$0xFFFFFFD0] =	vst v1  }
0x38d: {  	v1 =	vld [tilespmem:s30+$0xFFFFFFE0];
	_ =	sdelay $0x4  }
0x38e: {  	v1 =	vmax.f32 v1, $0.0e+00  }
0x38f: {  	[tilespmem:s25+$0xFFFFFFE0] =	vst v1  }
0x390: {  	v1 =	vld [tilespmem:s30+$0xFFFFFFF0];
	_ =	sdelay $0x4  }
0x391: {  	v1 =	vmax.f32 v1, $0.0e+00  }
0x392: {  	[tilespmem:s25+$0xFFFFFFF0] =	vst v1  }
0x393: {  	v1 =	vld [tilespmem:s30+$0x0];
	_ =	sdelay $0x4  }
0x394: {  	v1 =	vmax.f32 v1, $0.0e+00  }
0x395: {  	[tilespmem:s25+$0x0] =	vst v1  }
0x396: {  	v1 =	vld [tilespmem:s30+$0x10];
	_ =	sdelay $0x4  }
0x397: {  	v1 =	vmax.f32 v1, $0.0e+00  }
0x398: {  	[tilespmem:s25+$0x10] =	vst v1  }
0x399: {  	v1 =	vld [tilespmem:s30+$0x20];
	_ =	sdelay $0x4  }
0x39a: {  	v1 =	vmax.f32 v1, $0.0e+00  }
0x39b: {  	[tilespmem:s25+$0x20] =	vst v1  }
0x39c: {  	v1 =	vld [tilespmem:s30+$0x30];
	_ =	sdelay $0x4  }
0x39d: {  	v1 =	vmax.f32 v1, $0.0e+00  }
0x39e: {  	[tilespmem:s25+$0x30] =	vst v1  }
0x39f: {  	v1 =	vld [tilespmem:s30+$0x40];
	_ =	sdelay $0x4  }
0x3a0: {  	v1 =	vmax.f32 v1, $0.0e+00  }
0x3a1: {  	[tilespmem:s25+$0x40] =	vst v1  }
0x3a2: {  	v1 =	vld [tilespmem:s30+$0x50];
	_ =	sdelay $0x4  }
0x3a3: {  	v1 =	vmax.f32 v1, $0.0e+00  }
0x3a4: {  	[tilespmem:s25+$0x50] =	vst v1  }
0x3a5: {  	v1 =	vld [tilespmem:s30+$0x60];
	_ =	sdelay $0x4  }
0x3a6: {  	v1 =	vmax.f32 v1, $0.0e+00  }
0x3a7: {  	[tilespmem:s25+$0x60] =	vst v1  }
0x3a8: {  	v1 =	vld [tilespmem:s30+$0x70];
	_ =	sdelay $0x4  }
0x3a9: {  	v1 =	vmax.f32 v1, $0.0e+00  }
0x3aa: {  	[tilespmem:s25+$0x70] =	vst v1  }
0x3ab: {  	v1 =	vld [tilespmem:s30+$0x80];
	_ =	sdelay $0x4  }
0x3ac: {  	v1 =	vmax.f32 v1, $0.0e+00  }
0x3ad: {  	[tilespmem:s25+$0x80] =	vst v1  }
0x3ae: {  	v1 =	vld [tilespmem:s30+$0x90];
	_ =	sdelay $0x4  }
0x3af: {  	v1 =	vmax.f32 v1, $0.0e+00  }
0x3b0: {  	[tilespmem:s25+$0x90] =	vst v1  }
0x3b1: {  	v1 =	vld [tilespmem:s30+$0xA0];
	_ =	sdelay $0x4  }
0x3b2: {  	v1 =	vmax.f32 v1, $0.0e+00  }
0x3b3: {  	[tilespmem:s25+$0xA0] =	vst v1  }
0x3b4: {  	v1 =	vld [tilespmem:s30+$0xB0];
	_ =	sdelay $0x4  }
0x3b5: {  	v1 =	vmax.f32 v1, $0.0e+00  }
0x3b6: {  	[tilespmem:s25+$0xB0] =	vst v1  }
0x3b7: {  	v1 =	vld [tilespmem:s30+$0xC0];
	_ =	sdelay $0x4  }
0x3b8: {  	v1 =	vmax.f32 v1, $0.0e+00  }
0x3b9: {  	[tilespmem:s25+$0xC0] =	vst v1  }
0x3ba: {  	v1 =	vld [tilespmem:s30+$0xD0];
	_ =	sdelay $0x4  }
0x3bb: {  	v1 =	vmax.f32 v1, $0.0e+00  }
0x3bc: {  	[tilespmem:s25+$0xD0] =	vst v1  }
0x3bd: {  	v1 =	vld [tilespmem:s30+$0xE0];
	_ =	sdelay $0x4  }
0x3be: {  	v1 =	vmax.f32 v1, $0.0e+00  }
0x3bf: {  	[tilespmem:s25+$0xE0] =	vst v1  }
0x3c0: {  	v1 =	vld [tilespmem:s30+$0xF0];
	_ =	sdelay $0x1  }
.Ltmp3:
0x3c1: {  	(pc) =	sbr.rel @p1 .LBB2_9-.Ltmp3, $3  }
0x3c2: {  	_ =	sdelay $0x1  }
0x3c3: {  	v1 =	vmax.f32 v1, $0.0e+00  }
0x3c4: {  	s30 =	sadd.s32 $0x200, s30;
	[tilespmem:s25+$0xF0] =	vst v1  }
0x3c5: {  	p1 =	sne.s32 s20, $0x20  }
.Ltmp4:
0x3c6: {  	_ = 	snop;
	(pc) =	sbr.rel @p1 .LBB2_2-.Ltmp4, $3  }
0x3c7: {  	_ =	sdelay $0x1  }
0x3c8: {  	s1 =	sadd.s32 s1, s13;
	s25 =	smov.u32 s20  }
0x3c9: {  	[hbm4b:s1+s4] =	stream.linear.scatter [tilespmem:s16], [sflag:$0x8], $0x2000, $0x38;
	[tilespmem:$0x14710] =	vst v63  }
0x3ca: {  	s1 =	simm.s32 $0x6  }
0x3cb: {  	_ =	swait.ge [sflag:s1], $0x2000  }
0x3cc: {  	[sflag:s1] =	ssyncset.done $0x0  }
0x3cd: {  	s29 =	simm.s32 $0x7;
	[sflag:s1] =	ssyncadd.s32 $0xFFFFE000  }
0x3ce: {  	_ =	swait.ge [sflag:s29], $0x2000  }
0x3cf: {  	[sflag:s29] =	ssyncset.done $0x0  }
0x3d0: {  	s20 =	simm.s32 $0x8;
	[sflag:s29] =	ssyncadd.s32 $0xFFFFE000  }
0x3d1: {  	_ =	swait.ge [sflag:s20], $0x2000  }
0x3d2: {  	s25 =	rddreg [dreg:$0xe]  }
0x3d3: {  	s30 =	rddreg [dreg:$0xb];
	s25 =	sadd.s32 $0x1, s25  }
0x3d4: {  	p1 =	sne.s32 s25, s30  }
.Ltmp5:
0x3d5: {  	_ = 	snop;
	(pc) =	sbr.rel @p1 .LBB2_1-.Ltmp5, $3  }
0x3d6: {  	_ =	sdelay $0x1  }
0x3d7: {  	[sflag:s20] =	ssyncset.done $0x0  }
0x3d8: {  	[sflag:s20] =	ssyncadd.s32 $0xFFFFE000  }
0x3d9: {  	_ =	sfence.sel $0x180000  }
0x3da: {  	[bflag:$0x0] =	sbarrier.arrive $0xFFFF  }
0x3db: {  	_ =	strace $0x90000047  }
0x3dc: {  	[bflag:$0x2] =	sbarrier.arrive $0xFFFF  }
0x3dd: {  	s0 =	rddreg [dreg:$0x6]  }
0x3de: {  	s0 =	sadd.s32 @!p0 $0x100000, s0  }
0x3df: {  	[sflag:s0] =	ssyncadd.tile.s32 @!p0 $0x1;
	_ =	shalt  }
.Lfunc_end2:
_tile_overlayer_lowered:
.L_overlay_start_2:
0x3e0: {  	(tag) =	ssettag $0x2  }
0x3e1: {  	s0 =	rddreg [dreg:$0x0];
	s2 =	stileid.u32  }
0x3e2: {  	s1 =	rddreg [dreg:$0x1];
	p0 =	sne.s32 s2, $0x0  }
0x3e3: {  	s3 =	rddreg [dreg:$0x2];
	[bflag:$0x3] =	sbarrier.arrive $0xFFFF;
	s2 =	simm.s32 @!p0 $0x1C09  }
0x3e4: {  	[timem:s3], [sflag:s2] =	dma.local @!p0 [hbm:s0], s1  }
0x3e5: {  	s0 =	simm.s32 @!p0 $0x9  }
0x3e6: {  	_ =	swait.ge @!p0 [sflag:s0], s1  }
0x3e7: {  	s1 =	ssub.s32 @!p0 $0x0, s1;
	[sflag:s0] =	ssyncset.done @!p0 $0x0  }
0x3e8: {  	[sflag:s0] =	ssyncadd.s32 @!p0 s1  }
0x3e9: {  	[bflag:$0x3] =	sbarrier.arrive $0xFFFF  }
0x3ea: {  	_ =	shalt  }

</sc_bundles>
